<compile_context>
chip_gen: v7x
topology: tpu7x:2x2x1
jax: 0.10.2.dev20260603
libtpu: 0.0.44.dev20260713+nightly
codegen_flags: <defaults>
</compile_context>

<pallas_src>
import functools

import jax
import jax.numpy as jnp
from jax import lax
from jax.experimental import pallas as pl
from jax.experimental.pallas import tpu as pltpu
from jax.experimental.pallas import tpu_sc as plsc

N = 10000
E = 320000
D = 128

NC = 2
NS = 16
NW = NC * NS
N_PAD = 10240
RPT = N_PAD // NS

C = 128
G = 16
KTOT = 160
KA = 144
KB = KTOT - KA
E_PAD = NS * KTOT * C
EA = NS * KA * C

CD = 128
KD = 80

_MESH = plsc.VectorSubcoreMesh(core_axis_name="c", subcore_axis_name="s")


@functools.partial(
    pl.kernel,
    out_type=jax.ShapeDtypeStruct((NC, N_PAD), jnp.float32),
    mesh=_MESH,
    scratch_types=[
        pltpu.VMEM((KD, CD), jnp.int32),
        pltpu.VMEM((CD,), jnp.float32),
        pltpu.VMEM((RPT,), jnp.float32),
        pltpu.VMEM_SHARED((N_PAD,), jnp.float32),
        pltpu.SemaphoreType.DMA,
    ],
)
def _sc_degree(dst_hbm, deg_out, dst_v, ones_v, zero_v, deg_sh, sem):
    cid = lax.axis_index("c")
    sid = lax.axis_index("s")
    wid = cid * NS + sid
    for i in range(CD // 16):
        ones_v[pl.ds(i * 16, 16)] = jnp.ones((16,), jnp.float32)
    for i in range(RPT // 16):
        zero_v[pl.ds(i * 16, 16)] = jnp.zeros((16,), jnp.float32)
    pltpu.sync_copy(zero_v, deg_sh.at[pl.ds(sid * RPT, RPT)])
    plsc.subcore_barrier()
    pltpu.sync_copy(dst_hbm.at[wid], dst_v)

    def body(j, carry):
        pltpu.sync_copy(ones_v, deg_sh.at[dst_v.at[j]], add=True)
        return carry

    lax.fori_loop(0, KD, body, 0)
    plsc.subcore_barrier()
    pltpu.sync_copy(deg_sh.at[pl.ds(sid * RPT, RPT)],
                    deg_out.at[cid, pl.ds(sid * RPT, RPT)])


@functools.partial(
    pl.kernel,
    out_type=jax.ShapeDtypeStruct((NC, N_PAD, D), jnp.float32),
    mesh=_MESH,
    scratch_types=[
        pltpu.VMEM((G, C), jnp.int32),
        pltpu.VMEM((G, C), jnp.int32),
        pltpu.VMEM((C, D), jnp.float32),
        pltpu.VMEM((C, D), jnp.float32),
        pltpu.VMEM_SHARED((N_PAD, D), jnp.float32),
        pltpu.SemaphoreType.DMA,
        pltpu.SemaphoreType.DMA,
    ],
)
def _sc_scatter(y_hbm, src_hbm, dst_hbm, acc_out,
                src_v, dst_v, rows_a, rows_b, acc_sh, sem_a, sem_b):
    cid = lax.axis_index("c")
    sid = lax.axis_index("s")
    wid = cid * NS + sid
    pltpu.sync_copy(y_hbm.at[pl.ds(sid * RPT, RPT)],
                    acc_sh.at[pl.ds(sid * RPT, RPT)])
    plsc.subcore_barrier()

    def group(g, carry):
        pltpu.sync_copy(src_hbm.at[wid, pl.ds(g * G, G)], src_v)
        pltpu.sync_copy(dst_hbm.at[wid, pl.ds(g * G, G)], dst_v)
        pend = pltpu.async_copy(y_hbm.at[src_v.at[0]], rows_a, sem_a)
        for j in range(G):
            cur = rows_a if j % 2 == 0 else rows_b
            pend.wait()
            if j + 1 < G:
                nbuf = rows_b if j % 2 == 0 else rows_a
                nsem = sem_b if j % 2 == 0 else sem_a
                pend = pltpu.async_copy(y_hbm.at[src_v.at[j + 1]],
                                        nbuf, nsem)
            pltpu.sync_copy(cur, acc_sh.at[dst_v.at[j]], add=True)
        return carry

    ngrp = jnp.where(cid == 0, KA // G, KB // G)
    lax.fori_loop(0, ngrp, group, 0)

    plsc.subcore_barrier()
    pltpu.sync_copy(acc_sh.at[pl.ds(sid * RPT, RPT)],
                    acc_out.at[cid, pl.ds(sid * RPT, RPT)])


def _tc_transform_body(da_ref, db_ref, x_ref, w_ref, y_ref, dis_ref):
    deg = da_ref[...] + db_ref[...] + 1.0
    dis = lax.rsqrt(deg)
    dis_ref[...] = dis
    y_ref[...] = dis * jnp.dot(x_ref[...], w_ref[...],
                               preferred_element_type=jnp.float32)


def _tc_transform(deg_a, deg_b, x_pad, w):
    br = 1024
    grid = (N_PAD // br,)
    return pl.pallas_call(
        _tc_transform_body,
        grid=grid,
        in_specs=[
            pl.BlockSpec((br, 1), lambda i: (i, 0)),
            pl.BlockSpec((br, 1), lambda i: (i, 0)),
            pl.BlockSpec((br, D), lambda i: (i, 0)),
            pl.BlockSpec((D, D), lambda i: (0, 0)),
        ],
        out_specs=[
            pl.BlockSpec((br, D), lambda i: (i, 0)),
            pl.BlockSpec((br, 1), lambda i: (i, 0)),
        ],
        out_shape=[
            jax.ShapeDtypeStruct((N_PAD, D), jnp.float32),
            jax.ShapeDtypeStruct((N_PAD, 1), jnp.float32),
        ],
    )(deg_a, deg_b, x_pad, w)


def _tc_final_body(aa_ref, ab_ref, y_ref, dis_ref, b_ref, lw_ref, lb_ref,
                   o_ref):
    s = dis_ref[...] * (aa_ref[...] + ab_ref[...] - y_ref[...]) + b_ref[...]
    h = jnp.tanh(s)
    o_ref[...] = jnp.dot(h, lw_ref[...],
                         preferred_element_type=jnp.float32) + lb_ref[...]


def _tc_final(acc_a, acc_b, y, dis, b2, lin_w, lb2):
    br = 1024
    grid = (N_PAD // br,)
    return pl.pallas_call(
        _tc_final_body,
        grid=grid,
        in_specs=[
            pl.BlockSpec((br, D), lambda i: (i, 0)),
            pl.BlockSpec((br, D), lambda i: (i, 0)),
            pl.BlockSpec((br, D), lambda i: (i, 0)),
            pl.BlockSpec((br, 1), lambda i: (i, 0)),
            pl.BlockSpec((1, D), lambda i: (0, 0)),
            pl.BlockSpec((D, D), lambda i: (0, 0)),
            pl.BlockSpec((1, D), lambda i: (0, 0)),
        ],
        out_specs=pl.BlockSpec((br, D), lambda i: (i, 0)),
        out_shape=jax.ShapeDtypeStruct((N_PAD, D), jnp.float32),
    )(acc_a, acc_b, y, dis, b2, lin_w, lb2)


def kernel(x, edge_index, W, b, lin_W, lin_b):
    src = edge_index[0].astype(jnp.int32)
    dst = edge_index[1].astype(jnp.int32)

    pad = E_PAD - E
    pad_dst = N + (jnp.arange(pad, dtype=jnp.int32) % (N_PAD - N))
    src_p = jnp.concatenate([src, jnp.zeros((pad,), jnp.int32)])
    dst_p = jnp.concatenate([dst, pad_dst])

    deg_p = _sc_degree(dst_p.reshape(NW, KD, CD))

    x_pad = jnp.pad(x, ((0, N_PAD - N), (0, 0)))
    deg_a = deg_p[0].reshape(N_PAD, 1)
    deg_b = deg_p[1].reshape(N_PAD, 1)
    y, dis = _tc_transform(deg_a, deg_b, x_pad, W)

    src_a = src_p[:EA].reshape(NS, KA, C)
    dst_a = dst_p[:EA].reshape(NS, KA, C)
    zpad = ((0, 0), (0, KA - KB), (0, 0))
    src_b = jnp.pad(src_p[EA:].reshape(NS, KB, C), zpad)
    dst_b = jnp.pad(dst_p[EA:].reshape(NS, KB, C), zpad)
    src3 = jnp.concatenate([src_a, src_b])
    dst3 = jnp.concatenate([dst_a, dst_b])
    acc_p = _sc_scatter(y, src3, dst3)

    out = _tc_final(acc_p[0], acc_p[1], y, dis,
                    b.reshape(1, D), lin_W, lin_b.reshape(1, D))
    return out[:N]

# --- scband reference (transcript-rebuilt; emitter-appended) ---
"""Pipeline reference for scband-gcn-single-31327491457680 (READ-ONLY COPY).

The authoritative reference and input builder live on the scoring server;
editing this copy changes nothing except your own understanding.
"""

import jax, jax.numpy as jnp
import numpy as np

N_NODES = 10000
N_EDGES = 320000
D_IN = 128
D_HID = 128
D_OUT = 128


def setup_inputs(seed: int = 0) -> dict:
    key = jax.random.key(seed)
    k1, k2, k3, k4, k5, k6 = jax.random.split(key, 6)
    x = jax.random.normal(k1, (N_NODES, D_IN), dtype=jnp.float32)
    edge_index = jax.random.randint(k2, (2, N_EDGES), 0, N_NODES, dtype=jnp.int64)
    # GCNConv parameters: linear weight (no bias inside lin) + additive bias
    W = jax.random.normal(k3, (D_IN, D_HID), dtype=jnp.float32) * (1.0 / np.sqrt(D_IN))
    b = jnp.zeros((D_HID,), dtype=jnp.float32)
    # output Linear layer
    lin_W = jax.random.normal(k4, (D_HID, D_OUT), dtype=jnp.float32) * (1.0 / np.sqrt(D_HID))
    lin_b = jax.random.normal(k5, (D_OUT,), dtype=jnp.float32) * 0.01
    return {"x": x, "edge_index": edge_index, "W": W, "b": b, "lin_W": lin_W, "lin_b": lin_b}


def reference(x, edge_index, W, b, lin_W, lin_b):
    N = x.shape[0]
    # GCNConv: add self-loops, symmetric normalization
    loop = jnp.arange(N, dtype=edge_index.dtype)
    src = jnp.concatenate([edge_index[0], loop])
    dst = jnp.concatenate([edge_index[1], loop])
    # linear transform first (standard PyG GCNConv order)
    xw = x @ W
    # degree computed on destination with self-loops (edge_weight = 1)
    ones = jnp.ones((src.shape[0],), dtype=x.dtype)
    deg = jax.ops.segment_sum(ones, dst, num_segments=N)
    deg_inv_sqrt = jnp.where(deg > 0, jax.lax.rsqrt(deg), 0.0)
    norm = deg_inv_sqrt[src] * deg_inv_sqrt[dst]
    # gather messages from source nodes, scale, scatter-add to destination
    msg = jnp.take(xw, src, axis=0) * norm[:, None]
    out = jax.ops.segment_sum(msg, dst, num_segments=N)
    out = out + b
    # tanh then output Linear
    out = jnp.tanh(out)
    out = out @ lin_W + lin_b
    return out

if __name__ == "__main__":
    import jax
    _d = setup_inputs()
    print(jax.jit(kernel)(*tuple(_d.values())))

</pallas_src>

<mosaic_0001>
#map = affine_map<(d0, d1) -> (0, 0, 0)>
#map1 = affine_map<(d0, d1) -> (0, 0)>
module attributes {stable_mosaic.version = 14 : i64} {
  func.func @_sc_degree(%arg0: i32, %arg1: i32, %arg2: memref<32x80x128xi32, #tpu.memory_space<hbm>>, %arg3: memref<2x10240xf32, #tpu.memory_space<hbm>>, %arg4: memref<80x128xi32, #tpu.memory_space<vmem>>, %arg5: memref<128xf32, #tpu.memory_space<vmem>>, %arg6: memref<640xf32, #tpu.memory_space<vmem>>, %arg7: memref<10240xf32, #tpu.memory_space<vmem_shared>>, %arg8: memref<!tpu.dma_semaphore, #tpu.memory_space<semaphore_mem>>) attributes {dimension_semantics = [#tpu.dimension_semantics<core_parallel>, #tpu.dimension_semantics<subcore_parallel>], iteration_bounds = array<i64: 2, 16>, scalar_prefetch = 0 : i64, scratch_operands = 5 : i64, tpu.core_type = #tpu.core_type<sc_vector_subcore>, window_params = [{transform_indices = #map}, {transform_indices = #map1}]} {
    %mul3A = arith.constant 16 : i32
    %mul3A_0 = arith.muli %arg0, %mul3A : i32
    %add3A = arith.addi %mul3A_0, %arg1 : i32
    %broadcast_in_dim3A = arith.constant 1.000000e+00 : f32
    %broadcast_in_dim3A_1 = vector.broadcast %broadcast_in_dim3A : f32 to vector<16xf32>
    %swap3A = arith.constant 0 : index
    %swap3A_2 = tpu.vector_load %arg5[%swap3A] {strides = array<i32>} : memref<128xf32, #tpu.memory_space<vmem>>, vector<16xf32>,
    %swap3A_3 = vector.shape_cast %swap3A_2 : vector<16xf32> to vector<16xf32>
    %swap3A_4 = vector.shape_cast %broadcast_in_dim3A_1 : vector<16xf32> to vector<16xf32>
    tpu.vector_store %arg5[%swap3A], %swap3A_4 {strides = array<i32>} : memref<128xf32, #tpu.memory_space<vmem>>, vector<16xf32>,
    %broadcast_in_dim3A_5 = arith.constant 1.000000e+00 : f32
    %broadcast_in_dim3A_6 = vector.broadcast %broadcast_in_dim3A_5 : f32 to vector<16xf32>
    %swap3A_7 = arith.constant 16 : index
    %swap3A_8 = tpu.vector_load %arg5[%swap3A_7] {strides = array<i32>} : memref<128xf32, #tpu.memory_space<vmem>>, vector<16xf32>,
    %swap3A_9 = vector.shape_cast %swap3A_8 : vector<16xf32> to vector<16xf32>
    %swap3A_10 = vector.shape_cast %broadcast_in_dim3A_6 : vector<16xf32> to vector<16xf32>
    tpu.vector_store %arg5[%swap3A_7], %swap3A_10 {strides = array<i32>} : memref<128xf32, #tpu.memory_space<vmem>>, vector<16xf32>,
    %broadcast_in_dim3A_11 = arith.constant 1.000000e+00 : f32
    %broadcast_in_dim3A_12 = vector.broadcast %broadcast_in_dim3A_11 : f32 to vector<16xf32>
    %swap3A_13 = arith.constant 32 : index
    %swap3A_14 = tpu.vector_load %arg5[%swap3A_13] {strides = array<i32>} : memref<128xf32, #tpu.memory_space<vmem>>, vector<16xf32>,
    %swap3A_15 = vector.shape_cast %swap3A_14 : vector<16xf32> to vector<16xf32>
    %swap3A_16 = vector.shape_cast %broadcast_in_dim3A_12 : vector<16xf32> to vector<16xf32>
    tpu.vector_store %arg5[%swap3A_13], %swap3A_16 {strides = array<i32>} : memref<128xf32, #tpu.memory_space<vmem>>, vector<16xf32>,
    %broadcast_in_dim3A_17 = arith.constant 1.000000e+00 : f32
    %broadcast_in_dim3A_18 = vector.broadcast %broadcast_in_dim3A_17 : f32 to vector<16xf32>
    %swap3A_19 = arith.constant 48 : index
    %swap3A_20 = tpu.vector_load %arg5[%swap3A_19] {strides = array<i32>} : memref<128xf32, #tpu.memory_space<vmem>>, vector<16xf32>,
    %swap3A_21 = vector.shape_cast %swap3A_20 : vector<16xf32> to vector<16xf32>
    %swap3A_22 = vector.shape_cast %broadcast_in_dim3A_18 : vector<16xf32> to vector<16xf32>
    tpu.vector_store %arg5[%swap3A_19], %swap3A_22 {strides = array<i32>} : memref<128xf32, #tpu.memory_space<vmem>>, vector<16xf32>,
    %broadcast_in_dim3A_23 = arith.constant 1.000000e+00 : f32
    %broadcast_in_dim3A_24 = vector.broadcast %broadcast_in_dim3A_23 : f32 to vector<16xf32>
    %swap3A_25 = arith.constant 64 : index
    %swap3A_26 = tpu.vector_load %arg5[%swap3A_25] {strides = array<i32>} : memref<128xf32, #tpu.memory_space<vmem>>, vector<16xf32>,
    %swap3A_27 = vector.shape_cast %swap3A_26 : vector<16xf32> to vector<16xf32>
    %swap3A_28 = vector.shape_cast %broadcast_in_dim3A_24 : vector<16xf32> to vector<16xf32>
    tpu.vector_store %arg5[%swap3A_25], %swap3A_28 {strides = array<i32>} : memref<128xf32, #tpu.memory_space<vmem>>, vector<16xf32>,
    %broadcast_in_dim3A_29 = arith.constant 1.000000e+00 : f32
    %broadcast_in_dim3A_30 = vector.broadcast %broadcast_in_dim3A_29 : f32 to vector<16xf32>
    %swap3A_31 = arith.constant 80 : index
    %swap3A_32 = tpu.vector_load %arg5[%swap3A_31] {strides = array<i32>} : memref<128xf32, #tpu.memory_space<vmem>>, vector<16xf32>,
    %swap3A_33 = vector.shape_cast %swap3A_32 : vector<16xf32> to vector<16xf32>
    %swap3A_34 = vector.shape_cast %broadcast_in_dim3A_30 : vector<16xf32> to vector<16xf32>
    tpu.vector_store %arg5[%swap3A_31], %swap3A_34 {strides = array<i32>} : memref<128xf32, #tpu.memory_space<vmem>>, vector<16xf32>,
    %broadcast_in_dim3A_35 = arith.constant 1.000000e+00 : f32
    %broadcast_in_dim3A_36 = vector.broadcast %broadcast_in_dim3A_35 : f32 to vector<16xf32>
    %swap3A_37 = arith.constant 96 : index
    %swap3A_38 = tpu.vector_load %arg5[%swap3A_37] {strides = array<i32>} : memref<128xf32, #tpu.memory_space<vmem>>, vector<16xf32>,
    %swap3A_39 = vector.shape_cast %swap3A_38 : vector<16xf32> to vector<16xf32>
    %swap3A_40 = vector.shape_cast %broadcast_in_dim3A_36 : vector<16xf32> to vector<16xf32>
    tpu.vector_store %arg5[%swap3A_37], %swap3A_40 {strides = array<i32>} : memref<128xf32, #tpu.memory_space<vmem>>, vector<16xf32>,
    %broadcast_in_dim3A_41 = arith.constant 1.000000e+00 : f32
    %broadcast_in_dim3A_42 = vector.broadcast %broadcast_in_dim3A_41 : f32 to vector<16xf32>
    %swap3A_43 = arith.constant 112 : index
    %swap3A_44 = tpu.vector_load %arg5[%swap3A_43] {strides = array<i32>} : memref<128xf32, #tpu.memory_space<vmem>>, vector<16xf32>,
    %swap3A_45 = vector.shape_cast %swap3A_44 : vector<16xf32> to vector<16xf32>
    %swap3A_46 = vector.shape_cast %broadcast_in_dim3A_42 : vector<16xf32> to vector<16xf32>
    tpu.vector_store %arg5[%swap3A_43], %swap3A_46 {strides = array<i32>} : memref<128xf32, #tpu.memory_space<vmem>>, vector<16xf32>,
    %broadcast_in_dim3A_47 = arith.constant 0.000000e+00 : f32
    %broadcast_in_dim3A_48 = vector.broadcast %broadcast_in_dim3A_47 : f32 to vector<16xf32>
    %swap3A_49 = arith.constant 0 : index
    %swap3A_50 = tpu.vector_load %arg6[%swap3A_49] {strides = array<i32>} : memref<640xf32, #tpu.memory_space<vmem>>, vector<16xf32>,
    %swap3A_51 = vector.shape_cast %swap3A_50 : vector<16xf32> to vector<16xf32>
    %swap3A_52 = vector.shape_cast %broadcast_in_dim3A_48 : vector<16xf32> to vector<16xf32>
    tpu.vector_store %arg6[%swap3A_49], %swap3A_52 {strides = array<i32>} : memref<640xf32, #tpu.memory_space<vmem>>, vector<16xf32>,
    %broadcast_in_dim3A_53 = arith.constant 0.000000e+00 : f32
    %broadcast_in_dim3A_54 = vector.broadcast %broadcast_in_dim3A_53 : f32 to vector<16xf32>
    %swap3A_55 = arith.constant 16 : index
    %swap3A_56 = tpu.vector_load %arg6[%swap3A_55] {strides = array<i32>} : memref<640xf32, #tpu.memory_space<vmem>>, vector<16xf32>,
    %swap3A_57 = vector.shape_cast %swap3A_56 : vector<16xf32> to vector<16xf32>
    %swap3A_58 = vector.shape_cast %broadcast_in_dim3A_54 : vector<16xf32> to vector<16xf32>
    tpu.vector_store %arg6[%swap3A_55], %swap3A_58 {strides = array<i32>} : memref<640xf32, #tpu.memory_space<vmem>>, vector<16xf32>,
    %broadcast_in_dim3A_59 = arith.constant 0.000000e+00 : f32
    %broadcast_in_dim3A_60 = vector.broadcast %broadcast_in_dim3A_59 : f32 to vector<16xf32>
    %swap3A_61 = arith.constant 32 : index
    %swap3A_62 = tpu.vector_load %arg6[%swap3A_61] {strides = array<i32>} : memref<640xf32, #tpu.memory_space<vmem>>, vector<16xf32>,
    %swap3A_63 = vector.shape_cast %swap3A_62 : vector<16xf32> to vector<16xf32>
    %swap3A_64 = vector.shape_cast %broadcast_in_dim3A_60 : vector<16xf32> to vector<16xf32>
    tpu.vector_store %arg6[%swap3A_61], %swap3A_64 {strides = array<i32>} : memref<640xf32, #tpu.memory_space<vmem>>, vector<16xf32>,
    %broadcast_in_dim3A_65 = arith.constant 0.000000e+00 : f32
    %broadcast_in_dim3A_66 = vector.broadcast %broadcast_in_dim3A_65 : f32 to vector<16xf32>
    %swap3A_67 = arith.constant 48 : index
    %swap3A_68 = tpu.vector_load %arg6[%swap3A_67] {strides = array<i32>} : memref<640xf32, #tpu.memory_space<vmem>>, vector<16xf32>,
    %swap3A_69 = vector.shape_cast %swap3A_68 : vector<16xf32> to vector<16xf32>
    %swap3A_70 = vector.shape_cast %broadcast_in_dim3A_66 : vector<16xf32> to vector<16xf32>
    tpu.vector_store %arg6[%swap3A_67], %swap3A_70 {strides = array<i32>} : memref<640xf32, #tpu.memory_space<vmem>>, vector<16xf32>,
    %broadcast_in_dim3A_71 = arith.constant 0.000000e+00 : f32
    %broadcast_in_dim3A_72 = vector.broadcast %broadcast_in_dim3A_71 : f32 to vector<16xf32>
    %swap3A_73 = arith.constant 64 : index
    %swap3A_74 = tpu.vector_load %arg6[%swap3A_73] {strides = array<i32>} : memref<640xf32, #tpu.memory_space<vmem>>, vector<16xf32>,
    %swap3A_75 = vector.shape_cast %swap3A_74 : vector<16xf32> to vector<16xf32>
    %swap3A_76 = vector.shape_cast %broadcast_in_dim3A_72 : vector<16xf32> to vector<16xf32>
    tpu.vector_store %arg6[%swap3A_73], %swap3A_76 {strides = array<i32>} : memref<640xf32, #tpu.memory_space<vmem>>, vector<16xf32>,
    %broadcast_in_dim3A_77 = arith.constant 0.000000e+00 : f32
    %broadcast_in_dim3A_78 = vector.broadcast %broadcast_in_dim3A_77 : f32 to vector<16xf32>
    %swap3A_79 = arith.constant 80 : index
    %swap3A_80 = tpu.vector_load %arg6[%swap3A_79] {strides = array<i32>} : memref<640xf32, #tpu.memory_space<vmem>>, vector<16xf32>,
    %swap3A_81 = vector.shape_cast %swap3A_80 : vector<16xf32> to vector<16xf32>
    %swap3A_82 = vector.shape_cast %broadcast_in_dim3A_78 : vector<16xf32> to vector<16xf32>
    tpu.vector_store %arg6[%swap3A_79], %swap3A_82 {strides = array<i32>} : memref<640xf32, #tpu.memory_space<vmem>>, vector<16xf32>,
    %broadcast_in_dim3A_83 = arith.constant 0.000000e+00 : f32
    %broadcast_in_dim3A_84 = vector.broadcast %broadcast_in_dim3A_83 : f32 to vector<16xf32>
    %swap3A_85 = arith.constant 96 : index
    %swap3A_86 = tpu.vector_load %arg6[%swap3A_85] {strides = array<i32>} : memref<640xf32, #tpu.memory_space<vmem>>, vector<16xf32>,
    %swap3A_87 = vector.shape_cast %swap3A_86 : vector<16xf32> to vector<16xf32>
    %swap3A_88 = vector.shape_cast %broadcast_in_dim3A_84 : vector<16xf32> to vector<16xf32>
    tpu.vector_store %arg6[%swap3A_85], %swap3A_88 {strides = array<i32>} : memref<640xf32, #tpu.memory_space<vmem>>, vector<16xf32>,
    %broadcast_in_dim3A_89 = arith.constant 0.000000e+00 : f32
    %broadcast_in_dim3A_90 = vector.broadcast %broadcast_in_dim3A_89 : f32 to vector<16xf32>
    %swap3A_91 = arith.constant 112 : index
    %swap3A_92 = tpu.vector_load %arg6[%swap3A_91] {strides = array<i32>} : memref<640xf32, #tpu.memory_space<vmem>>, vector<16xf32>,
    %swap3A_93 = vector.shape_cast %swap3A_92 : vector<16xf32> to vector<16xf32>
    %swap3A_94 = vector.shape_cast %broadcast_in_dim3A_90 : vector<16xf32> to vector<16xf32>
    tpu.vector_store %arg6[%swap3A_91], %swap3A_94 {strides = array<i32>} : memref<640xf32, #tpu.memory_space<vmem>>, vector<16xf32>,
    %broadcast_in_dim3A_95 = arith.constant 0.000000e+00 : f32
    %broadcast_in_dim3A_96 = vector.broadcast %broadcast_in_dim3A_95 : f32 to vector<16xf32>
    %swap3A_97 = arith.constant 128 : index
    %swap3A_98 = tpu.vector_load %arg6[%swap3A_97] {strides = array<i32>} : memref<640xf32, #tpu.memory_space<vmem>>, vector<16xf32>,
    %swap3A_99 = vector.shape_cast %swap3A_98 : vector<16xf32> to vector<16xf32>
    %swap3A_100 = vector.shape_cast %broadcast_in_dim3A_96 : vector<16xf32> to vector<16xf32>
    tpu.vector_store %arg6[%swap3A_97], %swap3A_100 {strides = array<i32>} : memref<640xf32, #tpu.memory_space<vmem>>, vector<16xf32>,
    %broadcast_in_dim3A_101 = arith.constant 0.000000e+00 : f32
    %broadcast_in_dim3A_102 = vector.broadcast %broadcast_in_dim3A_101 : f32 to vector<16xf32>
    %swap3A_103 = arith.constant 144 : index
    %swap3A_104 = tpu.vector_load %arg6[%swap3A_103] {strides = array<i32>} : memref<640xf32, #tpu.memory_space<vmem>>, vector<16xf32>,
    %swap3A_105 = vector.shape_cast %swap3A_104 : vector<16xf32> to vector<16xf32>
    %swap3A_106 = vector.shape_cast %broadcast_in_dim3A_102 : vector<16xf32> to vector<16xf32>
    tpu.vector_store %arg6[%swap3A_103], %swap3A_106 {strides = array<i32>} : memref<640xf32, #tpu.memory_space<vmem>>, vector<16xf32>,
    %broadcast_in_dim3A_107 = arith.constant 0.000000e+00 : f32
    %broadcast_in_dim3A_108 = vector.broadcast %broadcast_in_dim3A_107 : f32 to vector<16xf32>
    %swap3A_109 = arith.constant 160 : index
    %swap3A_110 = tpu.vector_load %arg6[%swap3A_109] {strides = array<i32>} : memref<640xf32, #tpu.memory_space<vmem>>, vector<16xf32>,
    %swap3A_111 = vector.shape_cast %swap3A_110 : vector<16xf32> to vector<16xf32>
    %swap3A_112 = vector.shape_cast %broadcast_in_dim3A_108 : vector<16xf32> to vector<16xf32>
    tpu.vector_store %arg6[%swap3A_109], %swap3A_112 {strides = array<i32>} : memref<640xf32, #tpu.memory_space<vmem>>, vector<16xf32>,
    %broadcast_in_dim3A_113 = arith.constant 0.000000e+00 : f32
    %broadcast_in_dim3A_114 = vector.broadcast %broadcast_in_dim3A_113 : f32 to vector<16xf32>
    %swap3A_115 = arith.constant 176 : index
    %swap3A_116 = tpu.vector_load %arg6[%swap3A_115] {strides = array<i32>} : memref<640xf32, #tpu.memory_space<vmem>>, vector<16xf32>,
    %swap3A_117 = vector.shape_cast %swap3A_116 : vector<16xf32> to vector<16xf32>
    %swap3A_118 = vector.shape_cast %broadcast_in_dim3A_114 : vector<16xf32> to vector<16xf32>
    tpu.vector_store %arg6[%swap3A_115], %swap3A_118 {strides = array<i32>} : memref<640xf32, #tpu.memory_space<vmem>>, vector<16xf32>,
    %broadcast_in_dim3A_119 = arith.constant 0.000000e+00 : f32
    %broadcast_in_dim3A_120 = vector.broadcast %broadcast_in_dim3A_119 : f32 to vector<16xf32>
    %swap3A_121 = arith.constant 192 : index
    %swap3A_122 = tpu.vector_load %arg6[%swap3A_121] {strides = array<i32>} : memref<640xf32, #tpu.memory_space<vmem>>, vector<16xf32>,
    %swap3A_123 = vector.shape_cast %swap3A_122 : vector<16xf32> to vector<16xf32>
    %swap3A_124 = vector.shape_cast %broadcast_in_dim3A_120 : vector<16xf32> to vector<16xf32>
    tpu.vector_store %arg6[%swap3A_121], %swap3A_124 {strides = array<i32>} : memref<640xf32, #tpu.memory_space<vmem>>, vector<16xf32>,
    %broadcast_in_dim3A_125 = arith.constant 0.000000e+00 : f32
    %broadcast_in_dim3A_126 = vector.broadcast %broadcast_in_dim3A_125 : f32 to vector<16xf32>
    %swap3A_127 = arith.constant 208 : index
    %swap3A_128 = tpu.vector_load %arg6[%swap3A_127] {strides = array<i32>} : memref<640xf32, #tpu.memory_space<vmem>>, vector<16xf32>,
    %swap3A_129 = vector.shape_cast %swap3A_128 : vector<16xf32> to vector<16xf32>
    %swap3A_130 = vector.shape_cast %broadcast_in_dim3A_126 : vector<16xf32> to vector<16xf32>
    tpu.vector_store %arg6[%swap3A_127], %swap3A_130 {strides = array<i32>} : memref<640xf32, #tpu.memory_space<vmem>>, vector<16xf32>,
    %broadcast_in_dim3A_131 = arith.constant 0.000000e+00 : f32
    %broadcast_in_dim3A_132 = vector.broadcast %broadcast_in_dim3A_131 : f32 to vector<16xf32>
    %swap3A_133 = arith.constant 224 : index
    %swap3A_134 = tpu.vector_load %arg6[%swap3A_133] {strides = array<i32>} : memref<640xf32, #tpu.memory_space<vmem>>, vector<16xf32>,
    %swap3A_135 = vector.shape_cast %swap3A_134 : vector<16xf32> to vector<16xf32>
    %swap3A_136 = vector.shape_cast %broadcast_in_dim3A_132 : vector<16xf32> to vector<16xf32>
    tpu.vector_store %arg6[%swap3A_133], %swap3A_136 {strides = array<i32>} : memref<640xf32, #tpu.memory_space<vmem>>, vector<16xf32>,
    %broadcast_in_dim3A_137 = arith.constant 0.000000e+00 : f32
    %broadcast_in_dim3A_138 = vector.broadcast %broadcast_in_dim3A_137 : f32 to vector<16xf32>
    %swap3A_139 = arith.constant 240 : index
    %swap3A_140 = tpu.vector_load %arg6[%swap3A_139] {strides = array<i32>} : memref<640xf32, #tpu.memory_space<vmem>>, vector<16xf32>,
    %swap3A_141 = vector.shape_cast %swap3A_140 : vector<16xf32> to vector<16xf32>
    %swap3A_142 = vector.shape_cast %broadcast_in_dim3A_138 : vector<16xf32> to vector<16xf32>
    tpu.vector_store %arg6[%swap3A_139], %swap3A_142 {strides = array<i32>} : memref<640xf32, #tpu.memory_space<vmem>>, vector<16xf32>,
    %broadcast_in_dim3A_143 = arith.constant 0.000000e+00 : f32
    %broadcast_in_dim3A_144 = vector.broadcast %broadcast_in_dim3A_143 : f32 to vector<16xf32>
    %swap3A_145 = arith.constant 256 : index
    %swap3A_146 = tpu.vector_load %arg6[%swap3A_145] {strides = array<i32>} : memref<640xf32, #tpu.memory_space<vmem>>, vector<16xf32>,
    %swap3A_147 = vector.shape_cast %swap3A_146 : vector<16xf32> to vector<16xf32>
    %swap3A_148 = vector.shape_cast %broadcast_in_dim3A_144 : vector<16xf32> to vector<16xf32>
    tpu.vector_store %arg6[%swap3A_145], %swap3A_148 {strides = array<i32>} : memref<640xf32, #tpu.memory_space<vmem>>, vector<16xf32>,
    %broadcast_in_dim3A_149 = arith.constant 0.000000e+00 : f32
    %broadcast_in_dim3A_150 = vector.broadcast %broadcast_in_dim3A_149 : f32 to vector<16xf32>
    %swap3A_151 = arith.constant 272 : index
    %swap3A_152 = tpu.vector_load %arg6[%swap3A_151] {strides = array<i32>} : memref<640xf32, #tpu.memory_space<vmem>>, vector<16xf32>,
    %swap3A_153 = vector.shape_cast %swap3A_152 : vector<16xf32> to vector<16xf32>
    %swap3A_154 = vector.shape_cast %broadcast_in_dim3A_150 : vector<16xf32> to vector<16xf32>
    tpu.vector_store %arg6[%swap3A_151], %swap3A_154 {strides = array<i32>} : memref<640xf32, #tpu.memory_space<vmem>>, vector<16xf32>,
    %broadcast_in_dim3A_155 = arith.constant 0.000000e+00 : f32
    %broadcast_in_dim3A_156 = vector.broadcast %broadcast_in_dim3A_155 : f32 to vector<16xf32>
    %swap3A_157 = arith.constant 288 : index
    %swap3A_158 = tpu.vector_load %arg6[%swap3A_157] {strides = array<i32>} : memref<640xf32, #tpu.memory_space<vmem>>, vector<16xf32>,
    %swap3A_159 = vector.shape_cast %swap3A_158 : vector<16xf32> to vector<16xf32>
    %swap3A_160 = vector.shape_cast %broadcast_in_dim3A_156 : vector<16xf32> to vector<16xf32>
    tpu.vector_store %arg6[%swap3A_157], %swap3A_160 {strides = array<i32>} : memref<640xf32, #tpu.memory_space<vmem>>, vector<16xf32>,
    %broadcast_in_dim3A_161 = arith.constant 0.000000e+00 : f32
    %broadcast_in_dim3A_162 = vector.broadcast %broadcast_in_dim3A_161 : f32 to vector<16xf32>
    %swap3A_163 = arith.constant 304 : index
    %swap3A_164 = tpu.vector_load %arg6[%swap3A_163] {strides = array<i32>} : memref<640xf32, #tpu.memory_space<vmem>>, vector<16xf32>,
    %swap3A_165 = vector.shape_cast %swap3A_164 : vector<16xf32> to vector<16xf32>
    %swap3A_166 = vector.shape_cast %broadcast_in_dim3A_162 : vector<16xf32> to vector<16xf32>
    tpu.vector_store %arg6[%swap3A_163], %swap3A_166 {strides = array<i32>} : memref<640xf32, #tpu.memory_space<vmem>>, vector<16xf32>,
    %broadcast_in_dim3A_167 = arith.constant 0.000000e+00 : f32
    %broadcast_in_dim3A_168 = vector.broadcast %broadcast_in_dim3A_167 : f32 to vector<16xf32>
    %swap3A_169 = arith.constant 320 : index
    %swap3A_170 = tpu.vector_load %arg6[%swap3A_169] {strides = array<i32>} : memref<640xf32, #tpu.memory_space<vmem>>, vector<16xf32>,
    %swap3A_171 = vector.shape_cast %swap3A_170 : vector<16xf32> to vector<16xf32>
    %swap3A_172 = vector.shape_cast %broadcast_in_dim3A_168 : vector<16xf32> to vector<16xf32>
    tpu.vector_store %arg6[%swap3A_169], %swap3A_172 {strides = array<i32>} : memref<640xf32, #tpu.memory_space<vmem>>, vector<16xf32>,
    %broadcast_in_dim3A_173 = arith.constant 0.000000e+00 : f32
    %broadcast_in_dim3A_174 = vector.broadcast %broadcast_in_dim3A_173 : f32 to vector<16xf32>
    %swap3A_175 = arith.constant 336 : index
    %swap3A_176 = tpu.vector_load %arg6[%swap3A_175] {strides = array<i32>} : memref<640xf32, #tpu.memory_space<vmem>>, vector<16xf32>,
    %swap3A_177 = vector.shape_cast %swap3A_176 : vector<16xf32> to vector<16xf32>
    %swap3A_178 = vector.shape_cast %broadcast_in_dim3A_174 : vector<16xf32> to vector<16xf32>
    tpu.vector_store %arg6[%swap3A_175], %swap3A_178 {strides = array<i32>} : memref<640xf32, #tpu.memory_space<vmem>>, vector<16xf32>,
    %broadcast_in_dim3A_179 = arith.constant 0.000000e+00 : f32
    %broadcast_in_dim3A_180 = vector.broadcast %broadcast_in_dim3A_179 : f32 to vector<16xf32>
    %swap3A_181 = arith.constant 352 : index
    %swap3A_182 = tpu.vector_load %arg6[%swap3A_181] {strides = array<i32>} : memref<640xf32, #tpu.memory_space<vmem>>, vector<16xf32>,
    %swap3A_183 = vector.shape_cast %swap3A_182 : vector<16xf32> to vector<16xf32>
    %swap3A_184 = vector.shape_cast %broadcast_in_dim3A_180 : vector<16xf32> to vector<16xf32>
    tpu.vector_store %arg6[%swap3A_181], %swap3A_184 {strides = array<i32>} : memref<640xf32, #tpu.memory_space<vmem>>, vector<16xf32>,
    %broadcast_in_dim3A_185 = arith.constant 0.000000e+00 : f32
    %broadcast_in_dim3A_186 = vector.broadcast %broadcast_in_dim3A_185 : f32 to vector<16xf32>
    %swap3A_187 = arith.constant 368 : index
    %swap3A_188 = tpu.vector_load %arg6[%swap3A_187] {strides = array<i32>} : memref<640xf32, #tpu.memory_space<vmem>>, vector<16xf32>,
    %swap3A_189 = vector.shape_cast %swap3A_188 : vector<16xf32> to vector<16xf32>
    %swap3A_190 = vector.shape_cast %broadcast_in_dim3A_186 : vector<16xf32> to vector<16xf32>
    tpu.vector_store %arg6[%swap3A_187], %swap3A_190 {strides = array<i32>} : memref<640xf32, #tpu.memory_space<vmem>>, vector<16xf32>,
    %broadcast_in_dim3A_191 = arith.constant 0.000000e+00 : f32
    %broadcast_in_dim3A_192 = vector.broadcast %broadcast_in_dim3A_191 : f32 to vector<16xf32>
    %swap3A_193 = arith.constant 384 : index
    %swap3A_194 = tpu.vector_load %arg6[%swap3A_193] {strides = array<i32>} : memref<640xf32, #tpu.memory_space<vmem>>, vector<16xf32>,
    %swap3A_195 = vector.shape_cast %swap3A_194 : vector<16xf32> to vector<16xf32>
    %swap3A_196 = vector.shape_cast %broadcast_in_dim3A_192 : vector<16xf32> to vector<16xf32>
    tpu.vector_store %arg6[%swap3A_193], %swap3A_196 {strides = array<i32>} : memref<640xf32, #tpu.memory_space<vmem>>, vector<16xf32>,
    %broadcast_in_dim3A_197 = arith.constant 0.000000e+00 : f32
    %broadcast_in_dim3A_198 = vector.broadcast %broadcast_in_dim3A_197 : f32 to vector<16xf32>
    %swap3A_199 = arith.constant 400 : index
    %swap3A_200 = tpu.vector_load %arg6[%swap3A_199] {strides = array<i32>} : memref<640xf32, #tpu.memory_space<vmem>>, vector<16xf32>,
    %swap3A_201 = vector.shape_cast %swap3A_200 : vector<16xf32> to vector<16xf32>
    %swap3A_202 = vector.shape_cast %broadcast_in_dim3A_198 : vector<16xf32> to vector<16xf32>
    tpu.vector_store %arg6[%swap3A_199], %swap3A_202 {strides = array<i32>} : memref<640xf32, #tpu.memory_space<vmem>>, vector<16xf32>,
    %broadcast_in_dim3A_203 = arith.constant 0.000000e+00 : f32
    %broadcast_in_dim3A_204 = vector.broadcast %broadcast_in_dim3A_203 : f32 to vector<16xf32>
    %swap3A_205 = arith.constant 416 : index
    %swap3A_206 = tpu.vector_load %arg6[%swap3A_205] {strides = array<i32>} : memref<640xf32, #tpu.memory_space<vmem>>, vector<16xf32>,
    %swap3A_207 = vector.shape_cast %swap3A_206 : vector<16xf32> to vector<16xf32>
    %swap3A_208 = vector.shape_cast %broadcast_in_dim3A_204 : vector<16xf32> to vector<16xf32>
    tpu.vector_store %arg6[%swap3A_205], %swap3A_208 {strides = array<i32>} : memref<640xf32, #tpu.memory_space<vmem>>, vector<16xf32>,
    %broadcast_in_dim3A_209 = arith.constant 0.000000e+00 : f32
    %broadcast_in_dim3A_210 = vector.broadcast %broadcast_in_dim3A_209 : f32 to vector<16xf32>
    %swap3A_211 = arith.constant 432 : index
    %swap3A_212 = tpu.vector_load %arg6[%swap3A_211] {strides = array<i32>} : memref<640xf32, #tpu.memory_space<vmem>>, vector<16xf32>,
    %swap3A_213 = vector.shape_cast %swap3A_212 : vector<16xf32> to vector<16xf32>
    %swap3A_214 = vector.shape_cast %broadcast_in_dim3A_210 : vector<16xf32> to vector<16xf32>
    tpu.vector_store %arg6[%swap3A_211], %swap3A_214 {strides = array<i32>} : memref<640xf32, #tpu.memory_space<vmem>>, vector<16xf32>,
    %broadcast_in_dim3A_215 = arith.constant 0.000000e+00 : f32
    %broadcast_in_dim3A_216 = vector.broadcast %broadcast_in_dim3A_215 : f32 to vector<16xf32>
    %swap3A_217 = arith.constant 448 : index
    %swap3A_218 = tpu.vector_load %arg6[%swap3A_217] {strides = array<i32>} : memref<640xf32, #tpu.memory_space<vmem>>, vector<16xf32>,
    %swap3A_219 = vector.shape_cast %swap3A_218 : vector<16xf32> to vector<16xf32>
    %swap3A_220 = vector.shape_cast %broadcast_in_dim3A_216 : vector<16xf32> to vector<16xf32>
    tpu.vector_store %arg6[%swap3A_217], %swap3A_220 {strides = array<i32>} : memref<640xf32, #tpu.memory_space<vmem>>, vector<16xf32>,
    %broadcast_in_dim3A_221 = arith.constant 0.000000e+00 : f32
    %broadcast_in_dim3A_222 = vector.broadcast %broadcast_in_dim3A_221 : f32 to vector<16xf32>
    %swap3A_223 = arith.constant 464 : index
    %swap3A_224 = tpu.vector_load %arg6[%swap3A_223] {strides = array<i32>} : memref<640xf32, #tpu.memory_space<vmem>>, vector<16xf32>,
    %swap3A_225 = vector.shape_cast %swap3A_224 : vector<16xf32> to vector<16xf32>
    %swap3A_226 = vector.shape_cast %broadcast_in_dim3A_222 : vector<16xf32> to vector<16xf32>
    tpu.vector_store %arg6[%swap3A_223], %swap3A_226 {strides = array<i32>} : memref<640xf32, #tpu.memory_space<vmem>>, vector<16xf32>,
    %broadcast_in_dim3A_227 = arith.constant 0.000000e+00 : f32
    %broadcast_in_dim3A_228 = vector.broadcast %broadcast_in_dim3A_227 : f32 to vector<16xf32>
    %swap3A_229 = arith.constant 480 : index
    %swap3A_230 = tpu.vector_load %arg6[%swap3A_229] {strides = array<i32>} : memref<640xf32, #tpu.memory_space<vmem>>, vector<16xf32>,
    %swap3A_231 = vector.shape_cast %swap3A_230 : vector<16xf32> to vector<16xf32>
    %swap3A_232 = vector.shape_cast %broadcast_in_dim3A_228 : vector<16xf32> to vector<16xf32>
    tpu.vector_store %arg6[%swap3A_229], %swap3A_232 {strides = array<i32>} : memref<640xf32, #tpu.memory_space<vmem>>, vector<16xf32>,
    %broadcast_in_dim3A_233 = arith.constant 0.000000e+00 : f32
    %broadcast_in_dim3A_234 = vector.broadcast %broadcast_in_dim3A_233 : f32 to vector<16xf32>
    %swap3A_235 = arith.constant 496 : index
    %swap3A_236 = tpu.vector_load %arg6[%swap3A_235] {strides = array<i32>} : memref<640xf32, #tpu.memory_space<vmem>>, vector<16xf32>,
    %swap3A_237 = vector.shape_cast %swap3A_236 : vector<16xf32> to vector<16xf32>
    %swap3A_238 = vector.shape_cast %broadcast_in_dim3A_234 : vector<16xf32> to vector<16xf32>
    tpu.vector_store %arg6[%swap3A_235], %swap3A_238 {strides = array<i32>} : memref<640xf32, #tpu.memory_space<vmem>>, vector<16xf32>,
    %broadcast_in_dim3A_239 = arith.constant 0.000000e+00 : f32
    %broadcast_in_dim3A_240 = vector.broadcast %broadcast_in_dim3A_239 : f32 to vector<16xf32>
    %swap3A_241 = arith.constant 512 : index
    %swap3A_242 = tpu.vector_load %arg6[%swap3A_241] {strides = array<i32>} : memref<640xf32, #tpu.memory_space<vmem>>, vector<16xf32>,
    %swap3A_243 = vector.shape_cast %swap3A_242 : vector<16xf32> to vector<16xf32>
    %swap3A_244 = vector.shape_cast %broadcast_in_dim3A_240 : vector<16xf32> to vector<16xf32>
    tpu.vector_store %arg6[%swap3A_241], %swap3A_244 {strides = array<i32>} : memref<640xf32, #tpu.memory_space<vmem>>, vector<16xf32>,
    %broadcast_in_dim3A_245 = arith.constant 0.000000e+00 : f32
    %broadcast_in_dim3A_246 = vector.broadcast %broadcast_in_dim3A_245 : f32 to vector<16xf32>
    %swap3A_247 = arith.constant 528 : index
    %swap3A_248 = tpu.vector_load %arg6[%swap3A_247] {strides = array<i32>} : memref<640xf32, #tpu.memory_space<vmem>>, vector<16xf32>,
    %swap3A_249 = vector.shape_cast %swap3A_248 : vector<16xf32> to vector<16xf32>
    %swap3A_250 = vector.shape_cast %broadcast_in_dim3A_246 : vector<16xf32> to vector<16xf32>
    tpu.vector_store %arg6[%swap3A_247], %swap3A_250 {strides = array<i32>} : memref<640xf32, #tpu.memory_space<vmem>>, vector<16xf32>,
    %broadcast_in_dim3A_251 = arith.constant 0.000000e+00 : f32
    %broadcast_in_dim3A_252 = vector.broadcast %broadcast_in_dim3A_251 : f32 to vector<16xf32>
    %swap3A_253 = arith.constant 544 : index
    %swap3A_254 = tpu.vector_load %arg6[%swap3A_253] {strides = array<i32>} : memref<640xf32, #tpu.memory_space<vmem>>, vector<16xf32>,
    %swap3A_255 = vector.shape_cast %swap3A_254 : vector<16xf32> to vector<16xf32>
    %swap3A_256 = vector.shape_cast %broadcast_in_dim3A_252 : vector<16xf32> to vector<16xf32>
    tpu.vector_store %arg6[%swap3A_253], %swap3A_256 {strides = array<i32>} : memref<640xf32, #tpu.memory_space<vmem>>, vector<16xf32>,
    %broadcast_in_dim3A_257 = arith.constant 0.000000e+00 : f32
    %broadcast_in_dim3A_258 = vector.broadcast %broadcast_in_dim3A_257 : f32 to vector<16xf32>
    %swap3A_259 = arith.constant 560 : index
    %swap3A_260 = tpu.vector_load %arg6[%swap3A_259] {strides = array<i32>} : memref<640xf32, #tpu.memory_space<vmem>>, vector<16xf32>,
    %swap3A_261 = vector.shape_cast %swap3A_260 : vector<16xf32> to vector<16xf32>
    %swap3A_262 = vector.shape_cast %broadcast_in_dim3A_258 : vector<16xf32> to vector<16xf32>
    tpu.vector_store %arg6[%swap3A_259], %swap3A_262 {strides = array<i32>} : memref<640xf32, #tpu.memory_space<vmem>>, vector<16xf32>,
    %broadcast_in_dim3A_263 = arith.constant 0.000000e+00 : f32
    %broadcast_in_dim3A_264 = vector.broadcast %broadcast_in_dim3A_263 : f32 to vector<16xf32>
    %swap3A_265 = arith.constant 576 : index
    %swap3A_266 = tpu.vector_load %arg6[%swap3A_265] {strides = array<i32>} : memref<640xf32, #tpu.memory_space<vmem>>, vector<16xf32>,
    %swap3A_267 = vector.shape_cast %swap3A_266 : vector<16xf32> to vector<16xf32>
    %swap3A_268 = vector.shape_cast %broadcast_in_dim3A_264 : vector<16xf32> to vector<16xf32>
    tpu.vector_store %arg6[%swap3A_265], %swap3A_268 {strides = array<i32>} : memref<640xf32, #tpu.memory_space<vmem>>, vector<16xf32>,
    %broadcast_in_dim3A_269 = arith.constant 0.000000e+00 : f32
    %broadcast_in_dim3A_270 = vector.broadcast %broadcast_in_dim3A_269 : f32 to vector<16xf32>
    %swap3A_271 = arith.constant 592 : index
    %swap3A_272 = tpu.vector_load %arg6[%swap3A_271] {strides = array<i32>} : memref<640xf32, #tpu.memory_space<vmem>>, vector<16xf32>,
    %swap3A_273 = vector.shape_cast %swap3A_272 : vector<16xf32> to vector<16xf32>
    %swap3A_274 = vector.shape_cast %broadcast_in_dim3A_270 : vector<16xf32> to vector<16xf32>
    tpu.vector_store %arg6[%swap3A_271], %swap3A_274 {strides = array<i32>} : memref<640xf32, #tpu.memory_space<vmem>>, vector<16xf32>,
    %broadcast_in_dim3A_275 = arith.constant 0.000000e+00 : f32
    %broadcast_in_dim3A_276 = vector.broadcast %broadcast_in_dim3A_275 : f32 to vector<16xf32>
    %swap3A_277 = arith.constant 608 : index
    %swap3A_278 = tpu.vector_load %arg6[%swap3A_277] {strides = array<i32>} : memref<640xf32, #tpu.memory_space<vmem>>, vector<16xf32>,
    %swap3A_279 = vector.shape_cast %swap3A_278 : vector<16xf32> to vector<16xf32>
    %swap3A_280 = vector.shape_cast %broadcast_in_dim3A_276 : vector<16xf32> to vector<16xf32>
    tpu.vector_store %arg6[%swap3A_277], %swap3A_280 {strides = array<i32>} : memref<640xf32, #tpu.memory_space<vmem>>, vector<16xf32>,
    %broadcast_in_dim3A_281 = arith.constant 0.000000e+00 : f32
    %broadcast_in_dim3A_282 = vector.broadcast %broadcast_in_dim3A_281 : f32 to vector<16xf32>
    %swap3A_283 = arith.constant 624 : index
    %swap3A_284 = tpu.vector_load %arg6[%swap3A_283] {strides = array<i32>} : memref<640xf32, #tpu.memory_space<vmem>>, vector<16xf32>,
    %swap3A_285 = vector.shape_cast %swap3A_284 : vector<16xf32> to vector<16xf32>
    %swap3A_286 = vector.shape_cast %broadcast_in_dim3A_282 : vector<16xf32> to vector<16xf32>
    tpu.vector_store %arg6[%swap3A_283], %swap3A_286 {strides = array<i32>} : memref<640xf32, #tpu.memory_space<vmem>>, vector<16xf32>,
    %mul3A_287 = arith.constant 640 : i32
    %mul3A_288 = arith.muli %arg1, %mul3A_287 : i32
    "tpu.region"() ({
      %run_scoped3A = tpu.sem_alloc : memref<!tpu.dma_semaphore, #tpu.memory_space<semaphore_mem>>
      %dma_start3A = tpu.memref_slice %arg7[%mul3A_288] : memref<10240xf32, #tpu.memory_space<vmem_shared>> -> memref<640xf32, #tpu.memory_space<vmem_shared>>
      %dma_start3A_299 = tpu.memref_slice %arg7[%mul3A_288] : memref<10240xf32, #tpu.memory_space<vmem_shared>> -> memref<640xf32, #tpu.memory_space<vmem_shared>>
      tpu.enqueue_dma source(%arg6 : memref<640xf32, #tpu.memory_space<vmem>>) target(%dma_start3A_299 : memref<640xf32, #tpu.memory_space<vmem_shared>>) target_semaphore(%run_scoped3A : memref<!tpu.dma_semaphore, #tpu.memory_space<semaphore_mem>>)
      %dma_wait3A = tpu.memref_slice %arg7[%mul3A_288] : memref<10240xf32, #tpu.memory_space<vmem_shared>> -> memref<640xf32, #tpu.memory_space<vmem_shared>>
      %dma_wait3A_300 = tpu.memref_slice %arg7[%mul3A_288] : memref<10240xf32, #tpu.memory_space<vmem_shared>> -> memref<640xf32, #tpu.memory_space<vmem_shared>>
      tpu.wait_dma2 semaphore(%run_scoped3A : memref<!tpu.dma_semaphore, #tpu.memory_space<semaphore_mem>>) src(%arg6 : memref<640xf32, #tpu.memory_space<vmem>>) dst(%dma_wait3A_300 : memref<640xf32, #tpu.memory_space<vmem_shared>>)
      tpu.yield
    }) : () -> ()
    %barrier3A = arith.constant 0 : index
    tpu.barrier barrier_id(%barrier3A)
    "tpu.region"() ({
      %run_scoped3A = tpu.sem_alloc : memref<!tpu.dma_semaphore, #tpu.memory_space<semaphore_mem>>
      %dma_start3A = arith.constant 0 : i32
      %dma_start3A_299 = arith.constant 0 : i32
      %dma_start3A_300 = tpu.memref_slice %arg2[%add3A, %dma_start3A, %dma_start3A_299] : memref<32x80x128xi32, #tpu.memory_space<hbm>> -> memref<1x80x128xi32, #tpu.memory_space<hbm>>
      %dma_start3A_301 = tpu.memref_squeeze %dma_start3A_300 : memref<1x80x128xi32, #tpu.memory_space<hbm>> -> memref<80x128xi32, #tpu.memory_space<hbm>>
      %dma_start3A_302 = arith.constant 0 : i32
      %dma_start3A_303 = arith.constant 0 : i32
      %dma_start3A_304 = tpu.memref_slice %arg2[%add3A, %dma_start3A_302, %dma_start3A_303] : memref<32x80x128xi32, #tpu.memory_space<hbm>> -> memref<1x80x128xi32, #tpu.memory_space<hbm>>
      %dma_start3A_305 = tpu.memref_squeeze %dma_start3A_304 : memref<1x80x128xi32, #tpu.memory_space<hbm>> -> memref<80x128xi32, #tpu.memory_space<hbm>>
      tpu.enqueue_dma source(%dma_start3A_305 : memref<80x128xi32, #tpu.memory_space<hbm>>) target(%arg4 : memref<80x128xi32, #tpu.memory_space<vmem>>) target_semaphore(%run_scoped3A : memref<!tpu.dma_semaphore, #tpu.memory_space<semaphore_mem>>)
      %dma_wait3A = arith.constant 0 : i32
      %dma_wait3A_306 = arith.constant 0 : i32
      %dma_wait3A_307 = tpu.memref_slice %arg2[%add3A, %dma_wait3A, %dma_wait3A_306] : memref<32x80x128xi32, #tpu.memory_space<hbm>> -> memref<1x80x128xi32, #tpu.memory_space<hbm>>
      %dma_wait3A_308 = tpu.memref_squeeze %dma_wait3A_307 : memref<1x80x128xi32, #tpu.memory_space<hbm>> -> memref<80x128xi32, #tpu.memory_space<hbm>>
      %dma_wait3A_309 = arith.constant 0 : i32
      %dma_wait3A_310 = arith.constant 0 : i32
      %dma_wait3A_311 = tpu.memref_slice %arg2[%add3A, %dma_wait3A_309, %dma_wait3A_310] : memref<32x80x128xi32, #tpu.memory_space<hbm>> -> memref<1x80x128xi32, #tpu.memory_space<hbm>>
      %dma_wait3A_312 = tpu.memref_squeeze %dma_wait3A_311 : memref<1x80x128xi32, #tpu.memory_space<hbm>> -> memref<80x128xi32, #tpu.memory_space<hbm>>
      tpu.wait_dma2 semaphore(%run_scoped3A : memref<!tpu.dma_semaphore, #tpu.memory_space<semaphore_mem>>) src(%dma_wait3A_312 : memref<80x128xi32, #tpu.memory_space<hbm>>) dst(%arg4 : memref<80x128xi32, #tpu.memory_space<vmem>>)
      tpu.yield
    }) : () -> ()
    %scan3A = arith.constant 0 : i32
    %scan3A_289 = arith.constant 0 : i32
    %scan3A_290 = arith.constant 80 : i32
    %scan3A_291 = arith.addi %scan3A_289, %scan3A_290 : i32
    %scan3A_292 = arith.constant 1 : i32
    scf.for %scan3A_299 = %scan3A_289 to %scan3A_291 step %scan3A_292  : i32 {
      "tpu.region"() ({
        %run_scoped3A = tpu.sem_alloc : memref<!tpu.dma_semaphore, #tpu.memory_space<semaphore_mem>>
        %dma_start3A = arith.constant 0 : i32
        %dma_start3A_300 = tpu.memref_slice %arg4[%scan3A_299, %dma_start3A] : memref<80x128xi32, #tpu.memory_space<vmem>> -> memref<1x128xi32, #tpu.memory_space<vmem>>
        %dma_start3A_301 = tpu.memref_squeeze %dma_start3A_300 : memref<1x128xi32, #tpu.memory_space<vmem>> -> memref<128xi32, #tpu.memory_space<vmem>>
        %dma_start3A_302 = arith.constant 0 : i32
        %dma_start3A_303 = tpu.memref_slice %arg7[%dma_start3A_302] : memref<10240xf32, #tpu.memory_space<vmem_shared>> -> memref<10240xf32, #tpu.memory_space<vmem_shared>>
        tpu.enqueue_indirect_dma source(%arg5 : memref<128xf32, #tpu.memory_space<vmem>>) target(%dma_start3A_303 : memref<10240xf32, #tpu.memory_space<vmem_shared>>) offsets(%dma_start3A_301 : memref<128xi32, #tpu.memory_space<vmem>>) semaphore(%run_scoped3A : memref<!tpu.dma_semaphore, #tpu.memory_space<semaphore_mem>>) {add = true}
        %dma_wait3A = arith.constant 0 : i32
        %dma_wait3A_304 = tpu.memref_slice %arg4[%scan3A_299, %dma_wait3A] : memref<80x128xi32, #tpu.memory_space<vmem>> -> memref<1x128xi32, #tpu.memory_space<vmem>>
        %dma_wait3A_305 = tpu.memref_squeeze %dma_wait3A_304 : memref<1x128xi32, #tpu.memory_space<vmem>> -> memref<128xi32, #tpu.memory_space<vmem>>
        %dma_wait3A_306 = arith.constant 0 : i32
        %dma_wait3A_307 = tpu.memref_slice %arg7[%dma_wait3A_306] : memref<10240xf32, #tpu.memory_space<vmem_shared>> -> memref<10240xf32, #tpu.memory_space<vmem_shared>>
        tpu.wait_indirect_dma semaphore(%run_scoped3A : memref<!tpu.dma_semaphore, #tpu.memory_space<semaphore_mem>>) src(%arg5 : memref<128xf32, #tpu.memory_space<vmem>>) dst(%dma_wait3A_307 : memref<10240xf32, #tpu.memory_space<vmem_shared>>)
        tpu.yield
      }) : () -> ()
    }
    %scan3A_293 = arith.constant 80 : i32
    %barrier3A_294 = arith.constant 0 : index
    tpu.barrier barrier_id(%barrier3A_294)
    %mul3A_295 = arith.constant 640 : i32
    %mul3A_296 = arith.muli %arg1, %mul3A_295 : i32
    %mul3A_297 = arith.constant 640 : i32
    %mul3A_298 = arith.muli %arg1, %mul3A_297 : i32
    "tpu.region"() ({
      %run_scoped3A = tpu.sem_alloc : memref<!tpu.dma_semaphore, #tpu.memory_space<semaphore_mem>>
      %dma_start3A = tpu.memref_slice %arg3[%arg0, %mul3A_298] : memref<2x10240xf32, #tpu.memory_space<hbm>> -> memref<1x640xf32, #tpu.memory_space<hbm>>
      %dma_start3A_299 = tpu.memref_squeeze %dma_start3A : memref<1x640xf32, #tpu.memory_space<hbm>> -> memref<640xf32, #tpu.memory_space<hbm>>
      %dma_start3A_300 = tpu.memref_slice %arg7[%mul3A_296] : memref<10240xf32, #tpu.memory_space<vmem_shared>> -> memref<640xf32, #tpu.memory_space<vmem_shared>>
      tpu.enqueue_dma source(%dma_start3A_300 : memref<640xf32, #tpu.memory_space<vmem_shared>>) target(%dma_start3A_299 : memref<640xf32, #tpu.memory_space<hbm>>) target_semaphore(%run_scoped3A : memref<!tpu.dma_semaphore, #tpu.memory_space<semaphore_mem>>)
      %dma_wait3A = tpu.memref_slice %arg3[%arg0, %mul3A_298] : memref<2x10240xf32, #tpu.memory_space<hbm>> -> memref<1x640xf32, #tpu.memory_space<hbm>>
      %dma_wait3A_301 = tpu.memref_squeeze %dma_wait3A : memref<1x640xf32, #tpu.memory_space<hbm>> -> memref<640xf32, #tpu.memory_space<hbm>>
      %dma_wait3A_302 = tpu.memref_slice %arg7[%mul3A_296] : memref<10240xf32, #tpu.memory_space<vmem_shared>> -> memref<640xf32, #tpu.memory_space<vmem_shared>>
      tpu.wait_dma2 semaphore(%run_scoped3A : memref<!tpu.dma_semaphore, #tpu.memory_space<semaphore_mem>>) src(%dma_wait3A_302 : memref<640xf32, #tpu.memory_space<vmem_shared>>) dst(%dma_wait3A_301 : memref<640xf32, #tpu.memory_space<hbm>>)
      tpu.yield
    }) : () -> ()
    return
  }
}

#map = affine_map<(d0, d1) -> (0, 0)>
#map1 = affine_map<(d0, d1) -> (0, 0, 0)>
module attributes {stable_mosaic.version = 14 : i64} {
  func.func @_sc_scatter(%arg0: i32, %arg1: i32, %arg2: memref<10240x128xf32, #tpu.memory_space<hbm>>, %arg3: memref<32x144x128xi32, #tpu.memory_space<hbm>>, %arg4: memref<32x144x128xi32, #tpu.memory_space<hbm>>, %arg5: memref<2x10240x128xf32, #tpu.memory_space<hbm>>, %arg6: memref<16x128xi32, #tpu.memory_space<vmem>>, %arg7: memref<16x128xi32, #tpu.memory_space<vmem>>, %arg8: memref<128x128xf32, #tpu.memory_space<vmem>>, %arg9: memref<128x128xf32, #tpu.memory_space<vmem>>, %arg10: memref<10240x128xf32, #tpu.memory_space<vmem_shared>>, %arg11: memref<!tpu.dma_semaphore, #tpu.memory_space<semaphore_mem>>, %arg12: memref<!tpu.dma_semaphore, #tpu.memory_space<semaphore_mem>>) attributes {dimension_semantics = [#tpu.dimension_semantics<core_parallel>, #tpu.dimension_semantics<subcore_parallel>], iteration_bounds = array<i64: 2, 16>, scalar_prefetch = 0 : i64, scratch_operands = 7 : i64, tpu.core_type = #tpu.core_type<sc_vector_subcore>, window_params = [{transform_indices = #map}, {transform_indices = #map1}, {transform_indices = #map1}, {transform_indices = #map1}]} {
    %mul3A = arith.constant 16 : i32
    %mul3A_0 = arith.muli %arg0, %mul3A : i32
    %add3A = arith.addi %mul3A_0, %arg1 : i32
    %mul3A_1 = arith.constant 640 : i32
    %mul3A_2 = arith.muli %arg1, %mul3A_1 : i32
    %mul3A_3 = arith.constant 640 : i32
    %mul3A_4 = arith.muli %arg1, %mul3A_3 : i32
    "tpu.region"() ({
      %run_scoped3A = tpu.sem_alloc : memref<!tpu.dma_semaphore, #tpu.memory_space<semaphore_mem>>
      %dma_start3A = arith.constant 0 : i32
      %dma_start3A_21 = tpu.memref_slice %arg10[%mul3A_4, %dma_start3A] : memref<10240x128xf32, #tpu.memory_space<vmem_shared>> -> memref<640x128xf32, #tpu.memory_space<vmem_shared>>
      %dma_start3A_22 = arith.constant 0 : i32
      %dma_start3A_23 = tpu.memref_slice %arg2[%mul3A_2, %dma_start3A_22] : memref<10240x128xf32, #tpu.memory_space<hbm>> -> memref<640x128xf32, #tpu.memory_space<hbm>>
      tpu.enqueue_dma source(%dma_start3A_23 : memref<640x128xf32, #tpu.memory_space<hbm>>) target(%dma_start3A_21 : memref<640x128xf32, #tpu.memory_space<vmem_shared>>) target_semaphore(%run_scoped3A : memref<!tpu.dma_semaphore, #tpu.memory_space<semaphore_mem>>)
      %dma_wait3A = arith.constant 0 : i32
      %dma_wait3A_24 = tpu.memref_slice %arg10[%mul3A_4, %dma_wait3A] : memref<10240x128xf32, #tpu.memory_space<vmem_shared>> -> memref<640x128xf32, #tpu.memory_space<vmem_shared>>
      %dma_wait3A_25 = arith.constant 0 : i32
      %dma_wait3A_26 = tpu.memref_slice %arg2[%mul3A_2, %dma_wait3A_25] : memref<10240x128xf32, #tpu.memory_space<hbm>> -> memref<640x128xf32, #tpu.memory_space<hbm>>
      tpu.wait_dma2 semaphore(%run_scoped3A : memref<!tpu.dma_semaphore, #tpu.memory_space<semaphore_mem>>) src(%dma_wait3A_26 : memref<640x128xf32, #tpu.memory_space<hbm>>) dst(%dma_wait3A_24 : memref<640x128xf32, #tpu.memory_space<vmem_shared>>)
      tpu.yield
    }) : () -> ()
    %barrier3A = arith.constant 0 : index
    tpu.barrier barrier_id(%barrier3A)
    %eq3A = arith.constant 0 : i32
    %eq3A_5 = arith.cmpi eq, %arg0, %eq3A : i32
    %jit3A = arith.constant 9 : i32
    %jit3A_6 = arith.constant 1 : i32
    %select_n3A = arith.select %eq3A_5, %jit3A, %jit3A_6 : i32
    %while3A = arith.constant 0 : i32
    %while3A_7 = arith.constant 0 : i32
    %while3A_8 = arith.subi %select_n3A, %while3A_7 : i32
    %while3A_9 = arith.addi %while3A_7, %while3A_8 : i32
    %while3A_10 = arith.constant 1 : i32
    %while3A_11 = arith.divsi %while3A_8, %while3A_10 : i32
    %while3A_12 = arith.muli %while3A_11, %while3A_10 : i32
    %while3A_13 = arith.addi %while3A_7, %while3A_12 : i32
    %while3A_14 = arith.constant 1 : i32
    scf.for %while3A_21 = %while3A_7 to %while3A_13 step %while3A_14  : i32 {
      %mul3A_22 = arith.constant 16 : i32
      %mul3A_23 = arith.muli %while3A_21, %mul3A_22 : i32
      "tpu.region"() ({
        %run_scoped3A_263 = tpu.sem_alloc : memref<!tpu.dma_semaphore, #tpu.memory_space<semaphore_mem>>
        %dma_start3A_264 = arith.constant 0 : i32
        %dma_start3A_265 = tpu.memref_slice %arg3[%add3A, %mul3A_23, %dma_start3A_264] : memref<32x144x128xi32, #tpu.memory_space<hbm>> -> memref<1x16x128xi32, #tpu.memory_space<hbm>>
        %dma_start3A_266 = tpu.memref_squeeze %dma_start3A_265 : memref<1x16x128xi32, #tpu.memory_space<hbm>> -> memref<16x128xi32, #tpu.memory_space<hbm>>
        %dma_start3A_267 = arith.constant 0 : i32
        %dma_start3A_268 = tpu.memref_slice %arg3[%add3A, %mul3A_23, %dma_start3A_267] : memref<32x144x128xi32, #tpu.memory_space<hbm>> -> memref<1x16x128xi32, #tpu.memory_space<hbm>>
        %dma_start3A_269 = tpu.memref_squeeze %dma_start3A_268 : memref<1x16x128xi32, #tpu.memory_space<hbm>> -> memref<16x128xi32, #tpu.memory_space<hbm>>
        tpu.enqueue_dma source(%dma_start3A_269 : memref<16x128xi32, #tpu.memory_space<hbm>>) target(%arg6 : memref<16x128xi32, #tpu.memory_space<vmem>>) target_semaphore(%run_scoped3A_263 : memref<!tpu.dma_semaphore, #tpu.memory_space<semaphore_mem>>)
        %dma_wait3A_270 = arith.constant 0 : i32
        %dma_wait3A_271 = tpu.memref_slice %arg3[%add3A, %mul3A_23, %dma_wait3A_270] : memref<32x144x128xi32, #tpu.memory_space<hbm>> -> memref<1x16x128xi32, #tpu.memory_space<hbm>>
        %dma_wait3A_272 = tpu.memref_squeeze %dma_wait3A_271 : memref<1x16x128xi32, #tpu.memory_space<hbm>> -> memref<16x128xi32, #tpu.memory_space<hbm>>
        %dma_wait3A_273 = arith.constant 0 : i32
        %dma_wait3A_274 = tpu.memref_slice %arg3[%add3A, %mul3A_23, %dma_wait3A_273] : memref<32x144x128xi32, #tpu.memory_space<hbm>> -> memref<1x16x128xi32, #tpu.memory_space<hbm>>
        %dma_wait3A_275 = tpu.memref_squeeze %dma_wait3A_274 : memref<1x16x128xi32, #tpu.memory_space<hbm>> -> memref<16x128xi32, #tpu.memory_space<hbm>>
        tpu.wait_dma2 semaphore(%run_scoped3A_263 : memref<!tpu.dma_semaphore, #tpu.memory_space<semaphore_mem>>) src(%dma_wait3A_275 : memref<16x128xi32, #tpu.memory_space<hbm>>) dst(%arg6 : memref<16x128xi32, #tpu.memory_space<vmem>>)
        tpu.yield
      }) : () -> ()
      %mul3A_24 = arith.constant 16 : i32
      %mul3A_25 = arith.muli %while3A_21, %mul3A_24 : i32
      "tpu.region"() ({
        %run_scoped3A_263 = tpu.sem_alloc : memref<!tpu.dma_semaphore, #tpu.memory_space<semaphore_mem>>
        %dma_start3A_264 = arith.constant 0 : i32
        %dma_start3A_265 = tpu.memref_slice %arg4[%add3A, %mul3A_25, %dma_start3A_264] : memref<32x144x128xi32, #tpu.memory_space<hbm>> -> memref<1x16x128xi32, #tpu.memory_space<hbm>>
        %dma_start3A_266 = tpu.memref_squeeze %dma_start3A_265 : memref<1x16x128xi32, #tpu.memory_space<hbm>> -> memref<16x128xi32, #tpu.memory_space<hbm>>
        %dma_start3A_267 = arith.constant 0 : i32
        %dma_start3A_268 = tpu.memref_slice %arg4[%add3A, %mul3A_25, %dma_start3A_267] : memref<32x144x128xi32, #tpu.memory_space<hbm>> -> memref<1x16x128xi32, #tpu.memory_space<hbm>>
        %dma_start3A_269 = tpu.memref_squeeze %dma_start3A_268 : memref<1x16x128xi32, #tpu.memory_space<hbm>> -> memref<16x128xi32, #tpu.memory_space<hbm>>
        tpu.enqueue_dma source(%dma_start3A_269 : memref<16x128xi32, #tpu.memory_space<hbm>>) target(%arg7 : memref<16x128xi32, #tpu.memory_space<vmem>>) target_semaphore(%run_scoped3A_263 : memref<!tpu.dma_semaphore, #tpu.memory_space<semaphore_mem>>)
        %dma_wait3A_270 = arith.constant 0 : i32
        %dma_wait3A_271 = tpu.memref_slice %arg4[%add3A, %mul3A_25, %dma_wait3A_270] : memref<32x144x128xi32, #tpu.memory_space<hbm>> -> memref<1x16x128xi32, #tpu.memory_space<hbm>>
        %dma_wait3A_272 = tpu.memref_squeeze %dma_wait3A_271 : memref<1x16x128xi32, #tpu.memory_space<hbm>> -> memref<16x128xi32, #tpu.memory_space<hbm>>
        %dma_wait3A_273 = arith.constant 0 : i32
        %dma_wait3A_274 = tpu.memref_slice %arg4[%add3A, %mul3A_25, %dma_wait3A_273] : memref<32x144x128xi32, #tpu.memory_space<hbm>> -> memref<1x16x128xi32, #tpu.memory_space<hbm>>
        %dma_wait3A_275 = tpu.memref_squeeze %dma_wait3A_274 : memref<1x16x128xi32, #tpu.memory_space<hbm>> -> memref<16x128xi32, #tpu.memory_space<hbm>>
        tpu.wait_dma2 semaphore(%run_scoped3A_263 : memref<!tpu.dma_semaphore, #tpu.memory_space<semaphore_mem>>) src(%dma_wait3A_275 : memref<16x128xi32, #tpu.memory_space<hbm>>) dst(%arg7 : memref<16x128xi32, #tpu.memory_space<vmem>>)
        tpu.yield
      }) : () -> ()
      %dma_start3A = arith.constant 0 : i32
      %dma_start3A_26 = arith.constant 0 : i32
      %dma_start3A_27 = tpu.memref_slice %arg6[%dma_start3A, %dma_start3A_26] : memref<16x128xi32, #tpu.memory_space<vmem>> -> memref<1x128xi32, #tpu.memory_space<vmem>>
      %dma_start3A_28 = tpu.memref_squeeze %dma_start3A_27 : memref<1x128xi32, #tpu.memory_space<vmem>> -> memref<128xi32, #tpu.memory_space<vmem>>
      %dma_start3A_29 = arith.constant 0 : i32
      %dma_start3A_30 = arith.constant 0 : i32
      %dma_start3A_31 = tpu.memref_slice %arg2[%dma_start3A_29, %dma_start3A_30] : memref<10240x128xf32, #tpu.memory_space<hbm>> -> memref<10240x128xf32, #tpu.memory_space<hbm>>
      tpu.enqueue_indirect_dma source(%dma_start3A_31 : memref<10240x128xf32, #tpu.memory_space<hbm>>) target(%arg8 : memref<128x128xf32, #tpu.memory_space<vmem>>) offsets(%dma_start3A_28 : memref<128xi32, #tpu.memory_space<vmem>>) semaphore(%arg11 : memref<!tpu.dma_semaphore, #tpu.memory_space<semaphore_mem>>)
      %dma_wait3A = arith.constant 0 : i32
      %dma_wait3A_32 = arith.constant 0 : i32
      %dma_wait3A_33 = tpu.memref_slice %arg6[%dma_wait3A, %dma_wait3A_32] : memref<16x128xi32, #tpu.memory_space<vmem>> -> memref<1x128xi32, #tpu.memory_space<vmem>>
      %dma_wait3A_34 = tpu.memref_squeeze %dma_wait3A_33 : memref<1x128xi32, #tpu.memory_space<vmem>> -> memref<128xi32, #tpu.memory_space<vmem>>
      %dma_wait3A_35 = arith.constant 0 : i32
      %dma_wait3A_36 = arith.constant 0 : i32
      %dma_wait3A_37 = tpu.memref_slice %arg2[%dma_wait3A_35, %dma_wait3A_36] : memref<10240x128xf32, #tpu.memory_space<hbm>> -> memref<10240x128xf32, #tpu.memory_space<hbm>>
      tpu.wait_indirect_dma semaphore(%arg11 : memref<!tpu.dma_semaphore, #tpu.memory_space<semaphore_mem>>) src(%dma_wait3A_37 : memref<10240x128xf32, #tpu.memory_space<hbm>>) dst(%arg8 : memref<128x128xf32, #tpu.memory_space<vmem>>)
      %dma_start3A_38 = arith.constant 1 : i32
      %dma_start3A_39 = arith.constant 0 : i32
      %dma_start3A_40 = tpu.memref_slice %arg6[%dma_start3A_38, %dma_start3A_39] : memref<16x128xi32, #tpu.memory_space<vmem>> -> memref<1x128xi32, #tpu.memory_space<vmem>>
      %dma_start3A_41 = tpu.memref_squeeze %dma_start3A_40 : memref<1x128xi32, #tpu.memory_space<vmem>> -> memref<128xi32, #tpu.memory_space<vmem>>
      %dma_start3A_42 = arith.constant 0 : i32
      %dma_start3A_43 = arith.constant 0 : i32
      %dma_start3A_44 = tpu.memref_slice %arg2[%dma_start3A_42, %dma_start3A_43] : memref<10240x128xf32, #tpu.memory_space<hbm>> -> memref<10240x128xf32, #tpu.memory_space<hbm>>
      tpu.enqueue_indirect_dma source(%dma_start3A_44 : memref<10240x128xf32, #tpu.memory_space<hbm>>) target(%arg9 : memref<128x128xf32, #tpu.memory_space<vmem>>) offsets(%dma_start3A_41 : memref<128xi32, #tpu.memory_space<vmem>>) semaphore(%arg12 : memref<!tpu.dma_semaphore, #tpu.memory_space<semaphore_mem>>)
      %run_scoped3A = arith.constant 0 : i32
      "tpu.region"() ({
        %run_scoped3A_263 = tpu.sem_alloc : memref<!tpu.dma_semaphore, #tpu.memory_space<semaphore_mem>>
        %dma_start3A_264 = arith.constant 0 : i32
        %dma_start3A_265 = tpu.memref_slice %arg7[%run_scoped3A, %dma_start3A_264] : memref<16x128xi32, #tpu.memory_space<vmem>> -> memref<1x128xi32, #tpu.memory_space<vmem>>
        %dma_start3A_266 = tpu.memref_squeeze %dma_start3A_265 : memref<1x128xi32, #tpu.memory_space<vmem>> -> memref<128xi32, #tpu.memory_space<vmem>>
        %dma_start3A_267 = arith.constant 0 : i32
        %dma_start3A_268 = arith.constant 0 : i32
        %dma_start3A_269 = tpu.memref_slice %arg10[%dma_start3A_267, %dma_start3A_268] : memref<10240x128xf32, #tpu.memory_space<vmem_shared>> -> memref<10240x128xf32, #tpu.memory_space<vmem_shared>>
        tpu.enqueue_indirect_dma source(%arg8 : memref<128x128xf32, #tpu.memory_space<vmem>>) target(%dma_start3A_269 : memref<10240x128xf32, #tpu.memory_space<vmem_shared>>) offsets(%dma_start3A_266 : memref<128xi32, #tpu.memory_space<vmem>>) semaphore(%run_scoped3A_263 : memref<!tpu.dma_semaphore, #tpu.memory_space<semaphore_mem>>) {add = true}
        %dma_wait3A_270 = arith.constant 0 : i32
        %dma_wait3A_271 = tpu.memref_slice %arg7[%run_scoped3A, %dma_wait3A_270] : memref<16x128xi32, #tpu.memory_space<vmem>> -> memref<1x128xi32, #tpu.memory_space<vmem>>
        %dma_wait3A_272 = tpu.memref_squeeze %dma_wait3A_271 : memref<1x128xi32, #tpu.memory_space<vmem>> -> memref<128xi32, #tpu.memory_space<vmem>>
        %dma_wait3A_273 = arith.constant 0 : i32
        %dma_wait3A_274 = arith.constant 0 : i32
        %dma_wait3A_275 = tpu.memref_slice %arg10[%dma_wait3A_273, %dma_wait3A_274] : memref<10240x128xf32, #tpu.memory_space<vmem_shared>> -> memref<10240x128xf32, #tpu.memory_space<vmem_shared>>
        tpu.wait_indirect_dma semaphore(%run_scoped3A_263 : memref<!tpu.dma_semaphore, #tpu.memory_space<semaphore_mem>>) src(%arg8 : memref<128x128xf32, #tpu.memory_space<vmem>>) dst(%dma_wait3A_275 : memref<10240x128xf32, #tpu.memory_space<vmem_shared>>)
        tpu.yield
      }) : () -> ()
      %dma_wait3A_45 = arith.constant 1 : i32
      %dma_wait3A_46 = arith.constant 0 : i32
      %dma_wait3A_47 = tpu.memref_slice %arg6[%dma_wait3A_45, %dma_wait3A_46] : memref<16x128xi32, #tpu.memory_space<vmem>> -> memref<1x128xi32, #tpu.memory_space<vmem>>
      %dma_wait3A_48 = tpu.memref_squeeze %dma_wait3A_47 : memref<1x128xi32, #tpu.memory_space<vmem>> -> memref<128xi32, #tpu.memory_space<vmem>>
      %dma_wait3A_49 = arith.constant 0 : i32
      %dma_wait3A_50 = arith.constant 0 : i32
      %dma_wait3A_51 = tpu.memref_slice %arg2[%dma_wait3A_49, %dma_wait3A_50] : memref<10240x128xf32, #tpu.memory_space<hbm>> -> memref<10240x128xf32, #tpu.memory_space<hbm>>
      tpu.wait_indirect_dma semaphore(%arg12 : memref<!tpu.dma_semaphore, #tpu.memory_space<semaphore_mem>>) src(%dma_wait3A_51 : memref<10240x128xf32, #tpu.memory_space<hbm>>) dst(%arg9 : memref<128x128xf32, #tpu.memory_space<vmem>>)
      %dma_start3A_52 = arith.constant 2 : i32
      %dma_start3A_53 = arith.constant 0 : i32
      %dma_start3A_54 = tpu.memref_slice %arg6[%dma_start3A_52, %dma_start3A_53] : memref<16x128xi32, #tpu.memory_space<vmem>> -> memref<1x128xi32, #tpu.memory_space<vmem>>
      %dma_start3A_55 = tpu.memref_squeeze %dma_start3A_54 : memref<1x128xi32, #tpu.memory_space<vmem>> -> memref<128xi32, #tpu.memory_space<vmem>>
      %dma_start3A_56 = arith.constant 0 : i32
      %dma_start3A_57 = arith.constant 0 : i32
      %dma_start3A_58 = tpu.memref_slice %arg2[%dma_start3A_56, %dma_start3A_57] : memref<10240x128xf32, #tpu.memory_space<hbm>> -> memref<10240x128xf32, #tpu.memory_space<hbm>>
      tpu.enqueue_indirect_dma source(%dma_start3A_58 : memref<10240x128xf32, #tpu.memory_space<hbm>>) target(%arg8 : memref<128x128xf32, #tpu.memory_space<vmem>>) offsets(%dma_start3A_55 : memref<128xi32, #tpu.memory_space<vmem>>) semaphore(%arg11 : memref<!tpu.dma_semaphore, #tpu.memory_space<semaphore_mem>>)
      %run_scoped3A_59 = arith.constant 1 : i32
      "tpu.region"() ({
        %run_scoped3A_263 = tpu.sem_alloc : memref<!tpu.dma_semaphore, #tpu.memory_space<semaphore_mem>>
        %dma_start3A_264 = arith.constant 0 : i32
        %dma_start3A_265 = tpu.memref_slice %arg7[%run_scoped3A_59, %dma_start3A_264] : memref<16x128xi32, #tpu.memory_space<vmem>> -> memref<1x128xi32, #tpu.memory_space<vmem>>
        %dma_start3A_266 = tpu.memref_squeeze %dma_start3A_265 : memref<1x128xi32, #tpu.memory_space<vmem>> -> memref<128xi32, #tpu.memory_space<vmem>>
        %dma_start3A_267 = arith.constant 0 : i32
        %dma_start3A_268 = arith.constant 0 : i32
        %dma_start3A_269 = tpu.memref_slice %arg10[%dma_start3A_267, %dma_start3A_268] : memref<10240x128xf32, #tpu.memory_space<vmem_shared>> -> memref<10240x128xf32, #tpu.memory_space<vmem_shared>>
        tpu.enqueue_indirect_dma source(%arg9 : memref<128x128xf32, #tpu.memory_space<vmem>>) target(%dma_start3A_269 : memref<10240x128xf32, #tpu.memory_space<vmem_shared>>) offsets(%dma_start3A_266 : memref<128xi32, #tpu.memory_space<vmem>>) semaphore(%run_scoped3A_263 : memref<!tpu.dma_semaphore, #tpu.memory_space<semaphore_mem>>) {add = true}
        %dma_wait3A_270 = arith.constant 0 : i32
        %dma_wait3A_271 = tpu.memref_slice %arg7[%run_scoped3A_59, %dma_wait3A_270] : memref<16x128xi32, #tpu.memory_space<vmem>> -> memref<1x128xi32, #tpu.memory_space<vmem>>
        %dma_wait3A_272 = tpu.memref_squeeze %dma_wait3A_271 : memref<1x128xi32, #tpu.memory_space<vmem>> -> memref<128xi32, #tpu.memory_space<vmem>>
        %dma_wait3A_273 = arith.constant 0 : i32
        %dma_wait3A_274 = arith.constant 0 : i32
        %dma_wait3A_275 = tpu.memref_slice %arg10[%dma_wait3A_273, %dma_wait3A_274] : memref<10240x128xf32, #tpu.memory_space<vmem_shared>> -> memref<10240x128xf32, #tpu.memory_space<vmem_shared>>
        tpu.wait_indirect_dma semaphore(%run_scoped3A_263 : memref<!tpu.dma_semaphore, #tpu.memory_space<semaphore_mem>>) src(%arg9 : memref<128x128xf32, #tpu.memory_space<vmem>>) dst(%dma_wait3A_275 : memref<10240x128xf32, #tpu.memory_space<vmem_shared>>)
        tpu.yield
      }) : () -> ()
      %dma_wait3A_60 = arith.constant 2 : i32
      %dma_wait3A_61 = arith.constant 0 : i32
      %dma_wait3A_62 = tpu.memref_slice %arg6[%dma_wait3A_60, %dma_wait3A_61] : memref<16x128xi32, #tpu.memory_space<vmem>> -> memref<1x128xi32, #tpu.memory_space<vmem>>
      %dma_wait3A_63 = tpu.memref_squeeze %dma_wait3A_62 : memref<1x128xi32, #tpu.memory_space<vmem>> -> memref<128xi32, #tpu.memory_space<vmem>>
      %dma_wait3A_64 = arith.constant 0 : i32
      %dma_wait3A_65 = arith.constant 0 : i32
      %dma_wait3A_66 = tpu.memref_slice %arg2[%dma_wait3A_64, %dma_wait3A_65] : memref<10240x128xf32, #tpu.memory_space<hbm>> -> memref<10240x128xf32, #tpu.memory_space<hbm>>
      tpu.wait_indirect_dma semaphore(%arg11 : memref<!tpu.dma_semaphore, #tpu.memory_space<semaphore_mem>>) src(%dma_wait3A_66 : memref<10240x128xf32, #tpu.memory_space<hbm>>) dst(%arg8 : memref<128x128xf32, #tpu.memory_space<vmem>>)
      %dma_start3A_67 = arith.constant 3 : i32
      %dma_start3A_68 = arith.constant 0 : i32
      %dma_start3A_69 = tpu.memref_slice %arg6[%dma_start3A_67, %dma_start3A_68] : memref<16x128xi32, #tpu.memory_space<vmem>> -> memref<1x128xi32, #tpu.memory_space<vmem>>
      %dma_start3A_70 = tpu.memref_squeeze %dma_start3A_69 : memref<1x128xi32, #tpu.memory_space<vmem>> -> memref<128xi32, #tpu.memory_space<vmem>>
      %dma_start3A_71 = arith.constant 0 : i32
      %dma_start3A_72 = arith.constant 0 : i32
      %dma_start3A_73 = tpu.memref_slice %arg2[%dma_start3A_71, %dma_start3A_72] : memref<10240x128xf32, #tpu.memory_space<hbm>> -> memref<10240x128xf32, #tpu.memory_space<hbm>>
      tpu.enqueue_indirect_dma source(%dma_start3A_73 : memref<10240x128xf32, #tpu.memory_space<hbm>>) target(%arg9 : memref<128x128xf32, #tpu.memory_space<vmem>>) offsets(%dma_start3A_70 : memref<128xi32, #tpu.memory_space<vmem>>) semaphore(%arg12 : memref<!tpu.dma_semaphore, #tpu.memory_space<semaphore_mem>>)
      %run_scoped3A_74 = arith.constant 2 : i32
      "tpu.region"() ({
        %run_scoped3A_263 = tpu.sem_alloc : memref<!tpu.dma_semaphore, #tpu.memory_space<semaphore_mem>>
        %dma_start3A_264 = arith.constant 0 : i32
        %dma_start3A_265 = tpu.memref_slice %arg7[%run_scoped3A_74, %dma_start3A_264] : memref<16x128xi32, #tpu.memory_space<vmem>> -> memref<1x128xi32, #tpu.memory_space<vmem>>
        %dma_start3A_266 = tpu.memref_squeeze %dma_start3A_265 : memref<1x128xi32, #tpu.memory_space<vmem>> -> memref<128xi32, #tpu.memory_space<vmem>>
        %dma_start3A_267 = arith.constant 0 : i32
        %dma_start3A_268 = arith.constant 0 : i32
        %dma_start3A_269 = tpu.memref_slice %arg10[%dma_start3A_267, %dma_start3A_268] : memref<10240x128xf32, #tpu.memory_space<vmem_shared>> -> memref<10240x128xf32, #tpu.memory_space<vmem_shared>>
        tpu.enqueue_indirect_dma source(%arg8 : memref<128x128xf32, #tpu.memory_space<vmem>>) target(%dma_start3A_269 : memref<10240x128xf32, #tpu.memory_space<vmem_shared>>) offsets(%dma_start3A_266 : memref<128xi32, #tpu.memory_space<vmem>>) semaphore(%run_scoped3A_263 : memref<!tpu.dma_semaphore, #tpu.memory_space<semaphore_mem>>) {add = true}
        %dma_wait3A_270 = arith.constant 0 : i32
        %dma_wait3A_271 = tpu.memref_slice %arg7[%run_scoped3A_74, %dma_wait3A_270] : memref<16x128xi32, #tpu.memory_space<vmem>> -> memref<1x128xi32, #tpu.memory_space<vmem>>
        %dma_wait3A_272 = tpu.memref_squeeze %dma_wait3A_271 : memref<1x128xi32, #tpu.memory_space<vmem>> -> memref<128xi32, #tpu.memory_space<vmem>>
        %dma_wait3A_273 = arith.constant 0 : i32
        %dma_wait3A_274 = arith.constant 0 : i32
        %dma_wait3A_275 = tpu.memref_slice %arg10[%dma_wait3A_273, %dma_wait3A_274] : memref<10240x128xf32, #tpu.memory_space<vmem_shared>> -> memref<10240x128xf32, #tpu.memory_space<vmem_shared>>
        tpu.wait_indirect_dma semaphore(%run_scoped3A_263 : memref<!tpu.dma_semaphore, #tpu.memory_space<semaphore_mem>>) src(%arg8 : memref<128x128xf32, #tpu.memory_space<vmem>>) dst(%dma_wait3A_275 : memref<10240x128xf32, #tpu.memory_space<vmem_shared>>)
        tpu.yield
      }) : () -> ()
      %dma_wait3A_75 = arith.constant 3 : i32
      %dma_wait3A_76 = arith.constant 0 : i32
      %dma_wait3A_77 = tpu.memref_slice %arg6[%dma_wait3A_75, %dma_wait3A_76] : memref<16x128xi32, #tpu.memory_space<vmem>> -> memref<1x128xi32, #tpu.memory_space<vmem>>
      %dma_wait3A_78 = tpu.memref_squeeze %dma_wait3A_77 : memref<1x128xi32, #tpu.memory_space<vmem>> -> memref<128xi32, #tpu.memory_space<vmem>>
      %dma_wait3A_79 = arith.constant 0 : i32
      %dma_wait3A_80 = arith.constant 0 : i32
      %dma_wait3A_81 = tpu.memref_slice %arg2[%dma_wait3A_79, %dma_wait3A_80] : memref<10240x128xf32, #tpu.memory_space<hbm>> -> memref<10240x128xf32, #tpu.memory_space<hbm>>
      tpu.wait_indirect_dma semaphore(%arg12 : memref<!tpu.dma_semaphore, #tpu.memory_space<semaphore_mem>>) src(%dma_wait3A_81 : memref<10240x128xf32, #tpu.memory_space<hbm>>) dst(%arg9 : memref<128x128xf32, #tpu.memory_space<vmem>>)
      %dma_start3A_82 = arith.constant 4 : i32
      %dma_start3A_83 = arith.constant 0 : i32
      %dma_start3A_84 = tpu.memref_slice %arg6[%dma_start3A_82, %dma_start3A_83] : memref<16x128xi32, #tpu.memory_space<vmem>> -> memref<1x128xi32, #tpu.memory_space<vmem>>
      %dma_start3A_85 = tpu.memref_squeeze %dma_start3A_84 : memref<1x128xi32, #tpu.memory_space<vmem>> -> memref<128xi32, #tpu.memory_space<vmem>>
      %dma_start3A_86 = arith.constant 0 : i32
      %dma_start3A_87 = arith.constant 0 : i32
      %dma_start3A_88 = tpu.memref_slice %arg2[%dma_start3A_86, %dma_start3A_87] : memref<10240x128xf32, #tpu.memory_space<hbm>> -> memref<10240x128xf32, #tpu.memory_space<hbm>>
      tpu.enqueue_indirect_dma source(%dma_start3A_88 : memref<10240x128xf32, #tpu.memory_space<hbm>>) target(%arg8 : memref<128x128xf32, #tpu.memory_space<vmem>>) offsets(%dma_start3A_85 : memref<128xi32, #tpu.memory_space<vmem>>) semaphore(%arg11 : memref<!tpu.dma_semaphore, #tpu.memory_space<semaphore_mem>>)
      %run_scoped3A_89 = arith.constant 3 : i32
      "tpu.region"() ({
        %run_scoped3A_263 = tpu.sem_alloc : memref<!tpu.dma_semaphore, #tpu.memory_space<semaphore_mem>>
        %dma_start3A_264 = arith.constant 0 : i32
        %dma_start3A_265 = tpu.memref_slice %arg7[%run_scoped3A_89, %dma_start3A_264] : memref<16x128xi32, #tpu.memory_space<vmem>> -> memref<1x128xi32, #tpu.memory_space<vmem>>
        %dma_start3A_266 = tpu.memref_squeeze %dma_start3A_265 : memref<1x128xi32, #tpu.memory_space<vmem>> -> memref<128xi32, #tpu.memory_space<vmem>>
        %dma_start3A_267 = arith.constant 0 : i32
        %dma_start3A_268 = arith.constant 0 : i32
        %dma_start3A_269 = tpu.memref_slice %arg10[%dma_start3A_267, %dma_start3A_268] : memref<10240x128xf32, #tpu.memory_space<vmem_shared>> -> memref<10240x128xf32, #tpu.memory_space<vmem_shared>>
        tpu.enqueue_indirect_dma source(%arg9 : memref<128x128xf32, #tpu.memory_space<vmem>>) target(%dma_start3A_269 : memref<10240x128xf32, #tpu.memory_space<vmem_shared>>) offsets(%dma_start3A_266 : memref<128xi32, #tpu.memory_space<vmem>>) semaphore(%run_scoped3A_263 : memref<!tpu.dma_semaphore, #tpu.memory_space<semaphore_mem>>) {add = true}
        %dma_wait3A_270 = arith.constant 0 : i32
        %dma_wait3A_271 = tpu.memref_slice %arg7[%run_scoped3A_89, %dma_wait3A_270] : memref<16x128xi32, #tpu.memory_space<vmem>> -> memref<1x128xi32, #tpu.memory_space<vmem>>
        %dma_wait3A_272 = tpu.memref_squeeze %dma_wait3A_271 : memref<1x128xi32, #tpu.memory_space<vmem>> -> memref<128xi32, #tpu.memory_space<vmem>>
        %dma_wait3A_273 = arith.constant 0 : i32
        %dma_wait3A_274 = arith.constant 0 : i32
        %dma_wait3A_275 = tpu.memref_slice %arg10[%dma_wait3A_273, %dma_wait3A_274] : memref<10240x128xf32, #tpu.memory_space<vmem_shared>> -> memref<10240x128xf32, #tpu.memory_space<vmem_shared>>
        tpu.wait_indirect_dma semaphore(%run_scoped3A_263 : memref<!tpu.dma_semaphore, #tpu.memory_space<semaphore_mem>>) src(%arg9 : memref<128x128xf32, #tpu.memory_space<vmem>>) dst(%dma_wait3A_275 : memref<10240x128xf32, #tpu.memory_space<vmem_shared>>)
        tpu.yield
      }) : () -> ()
      %dma_wait3A_90 = arith.constant 4 : i32
      %dma_wait3A_91 = arith.constant 0 : i32
      %dma_wait3A_92 = tpu.memref_slice %arg6[%dma_wait3A_90, %dma_wait3A_91] : memref<16x128xi32, #tpu.memory_space<vmem>> -> memref<1x128xi32, #tpu.memory_space<vmem>>
      %dma_wait3A_93 = tpu.memref_squeeze %dma_wait3A_92 : memref<1x128xi32, #tpu.memory_space<vmem>> -> memref<128xi32, #tpu.memory_space<vmem>>
      %dma_wait3A_94 = arith.constant 0 : i32
      %dma_wait3A_95 = arith.constant 0 : i32
      %dma_wait3A_96 = tpu.memref_slice %arg2[%dma_wait3A_94, %dma_wait3A_95] : memref<10240x128xf32, #tpu.memory_space<hbm>> -> memref<10240x128xf32, #tpu.memory_space<hbm>>
      tpu.wait_indirect_dma semaphore(%arg11 : memref<!tpu.dma_semaphore, #tpu.memory_space<semaphore_mem>>) src(%dma_wait3A_96 : memref<10240x128xf32, #tpu.memory_space<hbm>>) dst(%arg8 : memref<128x128xf32, #tpu.memory_space<vmem>>)
      %dma_start3A_97 = arith.constant 5 : i32
      %dma_start3A_98 = arith.constant 0 : i32
      %dma_start3A_99 = tpu.memref_slice %arg6[%dma_start3A_97, %dma_start3A_98] : memref<16x128xi32, #tpu.memory_space<vmem>> -> memref<1x128xi32, #tpu.memory_space<vmem>>
      %dma_start3A_100 = tpu.memref_squeeze %dma_start3A_99 : memref<1x128xi32, #tpu.memory_space<vmem>> -> memref<128xi32, #tpu.memory_space<vmem>>
      %dma_start3A_101 = arith.constant 0 : i32
      %dma_start3A_102 = arith.constant 0 : i32
      %dma_start3A_103 = tpu.memref_slice %arg2[%dma_start3A_101, %dma_start3A_102] : memref<10240x128xf32, #tpu.memory_space<hbm>> -> memref<10240x128xf32, #tpu.memory_space<hbm>>
      tpu.enqueue_indirect_dma source(%dma_start3A_103 : memref<10240x128xf32, #tpu.memory_space<hbm>>) target(%arg9 : memref<128x128xf32, #tpu.memory_space<vmem>>) offsets(%dma_start3A_100 : memref<128xi32, #tpu.memory_space<vmem>>) semaphore(%arg12 : memref<!tpu.dma_semaphore, #tpu.memory_space<semaphore_mem>>)
      %run_scoped3A_104 = arith.constant 4 : i32
      "tpu.region"() ({
        %run_scoped3A_263 = tpu.sem_alloc : memref<!tpu.dma_semaphore, #tpu.memory_space<semaphore_mem>>
        %dma_start3A_264 = arith.constant 0 : i32
        %dma_start3A_265 = tpu.memref_slice %arg7[%run_scoped3A_104, %dma_start3A_264] : memref<16x128xi32, #tpu.memory_space<vmem>> -> memref<1x128xi32, #tpu.memory_space<vmem>>
        %dma_start3A_266 = tpu.memref_squeeze %dma_start3A_265 : memref<1x128xi32, #tpu.memory_space<vmem>> -> memref<128xi32, #tpu.memory_space<vmem>>
        %dma_start3A_267 = arith.constant 0 : i32
        %dma_start3A_268 = arith.constant 0 : i32
        %dma_start3A_269 = tpu.memref_slice %arg10[%dma_start3A_267, %dma_start3A_268] : memref<10240x128xf32, #tpu.memory_space<vmem_shared>> -> memref<10240x128xf32, #tpu.memory_space<vmem_shared>>
        tpu.enqueue_indirect_dma source(%arg8 : memref<128x128xf32, #tpu.memory_space<vmem>>) target(%dma_start3A_269 : memref<10240x128xf32, #tpu.memory_space<vmem_shared>>) offsets(%dma_start3A_266 : memref<128xi32, #tpu.memory_space<vmem>>) semaphore(%run_scoped3A_263 : memref<!tpu.dma_semaphore, #tpu.memory_space<semaphore_mem>>) {add = true}
        %dma_wait3A_270 = arith.constant 0 : i32
        %dma_wait3A_271 = tpu.memref_slice %arg7[%run_scoped3A_104, %dma_wait3A_270] : memref<16x128xi32, #tpu.memory_space<vmem>> -> memref<1x128xi32, #tpu.memory_space<vmem>>
        %dma_wait3A_272 = tpu.memref_squeeze %dma_wait3A_271 : memref<1x128xi32, #tpu.memory_space<vmem>> -> memref<128xi32, #tpu.memory_space<vmem>>
        %dma_wait3A_273 = arith.constant 0 : i32
        %dma_wait3A_274 = arith.constant 0 : i32
        %dma_wait3A_275 = tpu.memref_slice %arg10[%dma_wait3A_273, %dma_wait3A_274] : memref<10240x128xf32, #tpu.memory_space<vmem_shared>> -> memref<10240x128xf32, #tpu.memory_space<vmem_shared>>
        tpu.wait_indirect_dma semaphore(%run_scoped3A_263 : memref<!tpu.dma_semaphore, #tpu.memory_space<semaphore_mem>>) src(%arg8 : memref<128x128xf32, #tpu.memory_space<vmem>>) dst(%dma_wait3A_275 : memref<10240x128xf32, #tpu.memory_space<vmem_shared>>)
        tpu.yield
      }) : () -> ()
      %dma_wait3A_105 = arith.constant 5 : i32
      %dma_wait3A_106 = arith.constant 0 : i32
      %dma_wait3A_107 = tpu.memref_slice %arg6[%dma_wait3A_105, %dma_wait3A_106] : memref<16x128xi32, #tpu.memory_space<vmem>> -> memref<1x128xi32, #tpu.memory_space<vmem>>
      %dma_wait3A_108 = tpu.memref_squeeze %dma_wait3A_107 : memref<1x128xi32, #tpu.memory_space<vmem>> -> memref<128xi32, #tpu.memory_space<vmem>>
      %dma_wait3A_109 = arith.constant 0 : i32
      %dma_wait3A_110 = arith.constant 0 : i32
      %dma_wait3A_111 = tpu.memref_slice %arg2[%dma_wait3A_109, %dma_wait3A_110] : memref<10240x128xf32, #tpu.memory_space<hbm>> -> memref<10240x128xf32, #tpu.memory_space<hbm>>
      tpu.wait_indirect_dma semaphore(%arg12 : memref<!tpu.dma_semaphore, #tpu.memory_space<semaphore_mem>>) src(%dma_wait3A_111 : memref<10240x128xf32, #tpu.memory_space<hbm>>) dst(%arg9 : memref<128x128xf32, #tpu.memory_space<vmem>>)
      %dma_start3A_112 = arith.constant 6 : i32
      %dma_start3A_113 = arith.constant 0 : i32
      %dma_start3A_114 = tpu.memref_slice %arg6[%dma_start3A_112, %dma_start3A_113] : memref<16x128xi32, #tpu.memory_space<vmem>> -> memref<1x128xi32, #tpu.memory_space<vmem>>
      %dma_start3A_115 = tpu.memref_squeeze %dma_start3A_114 : memref<1x128xi32, #tpu.memory_space<vmem>> -> memref<128xi32, #tpu.memory_space<vmem>>
      %dma_start3A_116 = arith.constant 0 : i32
      %dma_start3A_117 = arith.constant 0 : i32
      %dma_start3A_118 = tpu.memref_slice %arg2[%dma_start3A_116, %dma_start3A_117] : memref<10240x128xf32, #tpu.memory_space<hbm>> -> memref<10240x128xf32, #tpu.memory_space<hbm>>
      tpu.enqueue_indirect_dma source(%dma_start3A_118 : memref<10240x128xf32, #tpu.memory_space<hbm>>) target(%arg8 : memref<128x128xf32, #tpu.memory_space<vmem>>) offsets(%dma_start3A_115 : memref<128xi32, #tpu.memory_space<vmem>>) semaphore(%arg11 : memref<!tpu.dma_semaphore, #tpu.memory_space<semaphore_mem>>)
      %run_scoped3A_119 = arith.constant 5 : i32
      "tpu.region"() ({
        %run_scoped3A_263 = tpu.sem_alloc : memref<!tpu.dma_semaphore, #tpu.memory_space<semaphore_mem>>
        %dma_start3A_264 = arith.constant 0 : i32
        %dma_start3A_265 = tpu.memref_slice %arg7[%run_scoped3A_119, %dma_start3A_264] : memref<16x128xi32, #tpu.memory_space<vmem>> -> memref<1x128xi32, #tpu.memory_space<vmem>>
        %dma_start3A_266 = tpu.memref_squeeze %dma_start3A_265 : memref<1x128xi32, #tpu.memory_space<vmem>> -> memref<128xi32, #tpu.memory_space<vmem>>
        %dma_start3A_267 = arith.constant 0 : i32
        %dma_start3A_268 = arith.constant 0 : i32
        %dma_start3A_269 = tpu.memref_slice %arg10[%dma_start3A_267, %dma_start3A_268] : memref<10240x128xf32, #tpu.memory_space<vmem_shared>> -> memref<10240x128xf32, #tpu.memory_space<vmem_shared>>
        tpu.enqueue_indirect_dma source(%arg9 : memref<128x128xf32, #tpu.memory_space<vmem>>) target(%dma_start3A_269 : memref<10240x128xf32, #tpu.memory_space<vmem_shared>>) offsets(%dma_start3A_266 : memref<128xi32, #tpu.memory_space<vmem>>) semaphore(%run_scoped3A_263 : memref<!tpu.dma_semaphore, #tpu.memory_space<semaphore_mem>>) {add = true}
        %dma_wait3A_270 = arith.constant 0 : i32
        %dma_wait3A_271 = tpu.memref_slice %arg7[%run_scoped3A_119, %dma_wait3A_270] : memref<16x128xi32, #tpu.memory_space<vmem>> -> memref<1x128xi32, #tpu.memory_space<vmem>>
        %dma_wait3A_272 = tpu.memref_squeeze %dma_wait3A_271 : memref<1x128xi32, #tpu.memory_space<vmem>> -> memref<128xi32, #tpu.memory_space<vmem>>
        %dma_wait3A_273 = arith.constant 0 : i32
        %dma_wait3A_274 = arith.constant 0 : i32
        %dma_wait3A_275 = tpu.memref_slice %arg10[%dma_wait3A_273, %dma_wait3A_274] : memref<10240x128xf32, #tpu.memory_space<vmem_shared>> -> memref<10240x128xf32, #tpu.memory_space<vmem_shared>>
        tpu.wait_indirect_dma semaphore(%run_scoped3A_263 : memref<!tpu.dma_semaphore, #tpu.memory_space<semaphore_mem>>) src(%arg9 : memref<128x128xf32, #tpu.memory_space<vmem>>) dst(%dma_wait3A_275 : memref<10240x128xf32, #tpu.memory_space<vmem_shared>>)
        tpu.yield
      }) : () -> ()
      %dma_wait3A_120 = arith.constant 6 : i32
      %dma_wait3A_121 = arith.constant 0 : i32
      %dma_wait3A_122 = tpu.memref_slice %arg6[%dma_wait3A_120, %dma_wait3A_121] : memref<16x128xi32, #tpu.memory_space<vmem>> -> memref<1x128xi32, #tpu.memory_space<vmem>>
      %dma_wait3A_123 = tpu.memref_squeeze %dma_wait3A_122 : memref<1x128xi32, #tpu.memory_space<vmem>> -> memref<128xi32, #tpu.memory_space<vmem>>
      %dma_wait3A_124 = arith.constant 0 : i32
      %dma_wait3A_125 = arith.constant 0 : i32
      %dma_wait3A_126 = tpu.memref_slice %arg2[%dma_wait3A_124, %dma_wait3A_125] : memref<10240x128xf32, #tpu.memory_space<hbm>> -> memref<10240x128xf32, #tpu.memory_space<hbm>>
      tpu.wait_indirect_dma semaphore(%arg11 : memref<!tpu.dma_semaphore, #tpu.memory_space<semaphore_mem>>) src(%dma_wait3A_126 : memref<10240x128xf32, #tpu.memory_space<hbm>>) dst(%arg8 : memref<128x128xf32, #tpu.memory_space<vmem>>)
      %dma_start3A_127 = arith.constant 7 : i32
      %dma_start3A_128 = arith.constant 0 : i32
      %dma_start3A_129 = tpu.memref_slice %arg6[%dma_start3A_127, %dma_start3A_128] : memref<16x128xi32, #tpu.memory_space<vmem>> -> memref<1x128xi32, #tpu.memory_space<vmem>>
      %dma_start3A_130 = tpu.memref_squeeze %dma_start3A_129 : memref<1x128xi32, #tpu.memory_space<vmem>> -> memref<128xi32, #tpu.memory_space<vmem>>
      %dma_start3A_131 = arith.constant 0 : i32
      %dma_start3A_132 = arith.constant 0 : i32
      %dma_start3A_133 = tpu.memref_slice %arg2[%dma_start3A_131, %dma_start3A_132] : memref<10240x128xf32, #tpu.memory_space<hbm>> -> memref<10240x128xf32, #tpu.memory_space<hbm>>
      tpu.enqueue_indirect_dma source(%dma_start3A_133 : memref<10240x128xf32, #tpu.memory_space<hbm>>) target(%arg9 : memref<128x128xf32, #tpu.memory_space<vmem>>) offsets(%dma_start3A_130 : memref<128xi32, #tpu.memory_space<vmem>>) semaphore(%arg12 : memref<!tpu.dma_semaphore, #tpu.memory_space<semaphore_mem>>)
      %run_scoped3A_134 = arith.constant 6 : i32
      "tpu.region"() ({
        %run_scoped3A_263 = tpu.sem_alloc : memref<!tpu.dma_semaphore, #tpu.memory_space<semaphore_mem>>
        %dma_start3A_264 = arith.constant 0 : i32
        %dma_start3A_265 = tpu.memref_slice %arg7[%run_scoped3A_134, %dma_start3A_264] : memref<16x128xi32, #tpu.memory_space<vmem>> -> memref<1x128xi32, #tpu.memory_space<vmem>>
        %dma_start3A_266 = tpu.memref_squeeze %dma_start3A_265 : memref<1x128xi32, #tpu.memory_space<vmem>> -> memref<128xi32, #tpu.memory_space<vmem>>
        %dma_start3A_267 = arith.constant 0 : i32
        %dma_start3A_268 = arith.constant 0 : i32
        %dma_start3A_269 = tpu.memref_slice %arg10[%dma_start3A_267, %dma_start3A_268] : memref<10240x128xf32, #tpu.memory_space<vmem_shared>> -> memref<10240x128xf32, #tpu.memory_space<vmem_shared>>
        tpu.enqueue_indirect_dma source(%arg8 : memref<128x128xf32, #tpu.memory_space<vmem>>) target(%dma_start3A_269 : memref<10240x128xf32, #tpu.memory_space<vmem_shared>>) offsets(%dma_start3A_266 : memref<128xi32, #tpu.memory_space<vmem>>) semaphore(%run_scoped3A_263 : memref<!tpu.dma_semaphore, #tpu.memory_space<semaphore_mem>>) {add = true}
        %dma_wait3A_270 = arith.constant 0 : i32
        %dma_wait3A_271 = tpu.memref_slice %arg7[%run_scoped3A_134, %dma_wait3A_270] : memref<16x128xi32, #tpu.memory_space<vmem>> -> memref<1x128xi32, #tpu.memory_space<vmem>>
        %dma_wait3A_272 = tpu.memref_squeeze %dma_wait3A_271 : memref<1x128xi32, #tpu.memory_space<vmem>> -> memref<128xi32, #tpu.memory_space<vmem>>
        %dma_wait3A_273 = arith.constant 0 : i32
        %dma_wait3A_274 = arith.constant 0 : i32
        %dma_wait3A_275 = tpu.memref_slice %arg10[%dma_wait3A_273, %dma_wait3A_274] : memref<10240x128xf32, #tpu.memory_space<vmem_shared>> -> memref<10240x128xf32, #tpu.memory_space<vmem_shared>>
        tpu.wait_indirect_dma semaphore(%run_scoped3A_263 : memref<!tpu.dma_semaphore, #tpu.memory_space<semaphore_mem>>) src(%arg8 : memref<128x128xf32, #tpu.memory_space<vmem>>) dst(%dma_wait3A_275 : memref<10240x128xf32, #tpu.memory_space<vmem_shared>>)
        tpu.yield
      }) : () -> ()
      %dma_wait3A_135 = arith.constant 7 : i32
      %dma_wait3A_136 = arith.constant 0 : i32
      %dma_wait3A_137 = tpu.memref_slice %arg6[%dma_wait3A_135, %dma_wait3A_136] : memref<16x128xi32, #tpu.memory_space<vmem>> -> memref<1x128xi32, #tpu.memory_space<vmem>>
      %dma_wait3A_138 = tpu.memref_squeeze %dma_wait3A_137 : memref<1x128xi32, #tpu.memory_space<vmem>> -> memref<128xi32, #tpu.memory_space<vmem>>
      %dma_wait3A_139 = arith.constant 0 : i32
      %dma_wait3A_140 = arith.constant 0 : i32
      %dma_wait3A_141 = tpu.memref_slice %arg2[%dma_wait3A_139, %dma_wait3A_140] : memref<10240x128xf32, #tpu.memory_space<hbm>> -> memref<10240x128xf32, #tpu.memory_space<hbm>>
      tpu.wait_indirect_dma semaphore(%arg12 : memref<!tpu.dma_semaphore, #tpu.memory_space<semaphore_mem>>) src(%dma_wait3A_141 : memref<10240x128xf32, #tpu.memory_space<hbm>>) dst(%arg9 : memref<128x128xf32, #tpu.memory_space<vmem>>)
      %dma_start3A_142 = arith.constant 8 : i32
      %dma_start3A_143 = arith.constant 0 : i32
      %dma_start3A_144 = tpu.memref_slice %arg6[%dma_start3A_142, %dma_start3A_143] : memref<16x128xi32, #tpu.memory_space<vmem>> -> memref<1x128xi32, #tpu.memory_space<vmem>>
      %dma_start3A_145 = tpu.memref_squeeze %dma_start3A_144 : memref<1x128xi32, #tpu.memory_space<vmem>> -> memref<128xi32, #tpu.memory_space<vmem>>
      %dma_start3A_146 = arith.constant 0 : i32
      %dma_start3A_147 = arith.constant 0 : i32
      %dma_start3A_148 = tpu.memref_slice %arg2[%dma_start3A_146, %dma_start3A_147] : memref<10240x128xf32, #tpu.memory_space<hbm>> -> memref<10240x128xf32, #tpu.memory_space<hbm>>
      tpu.enqueue_indirect_dma source(%dma_start3A_148 : memref<10240x128xf32, #tpu.memory_space<hbm>>) target(%arg8 : memref<128x128xf32, #tpu.memory_space<vmem>>) offsets(%dma_start3A_145 : memref<128xi32, #tpu.memory_space<vmem>>) semaphore(%arg11 : memref<!tpu.dma_semaphore, #tpu.memory_space<semaphore_mem>>)
      %run_scoped3A_149 = arith.constant 7 : i32
      "tpu.region"() ({
        %run_scoped3A_263 = tpu.sem_alloc : memref<!tpu.dma_semaphore, #tpu.memory_space<semaphore_mem>>
        %dma_start3A_264 = arith.constant 0 : i32
        %dma_start3A_265 = tpu.memref_slice %arg7[%run_scoped3A_149, %dma_start3A_264] : memref<16x128xi32, #tpu.memory_space<vmem>> -> memref<1x128xi32, #tpu.memory_space<vmem>>
        %dma_start3A_266 = tpu.memref_squeeze %dma_start3A_265 : memref<1x128xi32, #tpu.memory_space<vmem>> -> memref<128xi32, #tpu.memory_space<vmem>>
        %dma_start3A_267 = arith.constant 0 : i32
        %dma_start3A_268 = arith.constant 0 : i32
        %dma_start3A_269 = tpu.memref_slice %arg10[%dma_start3A_267, %dma_start3A_268] : memref<10240x128xf32, #tpu.memory_space<vmem_shared>> -> memref<10240x128xf32, #tpu.memory_space<vmem_shared>>
        tpu.enqueue_indirect_dma source(%arg9 : memref<128x128xf32, #tpu.memory_space<vmem>>) target(%dma_start3A_269 : memref<10240x128xf32, #tpu.memory_space<vmem_shared>>) offsets(%dma_start3A_266 : memref<128xi32, #tpu.memory_space<vmem>>) semaphore(%run_scoped3A_263 : memref<!tpu.dma_semaphore, #tpu.memory_space<semaphore_mem>>) {add = true}
        %dma_wait3A_270 = arith.constant 0 : i32
        %dma_wait3A_271 = tpu.memref_slice %arg7[%run_scoped3A_149, %dma_wait3A_270] : memref<16x128xi32, #tpu.memory_space<vmem>> -> memref<1x128xi32, #tpu.memory_space<vmem>>
        %dma_wait3A_272 = tpu.memref_squeeze %dma_wait3A_271 : memref<1x128xi32, #tpu.memory_space<vmem>> -> memref<128xi32, #tpu.memory_space<vmem>>
        %dma_wait3A_273 = arith.constant 0 : i32
        %dma_wait3A_274 = arith.constant 0 : i32
        %dma_wait3A_275 = tpu.memref_slice %arg10[%dma_wait3A_273, %dma_wait3A_274] : memref<10240x128xf32, #tpu.memory_space<vmem_shared>> -> memref<10240x128xf32, #tpu.memory_space<vmem_shared>>
        tpu.wait_indirect_dma semaphore(%run_scoped3A_263 : memref<!tpu.dma_semaphore, #tpu.memory_space<semaphore_mem>>) src(%arg9 : memref<128x128xf32, #tpu.memory_space<vmem>>) dst(%dma_wait3A_275 : memref<10240x128xf32, #tpu.memory_space<vmem_shared>>)
        tpu.yield
      }) : () -> ()
      %dma_wait3A_150 = arith.constant 8 : i32
      %dma_wait3A_151 = arith.constant 0 : i32
      %dma_wait3A_152 = tpu.memref_slice %arg6[%dma_wait3A_150, %dma_wait3A_151] : memref<16x128xi32, #tpu.memory_space<vmem>> -> memref<1x128xi32, #tpu.memory_space<vmem>>
      %dma_wait3A_153 = tpu.memref_squeeze %dma_wait3A_152 : memref<1x128xi32, #tpu.memory_space<vmem>> -> memref<128xi32, #tpu.memory_space<vmem>>
      %dma_wait3A_154 = arith.constant 0 : i32
      %dma_wait3A_155 = arith.constant 0 : i32
      %dma_wait3A_156 = tpu.memref_slice %arg2[%dma_wait3A_154, %dma_wait3A_155] : memref<10240x128xf32, #tpu.memory_space<hbm>> -> memref<10240x128xf32, #tpu.memory_space<hbm>>
      tpu.wait_indirect_dma semaphore(%arg11 : memref<!tpu.dma_semaphore, #tpu.memory_space<semaphore_mem>>) src(%dma_wait3A_156 : memref<10240x128xf32, #tpu.memory_space<hbm>>) dst(%arg8 : memref<128x128xf32, #tpu.memory_space<vmem>>)
      %dma_start3A_157 = arith.constant 9 : i32
      %dma_start3A_158 = arith.constant 0 : i32
      %dma_start3A_159 = tpu.memref_slice %arg6[%dma_start3A_157, %dma_start3A_158] : memref<16x128xi32, #tpu.memory_space<vmem>> -> memref<1x128xi32, #tpu.memory_space<vmem>>
      %dma_start3A_160 = tpu.memref_squeeze %dma_start3A_159 : memref<1x128xi32, #tpu.memory_space<vmem>> -> memref<128xi32, #tpu.memory_space<vmem>>
      %dma_start3A_161 = arith.constant 0 : i32
      %dma_start3A_162 = arith.constant 0 : i32
      %dma_start3A_163 = tpu.memref_slice %arg2[%dma_start3A_161, %dma_start3A_162] : memref<10240x128xf32, #tpu.memory_space<hbm>> -> memref<10240x128xf32, #tpu.memory_space<hbm>>
      tpu.enqueue_indirect_dma source(%dma_start3A_163 : memref<10240x128xf32, #tpu.memory_space<hbm>>) target(%arg9 : memref<128x128xf32, #tpu.memory_space<vmem>>) offsets(%dma_start3A_160 : memref<128xi32, #tpu.memory_space<vmem>>) semaphore(%arg12 : memref<!tpu.dma_semaphore, #tpu.memory_space<semaphore_mem>>)
      %run_scoped3A_164 = arith.constant 8 : i32
      "tpu.region"() ({
        %run_scoped3A_263 = tpu.sem_alloc : memref<!tpu.dma_semaphore, #tpu.memory_space<semaphore_mem>>
        %dma_start3A_264 = arith.constant 0 : i32
        %dma_start3A_265 = tpu.memref_slice %arg7[%run_scoped3A_164, %dma_start3A_264] : memref<16x128xi32, #tpu.memory_space<vmem>> -> memref<1x128xi32, #tpu.memory_space<vmem>>
        %dma_start3A_266 = tpu.memref_squeeze %dma_start3A_265 : memref<1x128xi32, #tpu.memory_space<vmem>> -> memref<128xi32, #tpu.memory_space<vmem>>
        %dma_start3A_267 = arith.constant 0 : i32
        %dma_start3A_268 = arith.constant 0 : i32
        %dma_start3A_269 = tpu.memref_slice %arg10[%dma_start3A_267, %dma_start3A_268] : memref<10240x128xf32, #tpu.memory_space<vmem_shared>> -> memref<10240x128xf32, #tpu.memory_space<vmem_shared>>
        tpu.enqueue_indirect_dma source(%arg8 : memref<128x128xf32, #tpu.memory_space<vmem>>) target(%dma_start3A_269 : memref<10240x128xf32, #tpu.memory_space<vmem_shared>>) offsets(%dma_start3A_266 : memref<128xi32, #tpu.memory_space<vmem>>) semaphore(%run_scoped3A_263 : memref<!tpu.dma_semaphore, #tpu.memory_space<semaphore_mem>>) {add = true}
        %dma_wait3A_270 = arith.constant 0 : i32
        %dma_wait3A_271 = tpu.memref_slice %arg7[%run_scoped3A_164, %dma_wait3A_270] : memref<16x128xi32, #tpu.memory_space<vmem>> -> memref<1x128xi32, #tpu.memory_space<vmem>>
        %dma_wait3A_272 = tpu.memref_squeeze %dma_wait3A_271 : memref<1x128xi32, #tpu.memory_space<vmem>> -> memref<128xi32, #tpu.memory_space<vmem>>
        %dma_wait3A_273 = arith.constant 0 : i32
        %dma_wait3A_274 = arith.constant 0 : i32
        %dma_wait3A_275 = tpu.memref_slice %arg10[%dma_wait3A_273, %dma_wait3A_274] : memref<10240x128xf32, #tpu.memory_space<vmem_shared>> -> memref<10240x128xf32, #tpu.memory_space<vmem_shared>>
        tpu.wait_indirect_dma semaphore(%run_scoped3A_263 : memref<!tpu.dma_semaphore, #tpu.memory_space<semaphore_mem>>) src(%arg8 : memref<128x128xf32, #tpu.memory_space<vmem>>) dst(%dma_wait3A_275 : memref<10240x128xf32, #tpu.memory_space<vmem_shared>>)
        tpu.yield
      }) : () -> ()
      %dma_wait3A_165 = arith.constant 9 : i32
      %dma_wait3A_166 = arith.constant 0 : i32
      %dma_wait3A_167 = tpu.memref_slice %arg6[%dma_wait3A_165, %dma_wait3A_166] : memref<16x128xi32, #tpu.memory_space<vmem>> -> memref<1x128xi32, #tpu.memory_space<vmem>>
      %dma_wait3A_168 = tpu.memref_squeeze %dma_wait3A_167 : memref<1x128xi32, #tpu.memory_space<vmem>> -> memref<128xi32, #tpu.memory_space<vmem>>
      %dma_wait3A_169 = arith.constant 0 : i32
      %dma_wait3A_170 = arith.constant 0 : i32
      %dma_wait3A_171 = tpu.memref_slice %arg2[%dma_wait3A_169, %dma_wait3A_170] : memref<10240x128xf32, #tpu.memory_space<hbm>> -> memref<10240x128xf32, #tpu.memory_space<hbm>>
      tpu.wait_indirect_dma semaphore(%arg12 : memref<!tpu.dma_semaphore, #tpu.memory_space<semaphore_mem>>) src(%dma_wait3A_171 : memref<10240x128xf32, #tpu.memory_space<hbm>>) dst(%arg9 : memref<128x128xf32, #tpu.memory_space<vmem>>)
      %dma_start3A_172 = arith.constant 10 : i32
      %dma_start3A_173 = arith.constant 0 : i32
      %dma_start3A_174 = tpu.memref_slice %arg6[%dma_start3A_172, %dma_start3A_173] : memref<16x128xi32, #tpu.memory_space<vmem>> -> memref<1x128xi32, #tpu.memory_space<vmem>>
      %dma_start3A_175 = tpu.memref_squeeze %dma_start3A_174 : memref<1x128xi32, #tpu.memory_space<vmem>> -> memref<128xi32, #tpu.memory_space<vmem>>
      %dma_start3A_176 = arith.constant 0 : i32
      %dma_start3A_177 = arith.constant 0 : i32
      %dma_start3A_178 = tpu.memref_slice %arg2[%dma_start3A_176, %dma_start3A_177] : memref<10240x128xf32, #tpu.memory_space<hbm>> -> memref<10240x128xf32, #tpu.memory_space<hbm>>
      tpu.enqueue_indirect_dma source(%dma_start3A_178 : memref<10240x128xf32, #tpu.memory_space<hbm>>) target(%arg8 : memref<128x128xf32, #tpu.memory_space<vmem>>) offsets(%dma_start3A_175 : memref<128xi32, #tpu.memory_space<vmem>>) semaphore(%arg11 : memref<!tpu.dma_semaphore, #tpu.memory_space<semaphore_mem>>)
      %run_scoped3A_179 = arith.constant 9 : i32
      "tpu.region"() ({
        %run_scoped3A_263 = tpu.sem_alloc : memref<!tpu.dma_semaphore, #tpu.memory_space<semaphore_mem>>
        %dma_start3A_264 = arith.constant 0 : i32
        %dma_start3A_265 = tpu.memref_slice %arg7[%run_scoped3A_179, %dma_start3A_264] : memref<16x128xi32, #tpu.memory_space<vmem>> -> memref<1x128xi32, #tpu.memory_space<vmem>>
        %dma_start3A_266 = tpu.memref_squeeze %dma_start3A_265 : memref<1x128xi32, #tpu.memory_space<vmem>> -> memref<128xi32, #tpu.memory_space<vmem>>
        %dma_start3A_267 = arith.constant 0 : i32
        %dma_start3A_268 = arith.constant 0 : i32
        %dma_start3A_269 = tpu.memref_slice %arg10[%dma_start3A_267, %dma_start3A_268] : memref<10240x128xf32, #tpu.memory_space<vmem_shared>> -> memref<10240x128xf32, #tpu.memory_space<vmem_shared>>
        tpu.enqueue_indirect_dma source(%arg9 : memref<128x128xf32, #tpu.memory_space<vmem>>) target(%dma_start3A_269 : memref<10240x128xf32, #tpu.memory_space<vmem_shared>>) offsets(%dma_start3A_266 : memref<128xi32, #tpu.memory_space<vmem>>) semaphore(%run_scoped3A_263 : memref<!tpu.dma_semaphore, #tpu.memory_space<semaphore_mem>>) {add = true}
        %dma_wait3A_270 = arith.constant 0 : i32
        %dma_wait3A_271 = tpu.memref_slice %arg7[%run_scoped3A_179, %dma_wait3A_270] : memref<16x128xi32, #tpu.memory_space<vmem>> -> memref<1x128xi32, #tpu.memory_space<vmem>>
        %dma_wait3A_272 = tpu.memref_squeeze %dma_wait3A_271 : memref<1x128xi32, #tpu.memory_space<vmem>> -> memref<128xi32, #tpu.memory_space<vmem>>
        %dma_wait3A_273 = arith.constant 0 : i32
        %dma_wait3A_274 = arith.constant 0 : i32
        %dma_wait3A_275 = tpu.memref_slice %arg10[%dma_wait3A_273, %dma_wait3A_274] : memref<10240x128xf32, #tpu.memory_space<vmem_shared>> -> memref<10240x128xf32, #tpu.memory_space<vmem_shared>>
        tpu.wait_indirect_dma semaphore(%run_scoped3A_263 : memref<!tpu.dma_semaphore, #tpu.memory_space<semaphore_mem>>) src(%arg9 : memref<128x128xf32, #tpu.memory_space<vmem>>) dst(%dma_wait3A_275 : memref<10240x128xf32, #tpu.memory_space<vmem_shared>>)
        tpu.yield
      }) : () -> ()
      %dma_wait3A_180 = arith.constant 10 : i32
      %dma_wait3A_181 = arith.constant 0 : i32
      %dma_wait3A_182 = tpu.memref_slice %arg6[%dma_wait3A_180, %dma_wait3A_181] : memref<16x128xi32, #tpu.memory_space<vmem>> -> memref<1x128xi32, #tpu.memory_space<vmem>>
      %dma_wait3A_183 = tpu.memref_squeeze %dma_wait3A_182 : memref<1x128xi32, #tpu.memory_space<vmem>> -> memref<128xi32, #tpu.memory_space<vmem>>
      %dma_wait3A_184 = arith.constant 0 : i32
      %dma_wait3A_185 = arith.constant 0 : i32
      %dma_wait3A_186 = tpu.memref_slice %arg2[%dma_wait3A_184, %dma_wait3A_185] : memref<10240x128xf32, #tpu.memory_space<hbm>> -> memref<10240x128xf32, #tpu.memory_space<hbm>>
      tpu.wait_indirect_dma semaphore(%arg11 : memref<!tpu.dma_semaphore, #tpu.memory_space<semaphore_mem>>) src(%dma_wait3A_186 : memref<10240x128xf32, #tpu.memory_space<hbm>>) dst(%arg8 : memref<128x128xf32, #tpu.memory_space<vmem>>)
      %dma_start3A_187 = arith.constant 11 : i32
      %dma_start3A_188 = arith.constant 0 : i32
      %dma_start3A_189 = tpu.memref_slice %arg6[%dma_start3A_187, %dma_start3A_188] : memref<16x128xi32, #tpu.memory_space<vmem>> -> memref<1x128xi32, #tpu.memory_space<vmem>>
      %dma_start3A_190 = tpu.memref_squeeze %dma_start3A_189 : memref<1x128xi32, #tpu.memory_space<vmem>> -> memref<128xi32, #tpu.memory_space<vmem>>
      %dma_start3A_191 = arith.constant 0 : i32
      %dma_start3A_192 = arith.constant 0 : i32
      %dma_start3A_193 = tpu.memref_slice %arg2[%dma_start3A_191, %dma_start3A_192] : memref<10240x128xf32, #tpu.memory_space<hbm>> -> memref<10240x128xf32, #tpu.memory_space<hbm>>
      tpu.enqueue_indirect_dma source(%dma_start3A_193 : memref<10240x128xf32, #tpu.memory_space<hbm>>) target(%arg9 : memref<128x128xf32, #tpu.memory_space<vmem>>) offsets(%dma_start3A_190 : memref<128xi32, #tpu.memory_space<vmem>>) semaphore(%arg12 : memref<!tpu.dma_semaphore, #tpu.memory_space<semaphore_mem>>)
      %run_scoped3A_194 = arith.constant 10 : i32
      "tpu.region"() ({
        %run_scoped3A_263 = tpu.sem_alloc : memref<!tpu.dma_semaphore, #tpu.memory_space<semaphore_mem>>
        %dma_start3A_264 = arith.constant 0 : i32
        %dma_start3A_265 = tpu.memref_slice %arg7[%run_scoped3A_194, %dma_start3A_264] : memref<16x128xi32, #tpu.memory_space<vmem>> -> memref<1x128xi32, #tpu.memory_space<vmem>>
        %dma_start3A_266 = tpu.memref_squeeze %dma_start3A_265 : memref<1x128xi32, #tpu.memory_space<vmem>> -> memref<128xi32, #tpu.memory_space<vmem>>
        %dma_start3A_267 = arith.constant 0 : i32
        %dma_start3A_268 = arith.constant 0 : i32
        %dma_start3A_269 = tpu.memref_slice %arg10[%dma_start3A_267, %dma_start3A_268] : memref<10240x128xf32, #tpu.memory_space<vmem_shared>> -> memref<10240x128xf32, #tpu.memory_space<vmem_shared>>
        tpu.enqueue_indirect_dma source(%arg8 : memref<128x128xf32, #tpu.memory_space<vmem>>) target(%dma_start3A_269 : memref<10240x128xf32, #tpu.memory_space<vmem_shared>>) offsets(%dma_start3A_266 : memref<128xi32, #tpu.memory_space<vmem>>) semaphore(%run_scoped3A_263 : memref<!tpu.dma_semaphore, #tpu.memory_space<semaphore_mem>>) {add = true}
        %dma_wait3A_270 = arith.constant 0 : i32
        %dma_wait3A_271 = tpu.memref_slice %arg7[%run_scoped3A_194, %dma_wait3A_270] : memref<16x128xi32, #tpu.memory_space<vmem>> -> memref<1x128xi32, #tpu.memory_space<vmem>>
        %dma_wait3A_272 = tpu.memref_squeeze %dma_wait3A_271 : memref<1x128xi32, #tpu.memory_space<vmem>> -> memref<128xi32, #tpu.memory_space<vmem>>
        %dma_wait3A_273 = arith.constant 0 : i32
        %dma_wait3A_274 = arith.constant 0 : i32
        %dma_wait3A_275 = tpu.memref_slice %arg10[%dma_wait3A_273, %dma_wait3A_274] : memref<10240x128xf32, #tpu.memory_space<vmem_shared>> -> memref<10240x128xf32, #tpu.memory_space<vmem_shared>>
        tpu.wait_indirect_dma semaphore(%run_scoped3A_263 : memref<!tpu.dma_semaphore, #tpu.memory_space<semaphore_mem>>) src(%arg8 : memref<128x128xf32, #tpu.memory_space<vmem>>) dst(%dma_wait3A_275 : memref<10240x128xf32, #tpu.memory_space<vmem_shared>>)
        tpu.yield
      }) : () -> ()
      %dma_wait3A_195 = arith.constant 11 : i32
      %dma_wait3A_196 = arith.constant 0 : i32
      %dma_wait3A_197 = tpu.memref_slice %arg6[%dma_wait3A_195, %dma_wait3A_196] : memref<16x128xi32, #tpu.memory_space<vmem>> -> memref<1x128xi32, #tpu.memory_space<vmem>>
      %dma_wait3A_198 = tpu.memref_squeeze %dma_wait3A_197 : memref<1x128xi32, #tpu.memory_space<vmem>> -> memref<128xi32, #tpu.memory_space<vmem>>
      %dma_wait3A_199 = arith.constant 0 : i32
      %dma_wait3A_200 = arith.constant 0 : i32
      %dma_wait3A_201 = tpu.memref_slice %arg2[%dma_wait3A_199, %dma_wait3A_200] : memref<10240x128xf32, #tpu.memory_space<hbm>> -> memref<10240x128xf32, #tpu.memory_space<hbm>>
      tpu.wait_indirect_dma semaphore(%arg12 : memref<!tpu.dma_semaphore, #tpu.memory_space<semaphore_mem>>) src(%dma_wait3A_201 : memref<10240x128xf32, #tpu.memory_space<hbm>>) dst(%arg9 : memref<128x128xf32, #tpu.memory_space<vmem>>)
      %dma_start3A_202 = arith.constant 12 : i32
      %dma_start3A_203 = arith.constant 0 : i32
      %dma_start3A_204 = tpu.memref_slice %arg6[%dma_start3A_202, %dma_start3A_203] : memref<16x128xi32, #tpu.memory_space<vmem>> -> memref<1x128xi32, #tpu.memory_space<vmem>>
      %dma_start3A_205 = tpu.memref_squeeze %dma_start3A_204 : memref<1x128xi32, #tpu.memory_space<vmem>> -> memref<128xi32, #tpu.memory_space<vmem>>
      %dma_start3A_206 = arith.constant 0 : i32
      %dma_start3A_207 = arith.constant 0 : i32
      %dma_start3A_208 = tpu.memref_slice %arg2[%dma_start3A_206, %dma_start3A_207] : memref<10240x128xf32, #tpu.memory_space<hbm>> -> memref<10240x128xf32, #tpu.memory_space<hbm>>
      tpu.enqueue_indirect_dma source(%dma_start3A_208 : memref<10240x128xf32, #tpu.memory_space<hbm>>) target(%arg8 : memref<128x128xf32, #tpu.memory_space<vmem>>) offsets(%dma_start3A_205 : memref<128xi32, #tpu.memory_space<vmem>>) semaphore(%arg11 : memref<!tpu.dma_semaphore, #tpu.memory_space<semaphore_mem>>)
      %run_scoped3A_209 = arith.constant 11 : i32
      "tpu.region"() ({
        %run_scoped3A_263 = tpu.sem_alloc : memref<!tpu.dma_semaphore, #tpu.memory_space<semaphore_mem>>
        %dma_start3A_264 = arith.constant 0 : i32
        %dma_start3A_265 = tpu.memref_slice %arg7[%run_scoped3A_209, %dma_start3A_264] : memref<16x128xi32, #tpu.memory_space<vmem>> -> memref<1x128xi32, #tpu.memory_space<vmem>>
        %dma_start3A_266 = tpu.memref_squeeze %dma_start3A_265 : memref<1x128xi32, #tpu.memory_space<vmem>> -> memref<128xi32, #tpu.memory_space<vmem>>
        %dma_start3A_267 = arith.constant 0 : i32
        %dma_start3A_268 = arith.constant 0 : i32
        %dma_start3A_269 = tpu.memref_slice %arg10[%dma_start3A_267, %dma_start3A_268] : memref<10240x128xf32, #tpu.memory_space<vmem_shared>> -> memref<10240x128xf32, #tpu.memory_space<vmem_shared>>
        tpu.enqueue_indirect_dma source(%arg9 : memref<128x128xf32, #tpu.memory_space<vmem>>) target(%dma_start3A_269 : memref<10240x128xf32, #tpu.memory_space<vmem_shared>>) offsets(%dma_start3A_266 : memref<128xi32, #tpu.memory_space<vmem>>) semaphore(%run_scoped3A_263 : memref<!tpu.dma_semaphore, #tpu.memory_space<semaphore_mem>>) {add = true}
        %dma_wait3A_270 = arith.constant 0 : i32
        %dma_wait3A_271 = tpu.memref_slice %arg7[%run_scoped3A_209, %dma_wait3A_270] : memref<16x128xi32, #tpu.memory_space<vmem>> -> memref<1x128xi32, #tpu.memory_space<vmem>>
        %dma_wait3A_272 = tpu.memref_squeeze %dma_wait3A_271 : memref<1x128xi32, #tpu.memory_space<vmem>> -> memref<128xi32, #tpu.memory_space<vmem>>
        %dma_wait3A_273 = arith.constant 0 : i32
        %dma_wait3A_274 = arith.constant 0 : i32
        %dma_wait3A_275 = tpu.memref_slice %arg10[%dma_wait3A_273, %dma_wait3A_274] : memref<10240x128xf32, #tpu.memory_space<vmem_shared>> -> memref<10240x128xf32, #tpu.memory_space<vmem_shared>>
        tpu.wait_indirect_dma semaphore(%run_scoped3A_263 : memref<!tpu.dma_semaphore, #tpu.memory_space<semaphore_mem>>) src(%arg9 : memref<128x128xf32, #tpu.memory_space<vmem>>) dst(%dma_wait3A_275 : memref<10240x128xf32, #tpu.memory_space<vmem_shared>>)
        tpu.yield
      }) : () -> ()
      %dma_wait3A_210 = arith.constant 12 : i32
      %dma_wait3A_211 = arith.constant 0 : i32
      %dma_wait3A_212 = tpu.memref_slice %arg6[%dma_wait3A_210, %dma_wait3A_211] : memref<16x128xi32, #tpu.memory_space<vmem>> -> memref<1x128xi32, #tpu.memory_space<vmem>>
      %dma_wait3A_213 = tpu.memref_squeeze %dma_wait3A_212 : memref<1x128xi32, #tpu.memory_space<vmem>> -> memref<128xi32, #tpu.memory_space<vmem>>
      %dma_wait3A_214 = arith.constant 0 : i32
      %dma_wait3A_215 = arith.constant 0 : i32
      %dma_wait3A_216 = tpu.memref_slice %arg2[%dma_wait3A_214, %dma_wait3A_215] : memref<10240x128xf32, #tpu.memory_space<hbm>> -> memref<10240x128xf32, #tpu.memory_space<hbm>>
      tpu.wait_indirect_dma semaphore(%arg11 : memref<!tpu.dma_semaphore, #tpu.memory_space<semaphore_mem>>) src(%dma_wait3A_216 : memref<10240x128xf32, #tpu.memory_space<hbm>>) dst(%arg8 : memref<128x128xf32, #tpu.memory_space<vmem>>)
      %dma_start3A_217 = arith.constant 13 : i32
      %dma_start3A_218 = arith.constant 0 : i32
      %dma_start3A_219 = tpu.memref_slice %arg6[%dma_start3A_217, %dma_start3A_218] : memref<16x128xi32, #tpu.memory_space<vmem>> -> memref<1x128xi32, #tpu.memory_space<vmem>>
      %dma_start3A_220 = tpu.memref_squeeze %dma_start3A_219 : memref<1x128xi32, #tpu.memory_space<vmem>> -> memref<128xi32, #tpu.memory_space<vmem>>
      %dma_start3A_221 = arith.constant 0 : i32
      %dma_start3A_222 = arith.constant 0 : i32
      %dma_start3A_223 = tpu.memref_slice %arg2[%dma_start3A_221, %dma_start3A_222] : memref<10240x128xf32, #tpu.memory_space<hbm>> -> memref<10240x128xf32, #tpu.memory_space<hbm>>
      tpu.enqueue_indirect_dma source(%dma_start3A_223 : memref<10240x128xf32, #tpu.memory_space<hbm>>) target(%arg9 : memref<128x128xf32, #tpu.memory_space<vmem>>) offsets(%dma_start3A_220 : memref<128xi32, #tpu.memory_space<vmem>>) semaphore(%arg12 : memref<!tpu.dma_semaphore, #tpu.memory_space<semaphore_mem>>)
      %run_scoped3A_224 = arith.constant 12 : i32
      "tpu.region"() ({
        %run_scoped3A_263 = tpu.sem_alloc : memref<!tpu.dma_semaphore, #tpu.memory_space<semaphore_mem>>
        %dma_start3A_264 = arith.constant 0 : i32
        %dma_start3A_265 = tpu.memref_slice %arg7[%run_scoped3A_224, %dma_start3A_264] : memref<16x128xi32, #tpu.memory_space<vmem>> -> memref<1x128xi32, #tpu.memory_space<vmem>>
        %dma_start3A_266 = tpu.memref_squeeze %dma_start3A_265 : memref<1x128xi32, #tpu.memory_space<vmem>> -> memref<128xi32, #tpu.memory_space<vmem>>
        %dma_start3A_267 = arith.constant 0 : i32
        %dma_start3A_268 = arith.constant 0 : i32
        %dma_start3A_269 = tpu.memref_slice %arg10[%dma_start3A_267, %dma_start3A_268] : memref<10240x128xf32, #tpu.memory_space<vmem_shared>> -> memref<10240x128xf32, #tpu.memory_space<vmem_shared>>
        tpu.enqueue_indirect_dma source(%arg8 : memref<128x128xf32, #tpu.memory_space<vmem>>) target(%dma_start3A_269 : memref<10240x128xf32, #tpu.memory_space<vmem_shared>>) offsets(%dma_start3A_266 : memref<128xi32, #tpu.memory_space<vmem>>) semaphore(%run_scoped3A_263 : memref<!tpu.dma_semaphore, #tpu.memory_space<semaphore_mem>>) {add = true}
        %dma_wait3A_270 = arith.constant 0 : i32
        %dma_wait3A_271 = tpu.memref_slice %arg7[%run_scoped3A_224, %dma_wait3A_270] : memref<16x128xi32, #tpu.memory_space<vmem>> -> memref<1x128xi32, #tpu.memory_space<vmem>>
        %dma_wait3A_272 = tpu.memref_squeeze %dma_wait3A_271 : memref<1x128xi32, #tpu.memory_space<vmem>> -> memref<128xi32, #tpu.memory_space<vmem>>
        %dma_wait3A_273 = arith.constant 0 : i32
        %dma_wait3A_274 = arith.constant 0 : i32
        %dma_wait3A_275 = tpu.memref_slice %arg10[%dma_wait3A_273, %dma_wait3A_274] : memref<10240x128xf32, #tpu.memory_space<vmem_shared>> -> memref<10240x128xf32, #tpu.memory_space<vmem_shared>>
        tpu.wait_indirect_dma semaphore(%run_scoped3A_263 : memref<!tpu.dma_semaphore, #tpu.memory_space<semaphore_mem>>) src(%arg8 : memref<128x128xf32, #tpu.memory_space<vmem>>) dst(%dma_wait3A_275 : memref<10240x128xf32, #tpu.memory_space<vmem_shared>>)
        tpu.yield
      }) : () -> ()
      %dma_wait3A_225 = arith.constant 13 : i32
      %dma_wait3A_226 = arith.constant 0 : i32
      %dma_wait3A_227 = tpu.memref_slice %arg6[%dma_wait3A_225, %dma_wait3A_226] : memref<16x128xi32, #tpu.memory_space<vmem>> -> memref<1x128xi32, #tpu.memory_space<vmem>>
      %dma_wait3A_228 = tpu.memref_squeeze %dma_wait3A_227 : memref<1x128xi32, #tpu.memory_space<vmem>> -> memref<128xi32, #tpu.memory_space<vmem>>
      %dma_wait3A_229 = arith.constant 0 : i32
      %dma_wait3A_230 = arith.constant 0 : i32
      %dma_wait3A_231 = tpu.memref_slice %arg2[%dma_wait3A_229, %dma_wait3A_230] : memref<10240x128xf32, #tpu.memory_space<hbm>> -> memref<10240x128xf32, #tpu.memory_space<hbm>>
      tpu.wait_indirect_dma semaphore(%arg12 : memref<!tpu.dma_semaphore, #tpu.memory_space<semaphore_mem>>) src(%dma_wait3A_231 : memref<10240x128xf32, #tpu.memory_space<hbm>>) dst(%arg9 : memref<128x128xf32, #tpu.memory_space<vmem>>)
      %dma_start3A_232 = arith.constant 14 : i32
      %dma_start3A_233 = arith.constant 0 : i32
      %dma_start3A_234 = tpu.memref_slice %arg6[%dma_start3A_232, %dma_start3A_233] : memref<16x128xi32, #tpu.memory_space<vmem>> -> memref<1x128xi32, #tpu.memory_space<vmem>>
      %dma_start3A_235 = tpu.memref_squeeze %dma_start3A_234 : memref<1x128xi32, #tpu.memory_space<vmem>> -> memref<128xi32, #tpu.memory_space<vmem>>
      %dma_start3A_236 = arith.constant 0 : i32
      %dma_start3A_237 = arith.constant 0 : i32
      %dma_start3A_238 = tpu.memref_slice %arg2[%dma_start3A_236, %dma_start3A_237] : memref<10240x128xf32, #tpu.memory_space<hbm>> -> memref<10240x128xf32, #tpu.memory_space<hbm>>
      tpu.enqueue_indirect_dma source(%dma_start3A_238 : memref<10240x128xf32, #tpu.memory_space<hbm>>) target(%arg8 : memref<128x128xf32, #tpu.memory_space<vmem>>) offsets(%dma_start3A_235 : memref<128xi32, #tpu.memory_space<vmem>>) semaphore(%arg11 : memref<!tpu.dma_semaphore, #tpu.memory_space<semaphore_mem>>)
      %run_scoped3A_239 = arith.constant 13 : i32
      "tpu.region"() ({
        %run_scoped3A_263 = tpu.sem_alloc : memref<!tpu.dma_semaphore, #tpu.memory_space<semaphore_mem>>
        %dma_start3A_264 = arith.constant 0 : i32
        %dma_start3A_265 = tpu.memref_slice %arg7[%run_scoped3A_239, %dma_start3A_264] : memref<16x128xi32, #tpu.memory_space<vmem>> -> memref<1x128xi32, #tpu.memory_space<vmem>>
        %dma_start3A_266 = tpu.memref_squeeze %dma_start3A_265 : memref<1x128xi32, #tpu.memory_space<vmem>> -> memref<128xi32, #tpu.memory_space<vmem>>
        %dma_start3A_267 = arith.constant 0 : i32
        %dma_start3A_268 = arith.constant 0 : i32
        %dma_start3A_269 = tpu.memref_slice %arg10[%dma_start3A_267, %dma_start3A_268] : memref<10240x128xf32, #tpu.memory_space<vmem_shared>> -> memref<10240x128xf32, #tpu.memory_space<vmem_shared>>
        tpu.enqueue_indirect_dma source(%arg9 : memref<128x128xf32, #tpu.memory_space<vmem>>) target(%dma_start3A_269 : memref<10240x128xf32, #tpu.memory_space<vmem_shared>>) offsets(%dma_start3A_266 : memref<128xi32, #tpu.memory_space<vmem>>) semaphore(%run_scoped3A_263 : memref<!tpu.dma_semaphore, #tpu.memory_space<semaphore_mem>>) {add = true}
        %dma_wait3A_270 = arith.constant 0 : i32
        %dma_wait3A_271 = tpu.memref_slice %arg7[%run_scoped3A_239, %dma_wait3A_270] : memref<16x128xi32, #tpu.memory_space<vmem>> -> memref<1x128xi32, #tpu.memory_space<vmem>>
        %dma_wait3A_272 = tpu.memref_squeeze %dma_wait3A_271 : memref<1x128xi32, #tpu.memory_space<vmem>> -> memref<128xi32, #tpu.memory_space<vmem>>
        %dma_wait3A_273 = arith.constant 0 : i32
        %dma_wait3A_274 = arith.constant 0 : i32
        %dma_wait3A_275 = tpu.memref_slice %arg10[%dma_wait3A_273, %dma_wait3A_274] : memref<10240x128xf32, #tpu.memory_space<vmem_shared>> -> memref<10240x128xf32, #tpu.memory_space<vmem_shared>>
        tpu.wait_indirect_dma semaphore(%run_scoped3A_263 : memref<!tpu.dma_semaphore, #tpu.memory_space<semaphore_mem>>) src(%arg9 : memref<128x128xf32, #tpu.memory_space<vmem>>) dst(%dma_wait3A_275 : memref<10240x128xf32, #tpu.memory_space<vmem_shared>>)
        tpu.yield
      }) : () -> ()
      %dma_wait3A_240 = arith.constant 14 : i32
      %dma_wait3A_241 = arith.constant 0 : i32
      %dma_wait3A_242 = tpu.memref_slice %arg6[%dma_wait3A_240, %dma_wait3A_241] : memref<16x128xi32, #tpu.memory_space<vmem>> -> memref<1x128xi32, #tpu.memory_space<vmem>>
      %dma_wait3A_243 = tpu.memref_squeeze %dma_wait3A_242 : memref<1x128xi32, #tpu.memory_space<vmem>> -> memref<128xi32, #tpu.memory_space<vmem>>
      %dma_wait3A_244 = arith.constant 0 : i32
      %dma_wait3A_245 = arith.constant 0 : i32
      %dma_wait3A_246 = tpu.memref_slice %arg2[%dma_wait3A_244, %dma_wait3A_245] : memref<10240x128xf32, #tpu.memory_space<hbm>> -> memref<10240x128xf32, #tpu.memory_space<hbm>>
      tpu.wait_indirect_dma semaphore(%arg11 : memref<!tpu.dma_semaphore, #tpu.memory_space<semaphore_mem>>) src(%dma_wait3A_246 : memref<10240x128xf32, #tpu.memory_space<hbm>>) dst(%arg8 : memref<128x128xf32, #tpu.memory_space<vmem>>)
      %dma_start3A_247 = arith.constant 15 : i32
      %dma_start3A_248 = arith.constant 0 : i32
      %dma_start3A_249 = tpu.memref_slice %arg6[%dma_start3A_247, %dma_start3A_248] : memref<16x128xi32, #tpu.memory_space<vmem>> -> memref<1x128xi32, #tpu.memory_space<vmem>>
      %dma_start3A_250 = tpu.memref_squeeze %dma_start3A_249 : memref<1x128xi32, #tpu.memory_space<vmem>> -> memref<128xi32, #tpu.memory_space<vmem>>
      %dma_start3A_251 = arith.constant 0 : i32
      %dma_start3A_252 = arith.constant 0 : i32
      %dma_start3A_253 = tpu.memref_slice %arg2[%dma_start3A_251, %dma_start3A_252] : memref<10240x128xf32, #tpu.memory_space<hbm>> -> memref<10240x128xf32, #tpu.memory_space<hbm>>
      tpu.enqueue_indirect_dma source(%dma_start3A_253 : memref<10240x128xf32, #tpu.memory_space<hbm>>) target(%arg9 : memref<128x128xf32, #tpu.memory_space<vmem>>) offsets(%dma_start3A_250 : memref<128xi32, #tpu.memory_space<vmem>>) semaphore(%arg12 : memref<!tpu.dma_semaphore, #tpu.memory_space<semaphore_mem>>)
      %run_scoped3A_254 = arith.constant 14 : i32
      "tpu.region"() ({
        %run_scoped3A_263 = tpu.sem_alloc : memref<!tpu.dma_semaphore, #tpu.memory_space<semaphore_mem>>
        %dma_start3A_264 = arith.constant 0 : i32
        %dma_start3A_265 = tpu.memref_slice %arg7[%run_scoped3A_254, %dma_start3A_264] : memref<16x128xi32, #tpu.memory_space<vmem>> -> memref<1x128xi32, #tpu.memory_space<vmem>>
        %dma_start3A_266 = tpu.memref_squeeze %dma_start3A_265 : memref<1x128xi32, #tpu.memory_space<vmem>> -> memref<128xi32, #tpu.memory_space<vmem>>
        %dma_start3A_267 = arith.constant 0 : i32
        %dma_start3A_268 = arith.constant 0 : i32
        %dma_start3A_269 = tpu.memref_slice %arg10[%dma_start3A_267, %dma_start3A_268] : memref<10240x128xf32, #tpu.memory_space<vmem_shared>> -> memref<10240x128xf32, #tpu.memory_space<vmem_shared>>
        tpu.enqueue_indirect_dma source(%arg8 : memref<128x128xf32, #tpu.memory_space<vmem>>) target(%dma_start3A_269 : memref<10240x128xf32, #tpu.memory_space<vmem_shared>>) offsets(%dma_start3A_266 : memref<128xi32, #tpu.memory_space<vmem>>) semaphore(%run_scoped3A_263 : memref<!tpu.dma_semaphore, #tpu.memory_space<semaphore_mem>>) {add = true}
        %dma_wait3A_270 = arith.constant 0 : i32
        %dma_wait3A_271 = tpu.memref_slice %arg7[%run_scoped3A_254, %dma_wait3A_270] : memref<16x128xi32, #tpu.memory_space<vmem>> -> memref<1x128xi32, #tpu.memory_space<vmem>>
        %dma_wait3A_272 = tpu.memref_squeeze %dma_wait3A_271 : memref<1x128xi32, #tpu.memory_space<vmem>> -> memref<128xi32, #tpu.memory_space<vmem>>
        %dma_wait3A_273 = arith.constant 0 : i32
        %dma_wait3A_274 = arith.constant 0 : i32
        %dma_wait3A_275 = tpu.memref_slice %arg10[%dma_wait3A_273, %dma_wait3A_274] : memref<10240x128xf32, #tpu.memory_space<vmem_shared>> -> memref<10240x128xf32, #tpu.memory_space<vmem_shared>>
        tpu.wait_indirect_dma semaphore(%run_scoped3A_263 : memref<!tpu.dma_semaphore, #tpu.memory_space<semaphore_mem>>) src(%arg8 : memref<128x128xf32, #tpu.memory_space<vmem>>) dst(%dma_wait3A_275 : memref<10240x128xf32, #tpu.memory_space<vmem_shared>>)
        tpu.yield
      }) : () -> ()
      %dma_wait3A_255 = arith.constant 15 : i32
      %dma_wait3A_256 = arith.constant 0 : i32
      %dma_wait3A_257 = tpu.memref_slice %arg6[%dma_wait3A_255, %dma_wait3A_256] : memref<16x128xi32, #tpu.memory_space<vmem>> -> memref<1x128xi32, #tpu.memory_space<vmem>>
      %dma_wait3A_258 = tpu.memref_squeeze %dma_wait3A_257 : memref<1x128xi32, #tpu.memory_space<vmem>> -> memref<128xi32, #tpu.memory_space<vmem>>
      %dma_wait3A_259 = arith.constant 0 : i32
      %dma_wait3A_260 = arith.constant 0 : i32
      %dma_wait3A_261 = tpu.memref_slice %arg2[%dma_wait3A_259, %dma_wait3A_260] : memref<10240x128xf32, #tpu.memory_space<hbm>> -> memref<10240x128xf32, #tpu.memory_space<hbm>>
      tpu.wait_indirect_dma semaphore(%arg12 : memref<!tpu.dma_semaphore, #tpu.memory_space<semaphore_mem>>) src(%dma_wait3A_261 : memref<10240x128xf32, #tpu.memory_space<hbm>>) dst(%arg9 : memref<128x128xf32, #tpu.memory_space<vmem>>)
      %run_scoped3A_262 = arith.constant 15 : i32
      "tpu.region"() ({
        %run_scoped3A_263 = tpu.sem_alloc : memref<!tpu.dma_semaphore, #tpu.memory_space<semaphore_mem>>
        %dma_start3A_264 = arith.constant 0 : i32
        %dma_start3A_265 = tpu.memref_slice %arg7[%run_scoped3A_262, %dma_start3A_264] : memref<16x128xi32, #tpu.memory_space<vmem>> -> memref<1x128xi32, #tpu.memory_space<vmem>>
        %dma_start3A_266 = tpu.memref_squeeze %dma_start3A_265 : memref<1x128xi32, #tpu.memory_space<vmem>> -> memref<128xi32, #tpu.memory_space<vmem>>
        %dma_start3A_267 = arith.constant 0 : i32
        %dma_start3A_268 = arith.constant 0 : i32
        %dma_start3A_269 = tpu.memref_slice %arg10[%dma_start3A_267, %dma_start3A_268] : memref<10240x128xf32, #tpu.memory_space<vmem_shared>> -> memref<10240x128xf32, #tpu.memory_space<vmem_shared>>
        tpu.enqueue_indirect_dma source(%arg9 : memref<128x128xf32, #tpu.memory_space<vmem>>) target(%dma_start3A_269 : memref<10240x128xf32, #tpu.memory_space<vmem_shared>>) offsets(%dma_start3A_266 : memref<128xi32, #tpu.memory_space<vmem>>) semaphore(%run_scoped3A_263 : memref<!tpu.dma_semaphore, #tpu.memory_space<semaphore_mem>>) {add = true}
        %dma_wait3A_270 = arith.constant 0 : i32
        %dma_wait3A_271 = tpu.memref_slice %arg7[%run_scoped3A_262, %dma_wait3A_270] : memref<16x128xi32, #tpu.memory_space<vmem>> -> memref<1x128xi32, #tpu.memory_space<vmem>>
        %dma_wait3A_272 = tpu.memref_squeeze %dma_wait3A_271 : memref<1x128xi32, #tpu.memory_space<vmem>> -> memref<128xi32, #tpu.memory_space<vmem>>
        %dma_wait3A_273 = arith.constant 0 : i32
        %dma_wait3A_274 = arith.constant 0 : i32
        %dma_wait3A_275 = tpu.memref_slice %arg10[%dma_wait3A_273, %dma_wait3A_274] : memref<10240x128xf32, #tpu.memory_space<vmem_shared>> -> memref<10240x128xf32, #tpu.memory_space<vmem_shared>>
        tpu.wait_indirect_dma semaphore(%run_scoped3A_263 : memref<!tpu.dma_semaphore, #tpu.memory_space<semaphore_mem>>) src(%arg9 : memref<128x128xf32, #tpu.memory_space<vmem>>) dst(%dma_wait3A_275 : memref<10240x128xf32, #tpu.memory_space<vmem_shared>>)
        tpu.yield
      }) : () -> ()
    }
    %while3A_15 = arith.constant 1 : i32
    scf.for %while3A_21 = %while3A_13 to %while3A_9 step %while3A_15  : i32 {
      %mul3A_22 = arith.constant 16 : i32
      %mul3A_23 = arith.muli %while3A_21, %mul3A_22 : i32
      "tpu.region"() ({
        %run_scoped3A_263 = tpu.sem_alloc : memref<!tpu.dma_semaphore, #tpu.memory_space<semaphore_mem>>
        %dma_start3A_264 = arith.constant 0 : i32
        %dma_start3A_265 = tpu.memref_slice %arg3[%add3A, %mul3A_23, %dma_start3A_264] : memref<32x144x128xi32, #tpu.memory_space<hbm>> -> memref<1x16x128xi32, #tpu.memory_space<hbm>>
        %dma_start3A_266 = tpu.memref_squeeze %dma_start3A_265 : memref<1x16x128xi32, #tpu.memory_space<hbm>> -> memref<16x128xi32, #tpu.memory_space<hbm>>
        %dma_start3A_267 = arith.constant 0 : i32
        %dma_start3A_268 = tpu.memref_slice %arg3[%add3A, %mul3A_23, %dma_start3A_267] : memref<32x144x128xi32, #tpu.memory_space<hbm>> -> memref<1x16x128xi32, #tpu.memory_space<hbm>>
        %dma_start3A_269 = tpu.memref_squeeze %dma_start3A_268 : memref<1x16x128xi32, #tpu.memory_space<hbm>> -> memref<16x128xi32, #tpu.memory_space<hbm>>
        tpu.enqueue_dma source(%dma_start3A_269 : memref<16x128xi32, #tpu.memory_space<hbm>>) target(%arg6 : memref<16x128xi32, #tpu.memory_space<vmem>>) target_semaphore(%run_scoped3A_263 : memref<!tpu.dma_semaphore, #tpu.memory_space<semaphore_mem>>)
        %dma_wait3A_270 = arith.constant 0 : i32
        %dma_wait3A_271 = tpu.memref_slice %arg3[%add3A, %mul3A_23, %dma_wait3A_270] : memref<32x144x128xi32, #tpu.memory_space<hbm>> -> memref<1x16x128xi32, #tpu.memory_space<hbm>>
        %dma_wait3A_272 = tpu.memref_squeeze %dma_wait3A_271 : memref<1x16x128xi32, #tpu.memory_space<hbm>> -> memref<16x128xi32, #tpu.memory_space<hbm>>
        %dma_wait3A_273 = arith.constant 0 : i32
        %dma_wait3A_274 = tpu.memref_slice %arg3[%add3A, %mul3A_23, %dma_wait3A_273] : memref<32x144x128xi32, #tpu.memory_space<hbm>> -> memref<1x16x128xi32, #tpu.memory_space<hbm>>
        %dma_wait3A_275 = tpu.memref_squeeze %dma_wait3A_274 : memref<1x16x128xi32, #tpu.memory_space<hbm>> -> memref<16x128xi32, #tpu.memory_space<hbm>>
        tpu.wait_dma2 semaphore(%run_scoped3A_263 : memref<!tpu.dma_semaphore, #tpu.memory_space<semaphore_mem>>) src(%dma_wait3A_275 : memref<16x128xi32, #tpu.memory_space<hbm>>) dst(%arg6 : memref<16x128xi32, #tpu.memory_space<vmem>>)
        tpu.yield
      }) : () -> ()
      %mul3A_24 = arith.constant 16 : i32
      %mul3A_25 = arith.muli %while3A_21, %mul3A_24 : i32
      "tpu.region"() ({
        %run_scoped3A_263 = tpu.sem_alloc : memref<!tpu.dma_semaphore, #tpu.memory_space<semaphore_mem>>
        %dma_start3A_264 = arith.constant 0 : i32
        %dma_start3A_265 = tpu.memref_slice %arg4[%add3A, %mul3A_25, %dma_start3A_264] : memref<32x144x128xi32, #tpu.memory_space<hbm>> -> memref<1x16x128xi32, #tpu.memory_space<hbm>>
        %dma_start3A_266 = tpu.memref_squeeze %dma_start3A_265 : memref<1x16x128xi32, #tpu.memory_space<hbm>> -> memref<16x128xi32, #tpu.memory_space<hbm>>
        %dma_start3A_267 = arith.constant 0 : i32
        %dma_start3A_268 = tpu.memref_slice %arg4[%add3A, %mul3A_25, %dma_start3A_267] : memref<32x144x128xi32, #tpu.memory_space<hbm>> -> memref<1x16x128xi32, #tpu.memory_space<hbm>>
        %dma_start3A_269 = tpu.memref_squeeze %dma_start3A_268 : memref<1x16x128xi32, #tpu.memory_space<hbm>> -> memref<16x128xi32, #tpu.memory_space<hbm>>
        tpu.enqueue_dma source(%dma_start3A_269 : memref<16x128xi32, #tpu.memory_space<hbm>>) target(%arg7 : memref<16x128xi32, #tpu.memory_space<vmem>>) target_semaphore(%run_scoped3A_263 : memref<!tpu.dma_semaphore, #tpu.memory_space<semaphore_mem>>)
        %dma_wait3A_270 = arith.constant 0 : i32
        %dma_wait3A_271 = tpu.memref_slice %arg4[%add3A, %mul3A_25, %dma_wait3A_270] : memref<32x144x128xi32, #tpu.memory_space<hbm>> -> memref<1x16x128xi32, #tpu.memory_space<hbm>>
        %dma_wait3A_272 = tpu.memref_squeeze %dma_wait3A_271 : memref<1x16x128xi32, #tpu.memory_space<hbm>> -> memref<16x128xi32, #tpu.memory_space<hbm>>
        %dma_wait3A_273 = arith.constant 0 : i32
        %dma_wait3A_274 = tpu.memref_slice %arg4[%add3A, %mul3A_25, %dma_wait3A_273] : memref<32x144x128xi32, #tpu.memory_space<hbm>> -> memref<1x16x128xi32, #tpu.memory_space<hbm>>
        %dma_wait3A_275 = tpu.memref_squeeze %dma_wait3A_274 : memref<1x16x128xi32, #tpu.memory_space<hbm>> -> memref<16x128xi32, #tpu.memory_space<hbm>>
        tpu.wait_dma2 semaphore(%run_scoped3A_263 : memref<!tpu.dma_semaphore, #tpu.memory_space<semaphore_mem>>) src(%dma_wait3A_275 : memref<16x128xi32, #tpu.memory_space<hbm>>) dst(%arg7 : memref<16x128xi32, #tpu.memory_space<vmem>>)
        tpu.yield
      }) : () -> ()
      %dma_start3A = arith.constant 0 : i32
      %dma_start3A_26 = arith.constant 0 : i32
      %dma_start3A_27 = tpu.memref_slice %arg6[%dma_start3A, %dma_start3A_26] : memref<16x128xi32, #tpu.memory_space<vmem>> -> memref<1x128xi32, #tpu.memory_space<vmem>>
      %dma_start3A_28 = tpu.memref_squeeze %dma_start3A_27 : memref<1x128xi32, #tpu.memory_space<vmem>> -> memref<128xi32, #tpu.memory_space<vmem>>
      %dma_start3A_29 = arith.constant 0 : i32
      %dma_start3A_30 = arith.constant 0 : i32
      %dma_start3A_31 = tpu.memref_slice %arg2[%dma_start3A_29, %dma_start3A_30] : memref<10240x128xf32, #tpu.memory_space<hbm>> -> memref<10240x128xf32, #tpu.memory_space<hbm>>
      tpu.enqueue_indirect_dma source(%dma_start3A_31 : memref<10240x128xf32, #tpu.memory_space<hbm>>) target(%arg8 : memref<128x128xf32, #tpu.memory_space<vmem>>) offsets(%dma_start3A_28 : memref<128xi32, #tpu.memory_space<vmem>>) semaphore(%arg11 : memref<!tpu.dma_semaphore, #tpu.memory_space<semaphore_mem>>)
      %dma_wait3A = arith.constant 0 : i32
      %dma_wait3A_32 = arith.constant 0 : i32
      %dma_wait3A_33 = tpu.memref_slice %arg6[%dma_wait3A, %dma_wait3A_32] : memref<16x128xi32, #tpu.memory_space<vmem>> -> memref<1x128xi32, #tpu.memory_space<vmem>>
      %dma_wait3A_34 = tpu.memref_squeeze %dma_wait3A_33 : memref<1x128xi32, #tpu.memory_space<vmem>> -> memref<128xi32, #tpu.memory_space<vmem>>
      %dma_wait3A_35 = arith.constant 0 : i32
      %dma_wait3A_36 = arith.constant 0 : i32
      %dma_wait3A_37 = tpu.memref_slice %arg2[%dma_wait3A_35, %dma_wait3A_36] : memref<10240x128xf32, #tpu.memory_space<hbm>> -> memref<10240x128xf32, #tpu.memory_space<hbm>>
      tpu.wait_indirect_dma semaphore(%arg11 : memref<!tpu.dma_semaphore, #tpu.memory_space<semaphore_mem>>) src(%dma_wait3A_37 : memref<10240x128xf32, #tpu.memory_space<hbm>>) dst(%arg8 : memref<128x128xf32, #tpu.memory_space<vmem>>)
      %dma_start3A_38 = arith.constant 1 : i32
      %dma_start3A_39 = arith.constant 0 : i32
      %dma_start3A_40 = tpu.memref_slice %arg6[%dma_start3A_38, %dma_start3A_39] : memref<16x128xi32, #tpu.memory_space<vmem>> -> memref<1x128xi32, #tpu.memory_space<vmem>>
      %dma_start3A_41 = tpu.memref_squeeze %dma_start3A_40 : memref<1x128xi32, #tpu.memory_space<vmem>> -> memref<128xi32, #tpu.memory_space<vmem>>
      %dma_start3A_42 = arith.constant 0 : i32
      %dma_start3A_43 = arith.constant 0 : i32
      %dma_start3A_44 = tpu.memref_slice %arg2[%dma_start3A_42, %dma_start3A_43] : memref<10240x128xf32, #tpu.memory_space<hbm>> -> memref<10240x128xf32, #tpu.memory_space<hbm>>
      tpu.enqueue_indirect_dma source(%dma_start3A_44 : memref<10240x128xf32, #tpu.memory_space<hbm>>) target(%arg9 : memref<128x128xf32, #tpu.memory_space<vmem>>) offsets(%dma_start3A_41 : memref<128xi32, #tpu.memory_space<vmem>>) semaphore(%arg12 : memref<!tpu.dma_semaphore, #tpu.memory_space<semaphore_mem>>)
      %run_scoped3A = arith.constant 0 : i32
      "tpu.region"() ({
        %run_scoped3A_263 = tpu.sem_alloc : memref<!tpu.dma_semaphore, #tpu.memory_space<semaphore_mem>>
        %dma_start3A_264 = arith.constant 0 : i32
        %dma_start3A_265 = tpu.memref_slice %arg7[%run_scoped3A, %dma_start3A_264] : memref<16x128xi32, #tpu.memory_space<vmem>> -> memref<1x128xi32, #tpu.memory_space<vmem>>
        %dma_start3A_266 = tpu.memref_squeeze %dma_start3A_265 : memref<1x128xi32, #tpu.memory_space<vmem>> -> memref<128xi32, #tpu.memory_space<vmem>>
        %dma_start3A_267 = arith.constant 0 : i32
        %dma_start3A_268 = arith.constant 0 : i32
        %dma_start3A_269 = tpu.memref_slice %arg10[%dma_start3A_267, %dma_start3A_268] : memref<10240x128xf32, #tpu.memory_space<vmem_shared>> -> memref<10240x128xf32, #tpu.memory_space<vmem_shared>>
        tpu.enqueue_indirect_dma source(%arg8 : memref<128x128xf32, #tpu.memory_space<vmem>>) target(%dma_start3A_269 : memref<10240x128xf32, #tpu.memory_space<vmem_shared>>) offsets(%dma_start3A_266 : memref<128xi32, #tpu.memory_space<vmem>>) semaphore(%run_scoped3A_263 : memref<!tpu.dma_semaphore, #tpu.memory_space<semaphore_mem>>) {add = true}
        %dma_wait3A_270 = arith.constant 0 : i32
        %dma_wait3A_271 = tpu.memref_slice %arg7[%run_scoped3A, %dma_wait3A_270] : memref<16x128xi32, #tpu.memory_space<vmem>> -> memref<1x128xi32, #tpu.memory_space<vmem>>
        %dma_wait3A_272 = tpu.memref_squeeze %dma_wait3A_271 : memref<1x128xi32, #tpu.memory_space<vmem>> -> memref<128xi32, #tpu.memory_space<vmem>>
        %dma_wait3A_273 = arith.constant 0 : i32
        %dma_wait3A_274 = arith.constant 0 : i32
        %dma_wait3A_275 = tpu.memref_slice %arg10[%dma_wait3A_273, %dma_wait3A_274] : memref<10240x128xf32, #tpu.memory_space<vmem_shared>> -> memref<10240x128xf32, #tpu.memory_space<vmem_shared>>
        tpu.wait_indirect_dma semaphore(%run_scoped3A_263 : memref<!tpu.dma_semaphore, #tpu.memory_space<semaphore_mem>>) src(%arg8 : memref<128x128xf32, #tpu.memory_space<vmem>>) dst(%dma_wait3A_275 : memref<10240x128xf32, #tpu.memory_space<vmem_shared>>)
        tpu.yield
      }) : () -> ()
      %dma_wait3A_45 = arith.constant 1 : i32
      %dma_wait3A_46 = arith.constant 0 : i32
      %dma_wait3A_47 = tpu.memref_slice %arg6[%dma_wait3A_45, %dma_wait3A_46] : memref<16x128xi32, #tpu.memory_space<vmem>> -> memref<1x128xi32, #tpu.memory_space<vmem>>
      %dma_wait3A_48 = tpu.memref_squeeze %dma_wait3A_47 : memref<1x128xi32, #tpu.memory_space<vmem>> -> memref<128xi32, #tpu.memory_space<vmem>>
      %dma_wait3A_49 = arith.constant 0 : i32
      %dma_wait3A_50 = arith.constant 0 : i32
      %dma_wait3A_51 = tpu.memref_slice %arg2[%dma_wait3A_49, %dma_wait3A_50] : memref<10240x128xf32, #tpu.memory_space<hbm>> -> memref<10240x128xf32, #tpu.memory_space<hbm>>
      tpu.wait_indirect_dma semaphore(%arg12 : memref<!tpu.dma_semaphore, #tpu.memory_space<semaphore_mem>>) src(%dma_wait3A_51 : memref<10240x128xf32, #tpu.memory_space<hbm>>) dst(%arg9 : memref<128x128xf32, #tpu.memory_space<vmem>>)
      %dma_start3A_52 = arith.constant 2 : i32
      %dma_start3A_53 = arith.constant 0 : i32
      %dma_start3A_54 = tpu.memref_slice %arg6[%dma_start3A_52, %dma_start3A_53] : memref<16x128xi32, #tpu.memory_space<vmem>> -> memref<1x128xi32, #tpu.memory_space<vmem>>
      %dma_start3A_55 = tpu.memref_squeeze %dma_start3A_54 : memref<1x128xi32, #tpu.memory_space<vmem>> -> memref<128xi32, #tpu.memory_space<vmem>>
      %dma_start3A_56 = arith.constant 0 : i32
      %dma_start3A_57 = arith.constant 0 : i32
      %dma_start3A_58 = tpu.memref_slice %arg2[%dma_start3A_56, %dma_start3A_57] : memref<10240x128xf32, #tpu.memory_space<hbm>> -> memref<10240x128xf32, #tpu.memory_space<hbm>>
      tpu.enqueue_indirect_dma source(%dma_start3A_58 : memref<10240x128xf32, #tpu.memory_space<hbm>>) target(%arg8 : memref<128x128xf32, #tpu.memory_space<vmem>>) offsets(%dma_start3A_55 : memref<128xi32, #tpu.memory_space<vmem>>) semaphore(%arg11 : memref<!tpu.dma_semaphore, #tpu.memory_space<semaphore_mem>>)
      %run_scoped3A_59 = arith.constant 1 : i32
      "tpu.region"() ({
        %run_scoped3A_263 = tpu.sem_alloc : memref<!tpu.dma_semaphore, #tpu.memory_space<semaphore_mem>>
        %dma_start3A_264 = arith.constant 0 : i32
        %dma_start3A_265 = tpu.memref_slice %arg7[%run_scoped3A_59, %dma_start3A_264] : memref<16x128xi32, #tpu.memory_space<vmem>> -> memref<1x128xi32, #tpu.memory_space<vmem>>
        %dma_start3A_266 = tpu.memref_squeeze %dma_start3A_265 : memref<1x128xi32, #tpu.memory_space<vmem>> -> memref<128xi32, #tpu.memory_space<vmem>>
        %dma_start3A_267 = arith.constant 0 : i32
        %dma_start3A_268 = arith.constant 0 : i32
        %dma_start3A_269 = tpu.memref_slice %arg10[%dma_start3A_267, %dma_start3A_268] : memref<10240x128xf32, #tpu.memory_space<vmem_shared>> -> memref<10240x128xf32, #tpu.memory_space<vmem_shared>>
        tpu.enqueue_indirect_dma source(%arg9 : memref<128x128xf32, #tpu.memory_space<vmem>>) target(%dma_start3A_269 : memref<10240x128xf32, #tpu.memory_space<vmem_shared>>) offsets(%dma_start3A_266 : memref<128xi32, #tpu.memory_space<vmem>>) semaphore(%run_scoped3A_263 : memref<!tpu.dma_semaphore, #tpu.memory_space<semaphore_mem>>) {add = true}
        %dma_wait3A_270 = arith.constant 0 : i32
        %dma_wait3A_271 = tpu.memref_slice %arg7[%run_scoped3A_59, %dma_wait3A_270] : memref<16x128xi32, #tpu.memory_space<vmem>> -> memref<1x128xi32, #tpu.memory_space<vmem>>
        %dma_wait3A_272 = tpu.memref_squeeze %dma_wait3A_271 : memref<1x128xi32, #tpu.memory_space<vmem>> -> memref<128xi32, #tpu.memory_space<vmem>>
        %dma_wait3A_273 = arith.constant 0 : i32
        %dma_wait3A_274 = arith.constant 0 : i32
        %dma_wait3A_275 = tpu.memref_slice %arg10[%dma_wait3A_273, %dma_wait3A_274] : memref<10240x128xf32, #tpu.memory_space<vmem_shared>> -> memref<10240x128xf32, #tpu.memory_space<vmem_shared>>
        tpu.wait_indirect_dma semaphore(%run_scoped3A_263 : memref<!tpu.dma_semaphore, #tpu.memory_space<semaphore_mem>>) src(%arg9 : memref<128x128xf32, #tpu.memory_space<vmem>>) dst(%dma_wait3A_275 : memref<10240x128xf32, #tpu.memory_space<vmem_shared>>)
        tpu.yield
      }) : () -> ()
      %dma_wait3A_60 = arith.constant 2 : i32
      %dma_wait3A_61 = arith.constant 0 : i32
      %dma_wait3A_62 = tpu.memref_slice %arg6[%dma_wait3A_60, %dma_wait3A_61] : memref<16x128xi32, #tpu.memory_space<vmem>> -> memref<1x128xi32, #tpu.memory_space<vmem>>
      %dma_wait3A_63 = tpu.memref_squeeze %dma_wait3A_62 : memref<1x128xi32, #tpu.memory_space<vmem>> -> memref<128xi32, #tpu.memory_space<vmem>>
      %dma_wait3A_64 = arith.constant 0 : i32
      %dma_wait3A_65 = arith.constant 0 : i32
      %dma_wait3A_66 = tpu.memref_slice %arg2[%dma_wait3A_64, %dma_wait3A_65] : memref<10240x128xf32, #tpu.memory_space<hbm>> -> memref<10240x128xf32, #tpu.memory_space<hbm>>
      tpu.wait_indirect_dma semaphore(%arg11 : memref<!tpu.dma_semaphore, #tpu.memory_space<semaphore_mem>>) src(%dma_wait3A_66 : memref<10240x128xf32, #tpu.memory_space<hbm>>) dst(%arg8 : memref<128x128xf32, #tpu.memory_space<vmem>>)
      %dma_start3A_67 = arith.constant 3 : i32
      %dma_start3A_68 = arith.constant 0 : i32
      %dma_start3A_69 = tpu.memref_slice %arg6[%dma_start3A_67, %dma_start3A_68] : memref<16x128xi32, #tpu.memory_space<vmem>> -> memref<1x128xi32, #tpu.memory_space<vmem>>
      %dma_start3A_70 = tpu.memref_squeeze %dma_start3A_69 : memref<1x128xi32, #tpu.memory_space<vmem>> -> memref<128xi32, #tpu.memory_space<vmem>>
      %dma_start3A_71 = arith.constant 0 : i32
      %dma_start3A_72 = arith.constant 0 : i32
      %dma_start3A_73 = tpu.memref_slice %arg2[%dma_start3A_71, %dma_start3A_72] : memref<10240x128xf32, #tpu.memory_space<hbm>> -> memref<10240x128xf32, #tpu.memory_space<hbm>>
      tpu.enqueue_indirect_dma source(%dma_start3A_73 : memref<10240x128xf32, #tpu.memory_space<hbm>>) target(%arg9 : memref<128x128xf32, #tpu.memory_space<vmem>>) offsets(%dma_start3A_70 : memref<128xi32, #tpu.memory_space<vmem>>) semaphore(%arg12 : memref<!tpu.dma_semaphore, #tpu.memory_space<semaphore_mem>>)
      %run_scoped3A_74 = arith.constant 2 : i32
      "tpu.region"() ({
        %run_scoped3A_263 = tpu.sem_alloc : memref<!tpu.dma_semaphore, #tpu.memory_space<semaphore_mem>>
        %dma_start3A_264 = arith.constant 0 : i32
        %dma_start3A_265 = tpu.memref_slice %arg7[%run_scoped3A_74, %dma_start3A_264] : memref<16x128xi32, #tpu.memory_space<vmem>> -> memref<1x128xi32, #tpu.memory_space<vmem>>
        %dma_start3A_266 = tpu.memref_squeeze %dma_start3A_265 : memref<1x128xi32, #tpu.memory_space<vmem>> -> memref<128xi32, #tpu.memory_space<vmem>>
        %dma_start3A_267 = arith.constant 0 : i32
        %dma_start3A_268 = arith.constant 0 : i32
        %dma_start3A_269 = tpu.memref_slice %arg10[%dma_start3A_267, %dma_start3A_268] : memref<10240x128xf32, #tpu.memory_space<vmem_shared>> -> memref<10240x128xf32, #tpu.memory_space<vmem_shared>>
        tpu.enqueue_indirect_dma source(%arg8 : memref<128x128xf32, #tpu.memory_space<vmem>>) target(%dma_start3A_269 : memref<10240x128xf32, #tpu.memory_space<vmem_shared>>) offsets(%dma_start3A_266 : memref<128xi32, #tpu.memory_space<vmem>>) semaphore(%run_scoped3A_263 : memref<!tpu.dma_semaphore, #tpu.memory_space<semaphore_mem>>) {add = true}
        %dma_wait3A_270 = arith.constant 0 : i32
        %dma_wait3A_271 = tpu.memref_slice %arg7[%run_scoped3A_74, %dma_wait3A_270] : memref<16x128xi32, #tpu.memory_space<vmem>> -> memref<1x128xi32, #tpu.memory_space<vmem>>
        %dma_wait3A_272 = tpu.memref_squeeze %dma_wait3A_271 : memref<1x128xi32, #tpu.memory_space<vmem>> -> memref<128xi32, #tpu.memory_space<vmem>>
        %dma_wait3A_273 = arith.constant 0 : i32
        %dma_wait3A_274 = arith.constant 0 : i32
        %dma_wait3A_275 = tpu.memref_slice %arg10[%dma_wait3A_273, %dma_wait3A_274] : memref<10240x128xf32, #tpu.memory_space<vmem_shared>> -> memref<10240x128xf32, #tpu.memory_space<vmem_shared>>
        tpu.wait_indirect_dma semaphore(%run_scoped3A_263 : memref<!tpu.dma_semaphore, #tpu.memory_space<semaphore_mem>>) src(%arg8 : memref<128x128xf32, #tpu.memory_space<vmem>>) dst(%dma_wait3A_275 : memref<10240x128xf32, #tpu.memory_space<vmem_shared>>)
        tpu.yield
      }) : () -> ()
      %dma_wait3A_75 = arith.constant 3 : i32
      %dma_wait3A_76 = arith.constant 0 : i32
      %dma_wait3A_77 = tpu.memref_slice %arg6[%dma_wait3A_75, %dma_wait3A_76] : memref<16x128xi32, #tpu.memory_space<vmem>> -> memref<1x128xi32, #tpu.memory_space<vmem>>
      %dma_wait3A_78 = tpu.memref_squeeze %dma_wait3A_77 : memref<1x128xi32, #tpu.memory_space<vmem>> -> memref<128xi32, #tpu.memory_space<vmem>>
      %dma_wait3A_79 = arith.constant 0 : i32
      %dma_wait3A_80 = arith.constant 0 : i32
      %dma_wait3A_81 = tpu.memref_slice %arg2[%dma_wait3A_79, %dma_wait3A_80] : memref<10240x128xf32, #tpu.memory_space<hbm>> -> memref<10240x128xf32, #tpu.memory_space<hbm>>
      tpu.wait_indirect_dma semaphore(%arg12 : memref<!tpu.dma_semaphore, #tpu.memory_space<semaphore_mem>>) src(%dma_wait3A_81 : memref<10240x128xf32, #tpu.memory_space<hbm>>) dst(%arg9 : memref<128x128xf32, #tpu.memory_space<vmem>>)
      %dma_start3A_82 = arith.constant 4 : i32
      %dma_start3A_83 = arith.constant 0 : i32
      %dma_start3A_84 = tpu.memref_slice %arg6[%dma_start3A_82, %dma_start3A_83] : memref<16x128xi32, #tpu.memory_space<vmem>> -> memref<1x128xi32, #tpu.memory_space<vmem>>
      %dma_start3A_85 = tpu.memref_squeeze %dma_start3A_84 : memref<1x128xi32, #tpu.memory_space<vmem>> -> memref<128xi32, #tpu.memory_space<vmem>>
      %dma_start3A_86 = arith.constant 0 : i32
      %dma_start3A_87 = arith.constant 0 : i32
      %dma_start3A_88 = tpu.memref_slice %arg2[%dma_start3A_86, %dma_start3A_87] : memref<10240x128xf32, #tpu.memory_space<hbm>> -> memref<10240x128xf32, #tpu.memory_space<hbm>>
      tpu.enqueue_indirect_dma source(%dma_start3A_88 : memref<10240x128xf32, #tpu.memory_space<hbm>>) target(%arg8 : memref<128x128xf32, #tpu.memory_space<vmem>>) offsets(%dma_start3A_85 : memref<128xi32, #tpu.memory_space<vmem>>) semaphore(%arg11 : memref<!tpu.dma_semaphore, #tpu.memory_space<semaphore_mem>>)
      %run_scoped3A_89 = arith.constant 3 : i32
      "tpu.region"() ({
        %run_scoped3A_263 = tpu.sem_alloc : memref<!tpu.dma_semaphore, #tpu.memory_space<semaphore_mem>>
        %dma_start3A_264 = arith.constant 0 : i32
        %dma_start3A_265 = tpu.memref_slice %arg7[%run_scoped3A_89, %dma_start3A_264] : memref<16x128xi32, #tpu.memory_space<vmem>> -> memref<1x128xi32, #tpu.memory_space<vmem>>
        %dma_start3A_266 = tpu.memref_squeeze %dma_start3A_265 : memref<1x128xi32, #tpu.memory_space<vmem>> -> memref<128xi32, #tpu.memory_space<vmem>>
        %dma_start3A_267 = arith.constant 0 : i32
        %dma_start3A_268 = arith.constant 0 : i32
        %dma_start3A_269 = tpu.memref_slice %arg10[%dma_start3A_267, %dma_start3A_268] : memref<10240x128xf32, #tpu.memory_space<vmem_shared>> -> memref<10240x128xf32, #tpu.memory_space<vmem_shared>>
        tpu.enqueue_indirect_dma source(%arg9 : memref<128x128xf32, #tpu.memory_space<vmem>>) target(%dma_start3A_269 : memref<10240x128xf32, #tpu.memory_space<vmem_shared>>) offsets(%dma_start3A_266 : memref<128xi32, #tpu.memory_space<vmem>>) semaphore(%run_scoped3A_263 : memref<!tpu.dma_semaphore, #tpu.memory_space<semaphore_mem>>) {add = true}
        %dma_wait3A_270 = arith.constant 0 : i32
        %dma_wait3A_271 = tpu.memref_slice %arg7[%run_scoped3A_89, %dma_wait3A_270] : memref<16x128xi32, #tpu.memory_space<vmem>> -> memref<1x128xi32, #tpu.memory_space<vmem>>
        %dma_wait3A_272 = tpu.memref_squeeze %dma_wait3A_271 : memref<1x128xi32, #tpu.memory_space<vmem>> -> memref<128xi32, #tpu.memory_space<vmem>>
        %dma_wait3A_273 = arith.constant 0 : i32
        %dma_wait3A_274 = arith.constant 0 : i32
        %dma_wait3A_275 = tpu.memref_slice %arg10[%dma_wait3A_273, %dma_wait3A_274] : memref<10240x128xf32, #tpu.memory_space<vmem_shared>> -> memref<10240x128xf32, #tpu.memory_space<vmem_shared>>
        tpu.wait_indirect_dma semaphore(%run_scoped3A_263 : memref<!tpu.dma_semaphore, #tpu.memory_space<semaphore_mem>>) src(%arg9 : memref<128x128xf32, #tpu.memory_space<vmem>>) dst(%dma_wait3A_275 : memref<10240x128xf32, #tpu.memory_space<vmem_shared>>)
        tpu.yield
      }) : () -> ()
      %dma_wait3A_90 = arith.constant 4 : i32
      %dma_wait3A_91 = arith.constant 0 : i32
      %dma_wait3A_92 = tpu.memref_slice %arg6[%dma_wait3A_90, %dma_wait3A_91] : memref<16x128xi32, #tpu.memory_space<vmem>> -> memref<1x128xi32, #tpu.memory_space<vmem>>
      %dma_wait3A_93 = tpu.memref_squeeze %dma_wait3A_92 : memref<1x128xi32, #tpu.memory_space<vmem>> -> memref<128xi32, #tpu.memory_space<vmem>>
      %dma_wait3A_94 = arith.constant 0 : i32
      %dma_wait3A_95 = arith.constant 0 : i32
      %dma_wait3A_96 = tpu.memref_slice %arg2[%dma_wait3A_94, %dma_wait3A_95] : memref<10240x128xf32, #tpu.memory_space<hbm>> -> memref<10240x128xf32, #tpu.memory_space<hbm>>
      tpu.wait_indirect_dma semaphore(%arg11 : memref<!tpu.dma_semaphore, #tpu.memory_space<semaphore_mem>>) src(%dma_wait3A_96 : memref<10240x128xf32, #tpu.memory_space<hbm>>) dst(%arg8 : memref<128x128xf32, #tpu.memory_space<vmem>>)
      %dma_start3A_97 = arith.constant 5 : i32
      %dma_start3A_98 = arith.constant 0 : i32
      %dma_start3A_99 = tpu.memref_slice %arg6[%dma_start3A_97, %dma_start3A_98] : memref<16x128xi32, #tpu.memory_space<vmem>> -> memref<1x128xi32, #tpu.memory_space<vmem>>
      %dma_start3A_100 = tpu.memref_squeeze %dma_start3A_99 : memref<1x128xi32, #tpu.memory_space<vmem>> -> memref<128xi32, #tpu.memory_space<vmem>>
      %dma_start3A_101 = arith.constant 0 : i32
      %dma_start3A_102 = arith.constant 0 : i32
      %dma_start3A_103 = tpu.memref_slice %arg2[%dma_start3A_101, %dma_start3A_102] : memref<10240x128xf32, #tpu.memory_space<hbm>> -> memref<10240x128xf32, #tpu.memory_space<hbm>>
      tpu.enqueue_indirect_dma source(%dma_start3A_103 : memref<10240x128xf32, #tpu.memory_space<hbm>>) target(%arg9 : memref<128x128xf32, #tpu.memory_space<vmem>>) offsets(%dma_start3A_100 : memref<128xi32, #tpu.memory_space<vmem>>) semaphore(%arg12 : memref<!tpu.dma_semaphore, #tpu.memory_space<semaphore_mem>>)
      %run_scoped3A_104 = arith.constant 4 : i32
      "tpu.region"() ({
        %run_scoped3A_263 = tpu.sem_alloc : memref<!tpu.dma_semaphore, #tpu.memory_space<semaphore_mem>>
        %dma_start3A_264 = arith.constant 0 : i32
        %dma_start3A_265 = tpu.memref_slice %arg7[%run_scoped3A_104, %dma_start3A_264] : memref<16x128xi32, #tpu.memory_space<vmem>> -> memref<1x128xi32, #tpu.memory_space<vmem>>
        %dma_start3A_266 = tpu.memref_squeeze %dma_start3A_265 : memref<1x128xi32, #tpu.memory_space<vmem>> -> memref<128xi32, #tpu.memory_space<vmem>>
        %dma_start3A_267 = arith.constant 0 : i32
        %dma_start3A_268 = arith.constant 0 : i32
        %dma_start3A_269 = tpu.memref_slice %arg10[%dma_start3A_267, %dma_start3A_268] : memref<10240x128xf32, #tpu.memory_space<vmem_shared>> -> memref<10240x128xf32, #tpu.memory_space<vmem_shared>>
        tpu.enqueue_indirect_dma source(%arg8 : memref<128x128xf32, #tpu.memory_space<vmem>>) target(%dma_start3A_269 : memref<10240x128xf32, #tpu.memory_space<vmem_shared>>) offsets(%dma_start3A_266 : memref<128xi32, #tpu.memory_space<vmem>>) semaphore(%run_scoped3A_263 : memref<!tpu.dma_semaphore, #tpu.memory_space<semaphore_mem>>) {add = true}
        %dma_wait3A_270 = arith.constant 0 : i32
        %dma_wait3A_271 = tpu.memref_slice %arg7[%run_scoped3A_104, %dma_wait3A_270] : memref<16x128xi32, #tpu.memory_space<vmem>> -> memref<1x128xi32, #tpu.memory_space<vmem>>
        %dma_wait3A_272 = tpu.memref_squeeze %dma_wait3A_271 : memref<1x128xi32, #tpu.memory_space<vmem>> -> memref<128xi32, #tpu.memory_space<vmem>>
        %dma_wait3A_273 = arith.constant 0 : i32
        %dma_wait3A_274 = arith.constant 0 : i32
        %dma_wait3A_275 = tpu.memref_slice %arg10[%dma_wait3A_273, %dma_wait3A_274] : memref<10240x128xf32, #tpu.memory_space<vmem_shared>> -> memref<10240x128xf32, #tpu.memory_space<vmem_shared>>
        tpu.wait_indirect_dma semaphore(%run_scoped3A_263 : memref<!tpu.dma_semaphore, #tpu.memory_space<semaphore_mem>>) src(%arg8 : memref<128x128xf32, #tpu.memory_space<vmem>>) dst(%dma_wait3A_275 : memref<10240x128xf32, #tpu.memory_space<vmem_shared>>)
        tpu.yield
      }) : () -> ()
      %dma_wait3A_105 = arith.constant 5 : i32
      %dma_wait3A_106 = arith.constant 0 : i32
      %dma_wait3A_107 = tpu.memref_slice %arg6[%dma_wait3A_105, %dma_wait3A_106] : memref<16x128xi32, #tpu.memory_space<vmem>> -> memref<1x128xi32, #tpu.memory_space<vmem>>
      %dma_wait3A_108 = tpu.memref_squeeze %dma_wait3A_107 : memref<1x128xi32, #tpu.memory_space<vmem>> -> memref<128xi32, #tpu.memory_space<vmem>>
      %dma_wait3A_109 = arith.constant 0 : i32
      %dma_wait3A_110 = arith.constant 0 : i32
      %dma_wait3A_111 = tpu.memref_slice %arg2[%dma_wait3A_109, %dma_wait3A_110] : memref<10240x128xf32, #tpu.memory_space<hbm>> -> memref<10240x128xf32, #tpu.memory_space<hbm>>
      tpu.wait_indirect_dma semaphore(%arg12 : memref<!tpu.dma_semaphore, #tpu.memory_space<semaphore_mem>>) src(%dma_wait3A_111 : memref<10240x128xf32, #tpu.memory_space<hbm>>) dst(%arg9 : memref<128x128xf32, #tpu.memory_space<vmem>>)
      %dma_start3A_112 = arith.constant 6 : i32
      %dma_start3A_113 = arith.constant 0 : i32
      %dma_start3A_114 = tpu.memref_slice %arg6[%dma_start3A_112, %dma_start3A_113] : memref<16x128xi32, #tpu.memory_space<vmem>> -> memref<1x128xi32, #tpu.memory_space<vmem>>
      %dma_start3A_115 = tpu.memref_squeeze %dma_start3A_114 : memref<1x128xi32, #tpu.memory_space<vmem>> -> memref<128xi32, #tpu.memory_space<vmem>>
      %dma_start3A_116 = arith.constant 0 : i32
      %dma_start3A_117 = arith.constant 0 : i32
      %dma_start3A_118 = tpu.memref_slice %arg2[%dma_start3A_116, %dma_start3A_117] : memref<10240x128xf32, #tpu.memory_space<hbm>> -> memref<10240x128xf32, #tpu.memory_space<hbm>>
      tpu.enqueue_indirect_dma source(%dma_start3A_118 : memref<10240x128xf32, #tpu.memory_space<hbm>>) target(%arg8 : memref<128x128xf32, #tpu.memory_space<vmem>>) offsets(%dma_start3A_115 : memref<128xi32, #tpu.memory_space<vmem>>) semaphore(%arg11 : memref<!tpu.dma_semaphore, #tpu.memory_space<semaphore_mem>>)
      %run_scoped3A_119 = arith.constant 5 : i32
      "tpu.region"() ({
        %run_scoped3A_263 = tpu.sem_alloc : memref<!tpu.dma_semaphore, #tpu.memory_space<semaphore_mem>>
        %dma_start3A_264 = arith.constant 0 : i32
        %dma_start3A_265 = tpu.memref_slice %arg7[%run_scoped3A_119, %dma_start3A_264] : memref<16x128xi32, #tpu.memory_space<vmem>> -> memref<1x128xi32, #tpu.memory_space<vmem>>
        %dma_start3A_266 = tpu.memref_squeeze %dma_start3A_265 : memref<1x128xi32, #tpu.memory_space<vmem>> -> memref<128xi32, #tpu.memory_space<vmem>>
        %dma_start3A_267 = arith.constant 0 : i32
        %dma_start3A_268 = arith.constant 0 : i32
        %dma_start3A_269 = tpu.memref_slice %arg10[%dma_start3A_267, %dma_start3A_268] : memref<10240x128xf32, #tpu.memory_space<vmem_shared>> -> memref<10240x128xf32, #tpu.memory_space<vmem_shared>>
        tpu.enqueue_indirect_dma source(%arg9 : memref<128x128xf32, #tpu.memory_space<vmem>>) target(%dma_start3A_269 : memref<10240x128xf32, #tpu.memory_space<vmem_shared>>) offsets(%dma_start3A_266 : memref<128xi32, #tpu.memory_space<vmem>>) semaphore(%run_scoped3A_263 : memref<!tpu.dma_semaphore, #tpu.memory_space<semaphore_mem>>) {add = true}
        %dma_wait3A_270 = arith.constant 0 : i32
        %dma_wait3A_271 = tpu.memref_slice %arg7[%run_scoped3A_119, %dma_wait3A_270] : memref<16x128xi32, #tpu.memory_space<vmem>> -> memref<1x128xi32, #tpu.memory_space<vmem>>
        %dma_wait3A_272 = tpu.memref_squeeze %dma_wait3A_271 : memref<1x128xi32, #tpu.memory_space<vmem>> -> memref<128xi32, #tpu.memory_space<vmem>>
        %dma_wait3A_273 = arith.constant 0 : i32
        %dma_wait3A_274 = arith.constant 0 : i32
        %dma_wait3A_275 = tpu.memref_slice %arg10[%dma_wait3A_273, %dma_wait3A_274] : memref<10240x128xf32, #tpu.memory_space<vmem_shared>> -> memref<10240x128xf32, #tpu.memory_space<vmem_shared>>
        tpu.wait_indirect_dma semaphore(%run_scoped3A_263 : memref<!tpu.dma_semaphore, #tpu.memory_space<semaphore_mem>>) src(%arg9 : memref<128x128xf32, #tpu.memory_space<vmem>>) dst(%dma_wait3A_275 : memref<10240x128xf32, #tpu.memory_space<vmem_shared>>)
        tpu.yield
      }) : () -> ()
      %dma_wait3A_120 = arith.constant 6 : i32
      %dma_wait3A_121 = arith.constant 0 : i32
      %dma_wait3A_122 = tpu.memref_slice %arg6[%dma_wait3A_120, %dma_wait3A_121] : memref<16x128xi32, #tpu.memory_space<vmem>> -> memref<1x128xi32, #tpu.memory_space<vmem>>
      %dma_wait3A_123 = tpu.memref_squeeze %dma_wait3A_122 : memref<1x128xi32, #tpu.memory_space<vmem>> -> memref<128xi32, #tpu.memory_space<vmem>>
      %dma_wait3A_124 = arith.constant 0 : i32
      %dma_wait3A_125 = arith.constant 0 : i32
      %dma_wait3A_126 = tpu.memref_slice %arg2[%dma_wait3A_124, %dma_wait3A_125] : memref<10240x128xf32, #tpu.memory_space<hbm>> -> memref<10240x128xf32, #tpu.memory_space<hbm>>
      tpu.wait_indirect_dma semaphore(%arg11 : memref<!tpu.dma_semaphore, #tpu.memory_space<semaphore_mem>>) src(%dma_wait3A_126 : memref<10240x128xf32, #tpu.memory_space<hbm>>) dst(%arg8 : memref<128x128xf32, #tpu.memory_space<vmem>>)
      %dma_start3A_127 = arith.constant 7 : i32
      %dma_start3A_128 = arith.constant 0 : i32
      %dma_start3A_129 = tpu.memref_slice %arg6[%dma_start3A_127, %dma_start3A_128] : memref<16x128xi32, #tpu.memory_space<vmem>> -> memref<1x128xi32, #tpu.memory_space<vmem>>
      %dma_start3A_130 = tpu.memref_squeeze %dma_start3A_129 : memref<1x128xi32, #tpu.memory_space<vmem>> -> memref<128xi32, #tpu.memory_space<vmem>>
      %dma_start3A_131 = arith.constant 0 : i32
      %dma_start3A_132 = arith.constant 0 : i32
      %dma_start3A_133 = tpu.memref_slice %arg2[%dma_start3A_131, %dma_start3A_132] : memref<10240x128xf32, #tpu.memory_space<hbm>> -> memref<10240x128xf32, #tpu.memory_space<hbm>>
      tpu.enqueue_indirect_dma source(%dma_start3A_133 : memref<10240x128xf32, #tpu.memory_space<hbm>>) target(%arg9 : memref<128x128xf32, #tpu.memory_space<vmem>>) offsets(%dma_start3A_130 : memref<128xi32, #tpu.memory_space<vmem>>) semaphore(%arg12 : memref<!tpu.dma_semaphore, #tpu.memory_space<semaphore_mem>>)
      %run_scoped3A_134 = arith.constant 6 : i32
      "tpu.region"() ({
        %run_scoped3A_263 = tpu.sem_alloc : memref<!tpu.dma_semaphore, #tpu.memory_space<semaphore_mem>>
        %dma_start3A_264 = arith.constant 0 : i32
        %dma_start3A_265 = tpu.memref_slice %arg7[%run_scoped3A_134, %dma_start3A_264] : memref<16x128xi32, #tpu.memory_space<vmem>> -> memref<1x128xi32, #tpu.memory_space<vmem>>
        %dma_start3A_266 = tpu.memref_squeeze %dma_start3A_265 : memref<1x128xi32, #tpu.memory_space<vmem>> -> memref<128xi32, #tpu.memory_space<vmem>>
        %dma_start3A_267 = arith.constant 0 : i32
        %dma_start3A_268 = arith.constant 0 : i32
        %dma_start3A_269 = tpu.memref_slice %arg10[%dma_start3A_267, %dma_start3A_268] : memref<10240x128xf32, #tpu.memory_space<vmem_shared>> -> memref<10240x128xf32, #tpu.memory_space<vmem_shared>>
        tpu.enqueue_indirect_dma source(%arg8 : memref<128x128xf32, #tpu.memory_space<vmem>>) target(%dma_start3A_269 : memref<10240x128xf32, #tpu.memory_space<vmem_shared>>) offsets(%dma_start3A_266 : memref<128xi32, #tpu.memory_space<vmem>>) semaphore(%run_scoped3A_263 : memref<!tpu.dma_semaphore, #tpu.memory_space<semaphore_mem>>) {add = true}
        %dma_wait3A_270 = arith.constant 0 : i32
        %dma_wait3A_271 = tpu.memref_slice %arg7[%run_scoped3A_134, %dma_wait3A_270] : memref<16x128xi32, #tpu.memory_space<vmem>> -> memref<1x128xi32, #tpu.memory_space<vmem>>
        %dma_wait3A_272 = tpu.memref_squeeze %dma_wait3A_271 : memref<1x128xi32, #tpu.memory_space<vmem>> -> memref<128xi32, #tpu.memory_space<vmem>>
        %dma_wait3A_273 = arith.constant 0 : i32
        %dma_wait3A_274 = arith.constant 0 : i32
        %dma_wait3A_275 = tpu.memref_slice %arg10[%dma_wait3A_273, %dma_wait3A_274] : memref<10240x128xf32, #tpu.memory_space<vmem_shared>> -> memref<10240x128xf32, #tpu.memory_space<vmem_shared>>
        tpu.wait_indirect_dma semaphore(%run_scoped3A_263 : memref<!tpu.dma_semaphore, #tpu.memory_space<semaphore_mem>>) src(%arg8 : memref<128x128xf32, #tpu.memory_space<vmem>>) dst(%dma_wait3A_275 : memref<10240x128xf32, #tpu.memory_space<vmem_shared>>)
        tpu.yield
      }) : () -> ()
      %dma_wait3A_135 = arith.constant 7 : i32
      %dma_wait3A_136 = arith.constant 0 : i32
      %dma_wait3A_137 = tpu.memref_slice %arg6[%dma_wait3A_135, %dma_wait3A_136] : memref<16x128xi32, #tpu.memory_space<vmem>> -> memref<1x128xi32, #tpu.memory_space<vmem>>
      %dma_wait3A_138 = tpu.memref_squeeze %dma_wait3A_137 : memref<1x128xi32, #tpu.memory_space<vmem>> -> memref<128xi32, #tpu.memory_space<vmem>>
      %dma_wait3A_139 = arith.constant 0 : i32
      %dma_wait3A_140 = arith.constant 0 : i32
      %dma_wait3A_141 = tpu.memref_slice %arg2[%dma_wait3A_139, %dma_wait3A_140] : memref<10240x128xf32, #tpu.memory_space<hbm>> -> memref<10240x128xf32, #tpu.memory_space<hbm>>
      tpu.wait_indirect_dma semaphore(%arg12 : memref<!tpu.dma_semaphore, #tpu.memory_space<semaphore_mem>>) src(%dma_wait3A_141 : memref<10240x128xf32, #tpu.memory_space<hbm>>) dst(%arg9 : memref<128x128xf32, #tpu.memory_space<vmem>>)
      %dma_start3A_142 = arith.constant 8 : i32
      %dma_start3A_143 = arith.constant 0 : i32
      %dma_start3A_144 = tpu.memref_slice %arg6[%dma_start3A_142, %dma_start3A_143] : memref<16x128xi32, #tpu.memory_space<vmem>> -> memref<1x128xi32, #tpu.memory_space<vmem>>
      %dma_start3A_145 = tpu.memref_squeeze %dma_start3A_144 : memref<1x128xi32, #tpu.memory_space<vmem>> -> memref<128xi32, #tpu.memory_space<vmem>>
      %dma_start3A_146 = arith.constant 0 : i32
      %dma_start3A_147 = arith.constant 0 : i32
      %dma_start3A_148 = tpu.memref_slice %arg2[%dma_start3A_146, %dma_start3A_147] : memref<10240x128xf32, #tpu.memory_space<hbm>> -> memref<10240x128xf32, #tpu.memory_space<hbm>>
      tpu.enqueue_indirect_dma source(%dma_start3A_148 : memref<10240x128xf32, #tpu.memory_space<hbm>>) target(%arg8 : memref<128x128xf32, #tpu.memory_space<vmem>>) offsets(%dma_start3A_145 : memref<128xi32, #tpu.memory_space<vmem>>) semaphore(%arg11 : memref<!tpu.dma_semaphore, #tpu.memory_space<semaphore_mem>>)
      %run_scoped3A_149 = arith.constant 7 : i32
      "tpu.region"() ({
        %run_scoped3A_263 = tpu.sem_alloc : memref<!tpu.dma_semaphore, #tpu.memory_space<semaphore_mem>>
        %dma_start3A_264 = arith.constant 0 : i32
        %dma_start3A_265 = tpu.memref_slice %arg7[%run_scoped3A_149, %dma_start3A_264] : memref<16x128xi32, #tpu.memory_space<vmem>> -> memref<1x128xi32, #tpu.memory_space<vmem>>
        %dma_start3A_266 = tpu.memref_squeeze %dma_start3A_265 : memref<1x128xi32, #tpu.memory_space<vmem>> -> memref<128xi32, #tpu.memory_space<vmem>>
        %dma_start3A_267 = arith.constant 0 : i32
        %dma_start3A_268 = arith.constant 0 : i32
        %dma_start3A_269 = tpu.memref_slice %arg10[%dma_start3A_267, %dma_start3A_268] : memref<10240x128xf32, #tpu.memory_space<vmem_shared>> -> memref<10240x128xf32, #tpu.memory_space<vmem_shared>>
        tpu.enqueue_indirect_dma source(%arg9 : memref<128x128xf32, #tpu.memory_space<vmem>>) target(%dma_start3A_269 : memref<10240x128xf32, #tpu.memory_space<vmem_shared>>) offsets(%dma_start3A_266 : memref<128xi32, #tpu.memory_space<vmem>>) semaphore(%run_scoped3A_263 : memref<!tpu.dma_semaphore, #tpu.memory_space<semaphore_mem>>) {add = true}
        %dma_wait3A_270 = arith.constant 0 : i32
        %dma_wait3A_271 = tpu.memref_slice %arg7[%run_scoped3A_149, %dma_wait3A_270] : memref<16x128xi32, #tpu.memory_space<vmem>> -> memref<1x128xi32, #tpu.memory_space<vmem>>
        %dma_wait3A_272 = tpu.memref_squeeze %dma_wait3A_271 : memref<1x128xi32, #tpu.memory_space<vmem>> -> memref<128xi32, #tpu.memory_space<vmem>>
        %dma_wait3A_273 = arith.constant 0 : i32
        %dma_wait3A_274 = arith.constant 0 : i32
        %dma_wait3A_275 = tpu.memref_slice %arg10[%dma_wait3A_273, %dma_wait3A_274] : memref<10240x128xf32, #tpu.memory_space<vmem_shared>> -> memref<10240x128xf32, #tpu.memory_space<vmem_shared>>
        tpu.wait_indirect_dma semaphore(%run_scoped3A_263 : memref<!tpu.dma_semaphore, #tpu.memory_space<semaphore_mem>>) src(%arg9 : memref<128x128xf32, #tpu.memory_space<vmem>>) dst(%dma_wait3A_275 : memref<10240x128xf32, #tpu.memory_space<vmem_shared>>)
        tpu.yield
      }) : () -> ()
      %dma_wait3A_150 = arith.constant 8 : i32
      %dma_wait3A_151 = arith.constant 0 : i32
      %dma_wait3A_152 = tpu.memref_slice %arg6[%dma_wait3A_150, %dma_wait3A_151] : memref<16x128xi32, #tpu.memory_space<vmem>> -> memref<1x128xi32, #tpu.memory_space<vmem>>
      %dma_wait3A_153 = tpu.memref_squeeze %dma_wait3A_152 : memref<1x128xi32, #tpu.memory_space<vmem>> -> memref<128xi32, #tpu.memory_space<vmem>>
      %dma_wait3A_154 = arith.constant 0 : i32
      %dma_wait3A_155 = arith.constant 0 : i32
      %dma_wait3A_156 = tpu.memref_slice %arg2[%dma_wait3A_154, %dma_wait3A_155] : memref<10240x128xf32, #tpu.memory_space<hbm>> -> memref<10240x128xf32, #tpu.memory_space<hbm>>
      tpu.wait_indirect_dma semaphore(%arg11 : memref<!tpu.dma_semaphore, #tpu.memory_space<semaphore_mem>>) src(%dma_wait3A_156 : memref<10240x128xf32, #tpu.memory_space<hbm>>) dst(%arg8 : memref<128x128xf32, #tpu.memory_space<vmem>>)
      %dma_start3A_157 = arith.constant 9 : i32
      %dma_start3A_158 = arith.constant 0 : i32
      %dma_start3A_159 = tpu.memref_slice %arg6[%dma_start3A_157, %dma_start3A_158] : memref<16x128xi32, #tpu.memory_space<vmem>> -> memref<1x128xi32, #tpu.memory_space<vmem>>
      %dma_start3A_160 = tpu.memref_squeeze %dma_start3A_159 : memref<1x128xi32, #tpu.memory_space<vmem>> -> memref<128xi32, #tpu.memory_space<vmem>>
      %dma_start3A_161 = arith.constant 0 : i32
      %dma_start3A_162 = arith.constant 0 : i32
      %dma_start3A_163 = tpu.memref_slice %arg2[%dma_start3A_161, %dma_start3A_162] : memref<10240x128xf32, #tpu.memory_space<hbm>> -> memref<10240x128xf32, #tpu.memory_space<hbm>>
      tpu.enqueue_indirect_dma source(%dma_start3A_163 : memref<10240x128xf32, #tpu.memory_space<hbm>>) target(%arg9 : memref<128x128xf32, #tpu.memory_space<vmem>>) offsets(%dma_start3A_160 : memref<128xi32, #tpu.memory_space<vmem>>) semaphore(%arg12 : memref<!tpu.dma_semaphore, #tpu.memory_space<semaphore_mem>>)
      %run_scoped3A_164 = arith.constant 8 : i32
      "tpu.region"() ({
        %run_scoped3A_263 = tpu.sem_alloc : memref<!tpu.dma_semaphore, #tpu.memory_space<semaphore_mem>>
        %dma_start3A_264 = arith.constant 0 : i32
        %dma_start3A_265 = tpu.memref_slice %arg7[%run_scoped3A_164, %dma_start3A_264] : memref<16x128xi32, #tpu.memory_space<vmem>> -> memref<1x128xi32, #tpu.memory_space<vmem>>
        %dma_start3A_266 = tpu.memref_squeeze %dma_start3A_265 : memref<1x128xi32, #tpu.memory_space<vmem>> -> memref<128xi32, #tpu.memory_space<vmem>>
        %dma_start3A_267 = arith.constant 0 : i32
        %dma_start3A_268 = arith.constant 0 : i32
        %dma_start3A_269 = tpu.memref_slice %arg10[%dma_start3A_267, %dma_start3A_268] : memref<10240x128xf32, #tpu.memory_space<vmem_shared>> -> memref<10240x128xf32, #tpu.memory_space<vmem_shared>>
        tpu.enqueue_indirect_dma source(%arg8 : memref<128x128xf32, #tpu.memory_space<vmem>>) target(%dma_start3A_269 : memref<10240x128xf32, #tpu.memory_space<vmem_shared>>) offsets(%dma_start3A_266 : memref<128xi32, #tpu.memory_space<vmem>>) semaphore(%run_scoped3A_263 : memref<!tpu.dma_semaphore, #tpu.memory_space<semaphore_mem>>) {add = true}
        %dma_wait3A_270 = arith.constant 0 : i32
        %dma_wait3A_271 = tpu.memref_slice %arg7[%run_scoped3A_164, %dma_wait3A_270] : memref<16x128xi32, #tpu.memory_space<vmem>> -> memref<1x128xi32, #tpu.memory_space<vmem>>
        %dma_wait3A_272 = tpu.memref_squeeze %dma_wait3A_271 : memref<1x128xi32, #tpu.memory_space<vmem>> -> memref<128xi32, #tpu.memory_space<vmem>>
        %dma_wait3A_273 = arith.constant 0 : i32
        %dma_wait3A_274 = arith.constant 0 : i32
        %dma_wait3A_275 = tpu.memref_slice %arg10[%dma_wait3A_273, %dma_wait3A_274] : memref<10240x128xf32, #tpu.memory_space<vmem_shared>> -> memref<10240x128xf32, #tpu.memory_space<vmem_shared>>
        tpu.wait_indirect_dma semaphore(%run_scoped3A_263 : memref<!tpu.dma_semaphore, #tpu.memory_space<semaphore_mem>>) src(%arg8 : memref<128x128xf32, #tpu.memory_space<vmem>>) dst(%dma_wait3A_275 : memref<10240x128xf32, #tpu.memory_space<vmem_shared>>)
        tpu.yield
      }) : () -> ()
      %dma_wait3A_165 = arith.constant 9 : i32
      %dma_wait3A_166 = arith.constant 0 : i32
      %dma_wait3A_167 = tpu.memref_slice %arg6[%dma_wait3A_165, %dma_wait3A_166] : memref<16x128xi32, #tpu.memory_space<vmem>> -> memref<1x128xi32, #tpu.memory_space<vmem>>
      %dma_wait3A_168 = tpu.memref_squeeze %dma_wait3A_167 : memref<1x128xi32, #tpu.memory_space<vmem>> -> memref<128xi32, #tpu.memory_space<vmem>>
      %dma_wait3A_169 = arith.constant 0 : i32
      %dma_wait3A_170 = arith.constant 0 : i32
      %dma_wait3A_171 = tpu.memref_slice %arg2[%dma_wait3A_169, %dma_wait3A_170] : memref<10240x128xf32, #tpu.memory_space<hbm>> -> memref<10240x128xf32, #tpu.memory_space<hbm>>
      tpu.wait_indirect_dma semaphore(%arg12 : memref<!tpu.dma_semaphore, #tpu.memory_space<semaphore_mem>>) src(%dma_wait3A_171 : memref<10240x128xf32, #tpu.memory_space<hbm>>) dst(%arg9 : memref<128x128xf32, #tpu.memory_space<vmem>>)
      %dma_start3A_172 = arith.constant 10 : i32
      %dma_start3A_173 = arith.constant 0 : i32
      %dma_start3A_174 = tpu.memref_slice %arg6[%dma_start3A_172, %dma_start3A_173] : memref<16x128xi32, #tpu.memory_space<vmem>> -> memref<1x128xi32, #tpu.memory_space<vmem>>
      %dma_start3A_175 = tpu.memref_squeeze %dma_start3A_174 : memref<1x128xi32, #tpu.memory_space<vmem>> -> memref<128xi32, #tpu.memory_space<vmem>>
      %dma_start3A_176 = arith.constant 0 : i32
      %dma_start3A_177 = arith.constant 0 : i32
      %dma_start3A_178 = tpu.memref_slice %arg2[%dma_start3A_176, %dma_start3A_177] : memref<10240x128xf32, #tpu.memory_space<hbm>> -> memref<10240x128xf32, #tpu.memory_space<hbm>>
      tpu.enqueue_indirect_dma source(%dma_start3A_178 : memref<10240x128xf32, #tpu.memory_space<hbm>>) target(%arg8 : memref<128x128xf32, #tpu.memory_space<vmem>>) offsets(%dma_start3A_175 : memref<128xi32, #tpu.memory_space<vmem>>) semaphore(%arg11 : memref<!tpu.dma_semaphore, #tpu.memory_space<semaphore_mem>>)
      %run_scoped3A_179 = arith.constant 9 : i32
      "tpu.region"() ({
        %run_scoped3A_263 = tpu.sem_alloc : memref<!tpu.dma_semaphore, #tpu.memory_space<semaphore_mem>>
        %dma_start3A_264 = arith.constant 0 : i32
        %dma_start3A_265 = tpu.memref_slice %arg7[%run_scoped3A_179, %dma_start3A_264] : memref<16x128xi32, #tpu.memory_space<vmem>> -> memref<1x128xi32, #tpu.memory_space<vmem>>
        %dma_start3A_266 = tpu.memref_squeeze %dma_start3A_265 : memref<1x128xi32, #tpu.memory_space<vmem>> -> memref<128xi32, #tpu.memory_space<vmem>>
        %dma_start3A_267 = arith.constant 0 : i32
        %dma_start3A_268 = arith.constant 0 : i32
        %dma_start3A_269 = tpu.memref_slice %arg10[%dma_start3A_267, %dma_start3A_268] : memref<10240x128xf32, #tpu.memory_space<vmem_shared>> -> memref<10240x128xf32, #tpu.memory_space<vmem_shared>>
        tpu.enqueue_indirect_dma source(%arg9 : memref<128x128xf32, #tpu.memory_space<vmem>>) target(%dma_start3A_269 : memref<10240x128xf32, #tpu.memory_space<vmem_shared>>) offsets(%dma_start3A_266 : memref<128xi32, #tpu.memory_space<vmem>>) semaphore(%run_scoped3A_263 : memref<!tpu.dma_semaphore, #tpu.memory_space<semaphore_mem>>) {add = true}
        %dma_wait3A_270 = arith.constant 0 : i32
        %dma_wait3A_271 = tpu.memref_slice %arg7[%run_scoped3A_179, %dma_wait3A_270] : memref<16x128xi32, #tpu.memory_space<vmem>> -> memref<1x128xi32, #tpu.memory_space<vmem>>
        %dma_wait3A_272 = tpu.memref_squeeze %dma_wait3A_271 : memref<1x128xi32, #tpu.memory_space<vmem>> -> memref<128xi32, #tpu.memory_space<vmem>>
        %dma_wait3A_273 = arith.constant 0 : i32
        %dma_wait3A_274 = arith.constant 0 : i32
        %dma_wait3A_275 = tpu.memref_slice %arg10[%dma_wait3A_273, %dma_wait3A_274] : memref<10240x128xf32, #tpu.memory_space<vmem_shared>> -> memref<10240x128xf32, #tpu.memory_space<vmem_shared>>
        tpu.wait_indirect_dma semaphore(%run_scoped3A_263 : memref<!tpu.dma_semaphore, #tpu.memory_space<semaphore_mem>>) src(%arg9 : memref<128x128xf32, #tpu.memory_space<vmem>>) dst(%dma_wait3A_275 : memref<10240x128xf32, #tpu.memory_space<vmem_shared>>)
        tpu.yield
      }) : () -> ()
      %dma_wait3A_180 = arith.constant 10 : i32
      %dma_wait3A_181 = arith.constant 0 : i32
      %dma_wait3A_182 = tpu.memref_slice %arg6[%dma_wait3A_180, %dma_wait3A_181] : memref<16x128xi32, #tpu.memory_space<vmem>> -> memref<1x128xi32, #tpu.memory_space<vmem>>
      %dma_wait3A_183 = tpu.memref_squeeze %dma_wait3A_182 : memref<1x128xi32, #tpu.memory_space<vmem>> -> memref<128xi32, #tpu.memory_space<vmem>>
      %dma_wait3A_184 = arith.constant 0 : i32
      %dma_wait3A_185 = arith.constant 0 : i32
      %dma_wait3A_186 = tpu.memref_slice %arg2[%dma_wait3A_184, %dma_wait3A_185] : memref<10240x128xf32, #tpu.memory_space<hbm>> -> memref<10240x128xf32, #tpu.memory_space<hbm>>
      tpu.wait_indirect_dma semaphore(%arg11 : memref<!tpu.dma_semaphore, #tpu.memory_space<semaphore_mem>>) src(%dma_wait3A_186 : memref<10240x128xf32, #tpu.memory_space<hbm>>) dst(%arg8 : memref<128x128xf32, #tpu.memory_space<vmem>>)
      %dma_start3A_187 = arith.constant 11 : i32
      %dma_start3A_188 = arith.constant 0 : i32
      %dma_start3A_189 = tpu.memref_slice %arg6[%dma_start3A_187, %dma_start3A_188] : memref<16x128xi32, #tpu.memory_space<vmem>> -> memref<1x128xi32, #tpu.memory_space<vmem>>
      %dma_start3A_190 = tpu.memref_squeeze %dma_start3A_189 : memref<1x128xi32, #tpu.memory_space<vmem>> -> memref<128xi32, #tpu.memory_space<vmem>>
      %dma_start3A_191 = arith.constant 0 : i32
      %dma_start3A_192 = arith.constant 0 : i32
      %dma_start3A_193 = tpu.memref_slice %arg2[%dma_start3A_191, %dma_start3A_192] : memref<10240x128xf32, #tpu.memory_space<hbm>> -> memref<10240x128xf32, #tpu.memory_space<hbm>>
      tpu.enqueue_indirect_dma source(%dma_start3A_193 : memref<10240x128xf32, #tpu.memory_space<hbm>>) target(%arg9 : memref<128x128xf32, #tpu.memory_space<vmem>>) offsets(%dma_start3A_190 : memref<128xi32, #tpu.memory_space<vmem>>) semaphore(%arg12 : memref<!tpu.dma_semaphore, #tpu.memory_space<semaphore_mem>>)
      %run_scoped3A_194 = arith.constant 10 : i32
      "tpu.region"() ({
        %run_scoped3A_263 = tpu.sem_alloc : memref<!tpu.dma_semaphore, #tpu.memory_space<semaphore_mem>>
        %dma_start3A_264 = arith.constant 0 : i32
        %dma_start3A_265 = tpu.memref_slice %arg7[%run_scoped3A_194, %dma_start3A_264] : memref<16x128xi32, #tpu.memory_space<vmem>> -> memref<1x128xi32, #tpu.memory_space<vmem>>
        %dma_start3A_266 = tpu.memref_squeeze %dma_start3A_265 : memref<1x128xi32, #tpu.memory_space<vmem>> -> memref<128xi32, #tpu.memory_space<vmem>>
        %dma_start3A_267 = arith.constant 0 : i32
        %dma_start3A_268 = arith.constant 0 : i32
        %dma_start3A_269 = tpu.memref_slice %arg10[%dma_start3A_267, %dma_start3A_268] : memref<10240x128xf32, #tpu.memory_space<vmem_shared>> -> memref<10240x128xf32, #tpu.memory_space<vmem_shared>>
        tpu.enqueue_indirect_dma source(%arg8 : memref<128x128xf32, #tpu.memory_space<vmem>>) target(%dma_start3A_269 : memref<10240x128xf32, #tpu.memory_space<vmem_shared>>) offsets(%dma_start3A_266 : memref<128xi32, #tpu.memory_space<vmem>>) semaphore(%run_scoped3A_263 : memref<!tpu.dma_semaphore, #tpu.memory_space<semaphore_mem>>) {add = true}
        %dma_wait3A_270 = arith.constant 0 : i32
        %dma_wait3A_271 = tpu.memref_slice %arg7[%run_scoped3A_194, %dma_wait3A_270] : memref<16x128xi32, #tpu.memory_space<vmem>> -> memref<1x128xi32, #tpu.memory_space<vmem>>
        %dma_wait3A_272 = tpu.memref_squeeze %dma_wait3A_271 : memref<1x128xi32, #tpu.memory_space<vmem>> -> memref<128xi32, #tpu.memory_space<vmem>>
        %dma_wait3A_273 = arith.constant 0 : i32
        %dma_wait3A_274 = arith.constant 0 : i32
        %dma_wait3A_275 = tpu.memref_slice %arg10[%dma_wait3A_273, %dma_wait3A_274] : memref<10240x128xf32, #tpu.memory_space<vmem_shared>> -> memref<10240x128xf32, #tpu.memory_space<vmem_shared>>
        tpu.wait_indirect_dma semaphore(%run_scoped3A_263 : memref<!tpu.dma_semaphore, #tpu.memory_space<semaphore_mem>>) src(%arg8 : memref<128x128xf32, #tpu.memory_space<vmem>>) dst(%dma_wait3A_275 : memref<10240x128xf32, #tpu.memory_space<vmem_shared>>)
        tpu.yield
      }) : () -> ()
      %dma_wait3A_195 = arith.constant 11 : i32
      %dma_wait3A_196 = arith.constant 0 : i32
      %dma_wait3A_197 = tpu.memref_slice %arg6[%dma_wait3A_195, %dma_wait3A_196] : memref<16x128xi32, #tpu.memory_space<vmem>> -> memref<1x128xi32, #tpu.memory_space<vmem>>
      %dma_wait3A_198 = tpu.memref_squeeze %dma_wait3A_197 : memref<1x128xi32, #tpu.memory_space<vmem>> -> memref<128xi32, #tpu.memory_space<vmem>>
      %dma_wait3A_199 = arith.constant 0 : i32
      %dma_wait3A_200 = arith.constant 0 : i32
      %dma_wait3A_201 = tpu.memref_slice %arg2[%dma_wait3A_199, %dma_wait3A_200] : memref<10240x128xf32, #tpu.memory_space<hbm>> -> memref<10240x128xf32, #tpu.memory_space<hbm>>
      tpu.wait_indirect_dma semaphore(%arg12 : memref<!tpu.dma_semaphore, #tpu.memory_space<semaphore_mem>>) src(%dma_wait3A_201 : memref<10240x128xf32, #tpu.memory_space<hbm>>) dst(%arg9 : memref<128x128xf32, #tpu.memory_space<vmem>>)
      %dma_start3A_202 = arith.constant 12 : i32
      %dma_start3A_203 = arith.constant 0 : i32
      %dma_start3A_204 = tpu.memref_slice %arg6[%dma_start3A_202, %dma_start3A_203] : memref<16x128xi32, #tpu.memory_space<vmem>> -> memref<1x128xi32, #tpu.memory_space<vmem>>
      %dma_start3A_205 = tpu.memref_squeeze %dma_start3A_204 : memref<1x128xi32, #tpu.memory_space<vmem>> -> memref<128xi32, #tpu.memory_space<vmem>>
      %dma_start3A_206 = arith.constant 0 : i32
      %dma_start3A_207 = arith.constant 0 : i32
      %dma_start3A_208 = tpu.memref_slice %arg2[%dma_start3A_206, %dma_start3A_207] : memref<10240x128xf32, #tpu.memory_space<hbm>> -> memref<10240x128xf32, #tpu.memory_space<hbm>>
      tpu.enqueue_indirect_dma source(%dma_start3A_208 : memref<10240x128xf32, #tpu.memory_space<hbm>>) target(%arg8 : memref<128x128xf32, #tpu.memory_space<vmem>>) offsets(%dma_start3A_205 : memref<128xi32, #tpu.memory_space<vmem>>) semaphore(%arg11 : memref<!tpu.dma_semaphore, #tpu.memory_space<semaphore_mem>>)
      %run_scoped3A_209 = arith.constant 11 : i32
      "tpu.region"() ({
        %run_scoped3A_263 = tpu.sem_alloc : memref<!tpu.dma_semaphore, #tpu.memory_space<semaphore_mem>>
        %dma_start3A_264 = arith.constant 0 : i32
        %dma_start3A_265 = tpu.memref_slice %arg7[%run_scoped3A_209, %dma_start3A_264] : memref<16x128xi32, #tpu.memory_space<vmem>> -> memref<1x128xi32, #tpu.memory_space<vmem>>
        %dma_start3A_266 = tpu.memref_squeeze %dma_start3A_265 : memref<1x128xi32, #tpu.memory_space<vmem>> -> memref<128xi32, #tpu.memory_space<vmem>>
        %dma_start3A_267 = arith.constant 0 : i32
        %dma_start3A_268 = arith.constant 0 : i32
        %dma_start3A_269 = tpu.memref_slice %arg10[%dma_start3A_267, %dma_start3A_268] : memref<10240x128xf32, #tpu.memory_space<vmem_shared>> -> memref<10240x128xf32, #tpu.memory_space<vmem_shared>>
        tpu.enqueue_indirect_dma source(%arg9 : memref<128x128xf32, #tpu.memory_space<vmem>>) target(%dma_start3A_269 : memref<10240x128xf32, #tpu.memory_space<vmem_shared>>) offsets(%dma_start3A_266 : memref<128xi32, #tpu.memory_space<vmem>>) semaphore(%run_scoped3A_263 : memref<!tpu.dma_semaphore, #tpu.memory_space<semaphore_mem>>) {add = true}
        %dma_wait3A_270 = arith.constant 0 : i32
        %dma_wait3A_271 = tpu.memref_slice %arg7[%run_scoped3A_209, %dma_wait3A_270] : memref<16x128xi32, #tpu.memory_space<vmem>> -> memref<1x128xi32, #tpu.memory_space<vmem>>
        %dma_wait3A_272 = tpu.memref_squeeze %dma_wait3A_271 : memref<1x128xi32, #tpu.memory_space<vmem>> -> memref<128xi32, #tpu.memory_space<vmem>>
        %dma_wait3A_273 = arith.constant 0 : i32
        %dma_wait3A_274 = arith.constant 0 : i32
        %dma_wait3A_275 = tpu.memref_slice %arg10[%dma_wait3A_273, %dma_wait3A_274] : memref<10240x128xf32, #tpu.memory_space<vmem_shared>> -> memref<10240x128xf32, #tpu.memory_space<vmem_shared>>
        tpu.wait_indirect_dma semaphore(%run_scoped3A_263 : memref<!tpu.dma_semaphore, #tpu.memory_space<semaphore_mem>>) src(%arg9 : memref<128x128xf32, #tpu.memory_space<vmem>>) dst(%dma_wait3A_275 : memref<10240x128xf32, #tpu.memory_space<vmem_shared>>)
        tpu.yield
      }) : () -> ()
      %dma_wait3A_210 = arith.constant 12 : i32
      %dma_wait3A_211 = arith.constant 0 : i32
      %dma_wait3A_212 = tpu.memref_slice %arg6[%dma_wait3A_210, %dma_wait3A_211] : memref<16x128xi32, #tpu.memory_space<vmem>> -> memref<1x128xi32, #tpu.memory_space<vmem>>
      %dma_wait3A_213 = tpu.memref_squeeze %dma_wait3A_212 : memref<1x128xi32, #tpu.memory_space<vmem>> -> memref<128xi32, #tpu.memory_space<vmem>>
      %dma_wait3A_214 = arith.constant 0 : i32
      %dma_wait3A_215 = arith.constant 0 : i32
      %dma_wait3A_216 = tpu.memref_slice %arg2[%dma_wait3A_214, %dma_wait3A_215] : memref<10240x128xf32, #tpu.memory_space<hbm>> -> memref<10240x128xf32, #tpu.memory_space<hbm>>
      tpu.wait_indirect_dma semaphore(%arg11 : memref<!tpu.dma_semaphore, #tpu.memory_space<semaphore_mem>>) src(%dma_wait3A_216 : memref<10240x128xf32, #tpu.memory_space<hbm>>) dst(%arg8 : memref<128x128xf32, #tpu.memory_space<vmem>>)
      %dma_start3A_217 = arith.constant 13 : i32
      %dma_start3A_218 = arith.constant 0 : i32
      %dma_start3A_219 = tpu.memref_slice %arg6[%dma_start3A_217, %dma_start3A_218] : memref<16x128xi32, #tpu.memory_space<vmem>> -> memref<1x128xi32, #tpu.memory_space<vmem>>
      %dma_start3A_220 = tpu.memref_squeeze %dma_start3A_219 : memref<1x128xi32, #tpu.memory_space<vmem>> -> memref<128xi32, #tpu.memory_space<vmem>>
      %dma_start3A_221 = arith.constant 0 : i32
      %dma_start3A_222 = arith.constant 0 : i32
      %dma_start3A_223 = tpu.memref_slice %arg2[%dma_start3A_221, %dma_start3A_222] : memref<10240x128xf32, #tpu.memory_space<hbm>> -> memref<10240x128xf32, #tpu.memory_space<hbm>>
      tpu.enqueue_indirect_dma source(%dma_start3A_223 : memref<10240x128xf32, #tpu.memory_space<hbm>>) target(%arg9 : memref<128x128xf32, #tpu.memory_space<vmem>>) offsets(%dma_start3A_220 : memref<128xi32, #tpu.memory_space<vmem>>) semaphore(%arg12 : memref<!tpu.dma_semaphore, #tpu.memory_space<semaphore_mem>>)
      %run_scoped3A_224 = arith.constant 12 : i32
      "tpu.region"() ({
        %run_scoped3A_263 = tpu.sem_alloc : memref<!tpu.dma_semaphore, #tpu.memory_space<semaphore_mem>>
        %dma_start3A_264 = arith.constant 0 : i32
        %dma_start3A_265 = tpu.memref_slice %arg7[%run_scoped3A_224, %dma_start3A_264] : memref<16x128xi32, #tpu.memory_space<vmem>> -> memref<1x128xi32, #tpu.memory_space<vmem>>
        %dma_start3A_266 = tpu.memref_squeeze %dma_start3A_265 : memref<1x128xi32, #tpu.memory_space<vmem>> -> memref<128xi32, #tpu.memory_space<vmem>>
        %dma_start3A_267 = arith.constant 0 : i32
        %dma_start3A_268 = arith.constant 0 : i32
        %dma_start3A_269 = tpu.memref_slice %arg10[%dma_start3A_267, %dma_start3A_268] : memref<10240x128xf32, #tpu.memory_space<vmem_shared>> -> memref<10240x128xf32, #tpu.memory_space<vmem_shared>>
        tpu.enqueue_indirect_dma source(%arg8 : memref<128x128xf32, #tpu.memory_space<vmem>>) target(%dma_start3A_269 : memref<10240x128xf32, #tpu.memory_space<vmem_shared>>) offsets(%dma_start3A_266 : memref<128xi32, #tpu.memory_space<vmem>>) semaphore(%run_scoped3A_263 : memref<!tpu.dma_semaphore, #tpu.memory_space<semaphore_mem>>) {add = true}
        %dma_wait3A_270 = arith.constant 0 : i32
        %dma_wait3A_271 = tpu.memref_slice %arg7[%run_scoped3A_224, %dma_wait3A_270] : memref<16x128xi32, #tpu.memory_space<vmem>> -> memref<1x128xi32, #tpu.memory_space<vmem>>
        %dma_wait3A_272 = tpu.memref_squeeze %dma_wait3A_271 : memref<1x128xi32, #tpu.memory_space<vmem>> -> memref<128xi32, #tpu.memory_space<vmem>>
        %dma_wait3A_273 = arith.constant 0 : i32
        %dma_wait3A_274 = arith.constant 0 : i32
        %dma_wait3A_275 = tpu.memref_slice %arg10[%dma_wait3A_273, %dma_wait3A_274] : memref<10240x128xf32, #tpu.memory_space<vmem_shared>> -> memref<10240x128xf32, #tpu.memory_space<vmem_shared>>
        tpu.wait_indirect_dma semaphore(%run_scoped3A_263 : memref<!tpu.dma_semaphore, #tpu.memory_space<semaphore_mem>>) src(%arg8 : memref<128x128xf32, #tpu.memory_space<vmem>>) dst(%dma_wait3A_275 : memref<10240x128xf32, #tpu.memory_space<vmem_shared>>)
        tpu.yield
      }) : () -> ()
      %dma_wait3A_225 = arith.constant 13 : i32
      %dma_wait3A_226 = arith.constant 0 : i32
      %dma_wait3A_227 = tpu.memref_slice %arg6[%dma_wait3A_225, %dma_wait3A_226] : memref<16x128xi32, #tpu.memory_space<vmem>> -> memref<1x128xi32, #tpu.memory_space<vmem>>
      %dma_wait3A_228 = tpu.memref_squeeze %dma_wait3A_227 : memref<1x128xi32, #tpu.memory_space<vmem>> -> memref<128xi32, #tpu.memory_space<vmem>>
      %dma_wait3A_229 = arith.constant 0 : i32
      %dma_wait3A_230 = arith.constant 0 : i32
      %dma_wait3A_231 = tpu.memref_slice %arg2[%dma_wait3A_229, %dma_wait3A_230] : memref<10240x128xf32, #tpu.memory_space<hbm>> -> memref<10240x128xf32, #tpu.memory_space<hbm>>
      tpu.wait_indirect_dma semaphore(%arg12 : memref<!tpu.dma_semaphore, #tpu.memory_space<semaphore_mem>>) src(%dma_wait3A_231 : memref<10240x128xf32, #tpu.memory_space<hbm>>) dst(%arg9 : memref<128x128xf32, #tpu.memory_space<vmem>>)
      %dma_start3A_232 = arith.constant 14 : i32
      %dma_start3A_233 = arith.constant 0 : i32
      %dma_start3A_234 = tpu.memref_slice %arg6[%dma_start3A_232, %dma_start3A_233] : memref<16x128xi32, #tpu.memory_space<vmem>> -> memref<1x128xi32, #tpu.memory_space<vmem>>
      %dma_start3A_235 = tpu.memref_squeeze %dma_start3A_234 : memref<1x128xi32, #tpu.memory_space<vmem>> -> memref<128xi32, #tpu.memory_space<vmem>>
      %dma_start3A_236 = arith.constant 0 : i32
      %dma_start3A_237 = arith.constant 0 : i32
      %dma_start3A_238 = tpu.memref_slice %arg2[%dma_start3A_236, %dma_start3A_237] : memref<10240x128xf32, #tpu.memory_space<hbm>> -> memref<10240x128xf32, #tpu.memory_space<hbm>>
      tpu.enqueue_indirect_dma source(%dma_start3A_238 : memref<10240x128xf32, #tpu.memory_space<hbm>>) target(%arg8 : memref<128x128xf32, #tpu.memory_space<vmem>>) offsets(%dma_start3A_235 : memref<128xi32, #tpu.memory_space<vmem>>) semaphore(%arg11 : memref<!tpu.dma_semaphore, #tpu.memory_space<semaphore_mem>>)
      %run_scoped3A_239 = arith.constant 13 : i32
      "tpu.region"() ({
        %run_scoped3A_263 = tpu.sem_alloc : memref<!tpu.dma_semaphore, #tpu.memory_space<semaphore_mem>>
        %dma_start3A_264 = arith.constant 0 : i32
        %dma_start3A_265 = tpu.memref_slice %arg7[%run_scoped3A_239, %dma_start3A_264] : memref<16x128xi32, #tpu.memory_space<vmem>> -> memref<1x128xi32, #tpu.memory_space<vmem>>
        %dma_start3A_266 = tpu.memref_squeeze %dma_start3A_265 : memref<1x128xi32, #tpu.memory_space<vmem>> -> memref<128xi32, #tpu.memory_space<vmem>>
        %dma_start3A_267 = arith.constant 0 : i32
        %dma_start3A_268 = arith.constant 0 : i32
        %dma_start3A_269 = tpu.memref_slice %arg10[%dma_start3A_267, %dma_start3A_268] : memref<10240x128xf32, #tpu.memory_space<vmem_shared>> -> memref<10240x128xf32, #tpu.memory_space<vmem_shared>>
        tpu.enqueue_indirect_dma source(%arg9 : memref<128x128xf32, #tpu.memory_space<vmem>>) target(%dma_start3A_269 : memref<10240x128xf32, #tpu.memory_space<vmem_shared>>) offsets(%dma_start3A_266 : memref<128xi32, #tpu.memory_space<vmem>>) semaphore(%run_scoped3A_263 : memref<!tpu.dma_semaphore, #tpu.memory_space<semaphore_mem>>) {add = true}
        %dma_wait3A_270 = arith.constant 0 : i32
        %dma_wait3A_271 = tpu.memref_slice %arg7[%run_scoped3A_239, %dma_wait3A_270] : memref<16x128xi32, #tpu.memory_space<vmem>> -> memref<1x128xi32, #tpu.memory_space<vmem>>
        %dma_wait3A_272 = tpu.memref_squeeze %dma_wait3A_271 : memref<1x128xi32, #tpu.memory_space<vmem>> -> memref<128xi32, #tpu.memory_space<vmem>>
        %dma_wait3A_273 = arith.constant 0 : i32
        %dma_wait3A_274 = arith.constant 0 : i32
        %dma_wait3A_275 = tpu.memref_slice %arg10[%dma_wait3A_273, %dma_wait3A_274] : memref<10240x128xf32, #tpu.memory_space<vmem_shared>> -> memref<10240x128xf32, #tpu.memory_space<vmem_shared>>
        tpu.wait_indirect_dma semaphore(%run_scoped3A_263 : memref<!tpu.dma_semaphore, #tpu.memory_space<semaphore_mem>>) src(%arg9 : memref<128x128xf32, #tpu.memory_space<vmem>>) dst(%dma_wait3A_275 : memref<10240x128xf32, #tpu.memory_space<vmem_shared>>)
        tpu.yield
      }) : () -> ()
      %dma_wait3A_240 = arith.constant 14 : i32
      %dma_wait3A_241 = arith.constant 0 : i32
      %dma_wait3A_242 = tpu.memref_slice %arg6[%dma_wait3A_240, %dma_wait3A_241] : memref<16x128xi32, #tpu.memory_space<vmem>> -> memref<1x128xi32, #tpu.memory_space<vmem>>
      %dma_wait3A_243 = tpu.memref_squeeze %dma_wait3A_242 : memref<1x128xi32, #tpu.memory_space<vmem>> -> memref<128xi32, #tpu.memory_space<vmem>>
      %dma_wait3A_244 = arith.constant 0 : i32
      %dma_wait3A_245 = arith.constant 0 : i32
      %dma_wait3A_246 = tpu.memref_slice %arg2[%dma_wait3A_244, %dma_wait3A_245] : memref<10240x128xf32, #tpu.memory_space<hbm>> -> memref<10240x128xf32, #tpu.memory_space<hbm>>
      tpu.wait_indirect_dma semaphore(%arg11 : memref<!tpu.dma_semaphore, #tpu.memory_space<semaphore_mem>>) src(%dma_wait3A_246 : memref<10240x128xf32, #tpu.memory_space<hbm>>) dst(%arg8 : memref<128x128xf32, #tpu.memory_space<vmem>>)
      %dma_start3A_247 = arith.constant 15 : i32
      %dma_start3A_248 = arith.constant 0 : i32
      %dma_start3A_249 = tpu.memref_slice %arg6[%dma_start3A_247, %dma_start3A_248] : memref<16x128xi32, #tpu.memory_space<vmem>> -> memref<1x128xi32, #tpu.memory_space<vmem>>
      %dma_start3A_250 = tpu.memref_squeeze %dma_start3A_249 : memref<1x128xi32, #tpu.memory_space<vmem>> -> memref<128xi32, #tpu.memory_space<vmem>>
      %dma_start3A_251 = arith.constant 0 : i32
      %dma_start3A_252 = arith.constant 0 : i32
      %dma_start3A_253 = tpu.memref_slice %arg2[%dma_start3A_251, %dma_start3A_252] : memref<10240x128xf32, #tpu.memory_space<hbm>> -> memref<10240x128xf32, #tpu.memory_space<hbm>>
      tpu.enqueue_indirect_dma source(%dma_start3A_253 : memref<10240x128xf32, #tpu.memory_space<hbm>>) target(%arg9 : memref<128x128xf32, #tpu.memory_space<vmem>>) offsets(%dma_start3A_250 : memref<128xi32, #tpu.memory_space<vmem>>) semaphore(%arg12 : memref<!tpu.dma_semaphore, #tpu.memory_space<semaphore_mem>>)
      %run_scoped3A_254 = arith.constant 14 : i32
      "tpu.region"() ({
        %run_scoped3A_263 = tpu.sem_alloc : memref<!tpu.dma_semaphore, #tpu.memory_space<semaphore_mem>>
        %dma_start3A_264 = arith.constant 0 : i32
        %dma_start3A_265 = tpu.memref_slice %arg7[%run_scoped3A_254, %dma_start3A_264] : memref<16x128xi32, #tpu.memory_space<vmem>> -> memref<1x128xi32, #tpu.memory_space<vmem>>
        %dma_start3A_266 = tpu.memref_squeeze %dma_start3A_265 : memref<1x128xi32, #tpu.memory_space<vmem>> -> memref<128xi32, #tpu.memory_space<vmem>>
        %dma_start3A_267 = arith.constant 0 : i32
        %dma_start3A_268 = arith.constant 0 : i32
        %dma_start3A_269 = tpu.memref_slice %arg10[%dma_start3A_267, %dma_start3A_268] : memref<10240x128xf32, #tpu.memory_space<vmem_shared>> -> memref<10240x128xf32, #tpu.memory_space<vmem_shared>>
        tpu.enqueue_indirect_dma source(%arg8 : memref<128x128xf32, #tpu.memory_space<vmem>>) target(%dma_start3A_269 : memref<10240x128xf32, #tpu.memory_space<vmem_shared>>) offsets(%dma_start3A_266 : memref<128xi32, #tpu.memory_space<vmem>>) semaphore(%run_scoped3A_263 : memref<!tpu.dma_semaphore, #tpu.memory_space<semaphore_mem>>) {add = true}
        %dma_wait3A_270 = arith.constant 0 : i32
        %dma_wait3A_271 = tpu.memref_slice %arg7[%run_scoped3A_254, %dma_wait3A_270] : memref<16x128xi32, #tpu.memory_space<vmem>> -> memref<1x128xi32, #tpu.memory_space<vmem>>
        %dma_wait3A_272 = tpu.memref_squeeze %dma_wait3A_271 : memref<1x128xi32, #tpu.memory_space<vmem>> -> memref<128xi32, #tpu.memory_space<vmem>>
        %dma_wait3A_273 = arith.constant 0 : i32
        %dma_wait3A_274 = arith.constant 0 : i32
        %dma_wait3A_275 = tpu.memref_slice %arg10[%dma_wait3A_273, %dma_wait3A_274] : memref<10240x128xf32, #tpu.memory_space<vmem_shared>> -> memref<10240x128xf32, #tpu.memory_space<vmem_shared>>
        tpu.wait_indirect_dma semaphore(%run_scoped3A_263 : memref<!tpu.dma_semaphore, #tpu.memory_space<semaphore_mem>>) src(%arg8 : memref<128x128xf32, #tpu.memory_space<vmem>>) dst(%dma_wait3A_275 : memref<10240x128xf32, #tpu.memory_space<vmem_shared>>)
        tpu.yield
      }) : () -> ()
      %dma_wait3A_255 = arith.constant 15 : i32
      %dma_wait3A_256 = arith.constant 0 : i32
      %dma_wait3A_257 = tpu.memref_slice %arg6[%dma_wait3A_255, %dma_wait3A_256] : memref<16x128xi32, #tpu.memory_space<vmem>> -> memref<1x128xi32, #tpu.memory_space<vmem>>
      %dma_wait3A_258 = tpu.memref_squeeze %dma_wait3A_257 : memref<1x128xi32, #tpu.memory_space<vmem>> -> memref<128xi32, #tpu.memory_space<vmem>>
      %dma_wait3A_259 = arith.constant 0 : i32
      %dma_wait3A_260 = arith.constant 0 : i32
      %dma_wait3A_261 = tpu.memref_slice %arg2[%dma_wait3A_259, %dma_wait3A_260] : memref<10240x128xf32, #tpu.memory_space<hbm>> -> memref<10240x128xf32, #tpu.memory_space<hbm>>
      tpu.wait_indirect_dma semaphore(%arg12 : memref<!tpu.dma_semaphore, #tpu.memory_space<semaphore_mem>>) src(%dma_wait3A_261 : memref<10240x128xf32, #tpu.memory_space<hbm>>) dst(%arg9 : memref<128x128xf32, #tpu.memory_space<vmem>>)
      %run_scoped3A_262 = arith.constant 15 : i32
      "tpu.region"() ({
        %run_scoped3A_263 = tpu.sem_alloc : memref<!tpu.dma_semaphore, #tpu.memory_space<semaphore_mem>>
        %dma_start3A_264 = arith.constant 0 : i32
        %dma_start3A_265 = tpu.memref_slice %arg7[%run_scoped3A_262, %dma_start3A_264] : memref<16x128xi32, #tpu.memory_space<vmem>> -> memref<1x128xi32, #tpu.memory_space<vmem>>
        %dma_start3A_266 = tpu.memref_squeeze %dma_start3A_265 : memref<1x128xi32, #tpu.memory_space<vmem>> -> memref<128xi32, #tpu.memory_space<vmem>>
        %dma_start3A_267 = arith.constant 0 : i32
        %dma_start3A_268 = arith.constant 0 : i32
        %dma_start3A_269 = tpu.memref_slice %arg10[%dma_start3A_267, %dma_start3A_268] : memref<10240x128xf32, #tpu.memory_space<vmem_shared>> -> memref<10240x128xf32, #tpu.memory_space<vmem_shared>>
        tpu.enqueue_indirect_dma source(%arg9 : memref<128x128xf32, #tpu.memory_space<vmem>>) target(%dma_start3A_269 : memref<10240x128xf32, #tpu.memory_space<vmem_shared>>) offsets(%dma_start3A_266 : memref<128xi32, #tpu.memory_space<vmem>>) semaphore(%run_scoped3A_263 : memref<!tpu.dma_semaphore, #tpu.memory_space<semaphore_mem>>) {add = true}
        %dma_wait3A_270 = arith.constant 0 : i32
        %dma_wait3A_271 = tpu.memref_slice %arg7[%run_scoped3A_262, %dma_wait3A_270] : memref<16x128xi32, #tpu.memory_space<vmem>> -> memref<1x128xi32, #tpu.memory_space<vmem>>
        %dma_wait3A_272 = tpu.memref_squeeze %dma_wait3A_271 : memref<1x128xi32, #tpu.memory_space<vmem>> -> memref<128xi32, #tpu.memory_space<vmem>>
        %dma_wait3A_273 = arith.constant 0 : i32
        %dma_wait3A_274 = arith.constant 0 : i32
        %dma_wait3A_275 = tpu.memref_slice %arg10[%dma_wait3A_273, %dma_wait3A_274] : memref<10240x128xf32, #tpu.memory_space<vmem_shared>> -> memref<10240x128xf32, #tpu.memory_space<vmem_shared>>
        tpu.wait_indirect_dma semaphore(%run_scoped3A_263 : memref<!tpu.dma_semaphore, #tpu.memory_space<semaphore_mem>>) src(%arg9 : memref<128x128xf32, #tpu.memory_space<vmem>>) dst(%dma_wait3A_275 : memref<10240x128xf32, #tpu.memory_space<vmem_shared>>)
        tpu.yield
      }) : () -> ()
    }
    %barrier3A_16 = arith.constant 0 : index
    tpu.barrier barrier_id(%barrier3A_16)
    %mul3A_17 = arith.constant 640 : i32
    %mul3A_18 = arith.muli %arg1, %mul3A_17 : i32
    %mul3A_19 = arith.constant 640 : i32
    %mul3A_20 = arith.muli %arg1, %mul3A_19 : i32
    "tpu.region"() ({
      %run_scoped3A = tpu.sem_alloc : memref<!tpu.dma_semaphore, #tpu.memory_space<semaphore_mem>>
      %dma_start3A = arith.constant 0 : i32
      %dma_start3A_21 = tpu.memref_slice %arg5[%arg0, %mul3A_20, %dma_start3A] : memref<2x10240x128xf32, #tpu.memory_space<hbm>> -> memref<1x640x128xf32, #tpu.memory_space<hbm>>
      %dma_start3A_22 = tpu.memref_squeeze %dma_start3A_21 : memref<1x640x128xf32, #tpu.memory_space<hbm>> -> memref<640x128xf32, #tpu.memory_space<hbm>>
      %dma_start3A_23 = arith.constant 0 : i32
      %dma_start3A_24 = tpu.memref_slice %arg10[%mul3A_18, %dma_start3A_23] : memref<10240x128xf32, #tpu.memory_space<vmem_shared>> -> memref<640x128xf32, #tpu.memory_space<vmem_shared>>
      tpu.enqueue_dma source(%dma_start3A_24 : memref<640x128xf32, #tpu.memory_space<vmem_shared>>) target(%dma_start3A_22 : memref<640x128xf32, #tpu.memory_space<hbm>>) target_semaphore(%run_scoped3A : memref<!tpu.dma_semaphore, #tpu.memory_space<semaphore_mem>>)
      %dma_wait3A = arith.constant 0 : i32
      %dma_wait3A_25 = tpu.memref_slice %arg5[%arg0, %mul3A_20, %dma_wait3A] : memref<2x10240x128xf32, #tpu.memory_space<hbm>> -> memref<1x640x128xf32, #tpu.memory_space<hbm>>
      %dma_wait3A_26 = tpu.memref_squeeze %dma_wait3A_25 : memref<1x640x128xf32, #tpu.memory_space<hbm>> -> memref<640x128xf32, #tpu.memory_space<hbm>>
      %dma_wait3A_27 = arith.constant 0 : i32
      %dma_wait3A_28 = tpu.memref_slice %arg10[%mul3A_18, %dma_wait3A_27] : memref<10240x128xf32, #tpu.memory_space<vmem_shared>> -> memref<640x128xf32, #tpu.memory_space<vmem_shared>>
      tpu.wait_dma2 semaphore(%run_scoped3A : memref<!tpu.dma_semaphore, #tpu.memory_space<semaphore_mem>>) src(%dma_wait3A_28 : memref<640x128xf32, #tpu.memory_space<vmem_shared>>) dst(%dma_wait3A_26 : memref<640x128xf32, #tpu.memory_space<hbm>>)
      tpu.yield
    }) : () -> ()
    return
  }
}

module attributes {stable_mosaic.version = 14 : i64} {
  func.func @_tc_transform_body(%arg0: i32, %arg1: memref<1024x1xf32, #tpu.memory_space<vmem>>, %arg2: memref<1024x1xf32, #tpu.memory_space<vmem>>, %arg3: memref<1024x128xf32, #tpu.memory_space<vmem>>, %arg4: memref<128x128xf32, #tpu.memory_space<vmem>>, %arg5: memref<1024x128xf32, #tpu.memory_space<vmem>>, %arg6: memref<1024x1xf32, #tpu.memory_space<vmem>>) attributes {dimension_semantics = [#tpu.dimension_semantics<arbitrary>], iteration_bounds = array<i64: 10>, scalar_prefetch = 0 : i64, scratch_operands = 0 : i64, tpu.core_type = #tpu.core_type<tc>, window_params = [{transform_indices = @transform_0, window_bounds = array<i64: 1024, 1>}, {transform_indices = @transform_1, window_bounds = array<i64: 1024, 1>}, {transform_indices = @transform_2, window_bounds = array<i64: 1024, 128>}, {pipeline_mode = #tpu.pipeline_mode<synchronous>, transform_indices = @transform_3, window_bounds = array<i64: 128, 128>}, {transform_indices = @transform_4, window_bounds = array<i64: 1024, 128>}, {transform_indices = @transform_5, window_bounds = array<i64: 1024, 1>}]} {
    %get3A = arith.constant 0 : index
    %get3A_0 = arith.constant 0 : index
    %get3A_1 = vector.load %arg1[%get3A, %get3A_0] : memref<1024x1xf32, #tpu.memory_space<vmem>>, vector<1024x1xf32>
    %get3A_2 = arith.constant 0 : index
    %get3A_3 = arith.constant 0 : index
    %get3A_4 = vector.load %arg2[%get3A_2, %get3A_3] : memref<1024x1xf32, #tpu.memory_space<vmem>>, vector<1024x1xf32>
    %add3A = arith.addf %get3A_1, %get3A_4 : vector<1024x1xf32>
    %add3A_5 = arith.constant 1.000000e+00 : f32
    %add3A_6 = vector.broadcast %add3A_5 : f32 to vector<1024x1xf32>
    %add3A_7 = arith.addf %add3A, %add3A_6 : vector<1024x1xf32>
    %rsqrt3A = math.rsqrt %add3A_7 : vector<1024x1xf32>
    %swap3A = arith.constant 0 : index
    %swap3A_8 = arith.constant 0 : index
    %swap3A_9 = vector.load %arg6[%swap3A, %swap3A_8] : memref<1024x1xf32, #tpu.memory_space<vmem>>, vector<1024x1xf32>
    tpu.vector_store %arg6[%swap3A, %swap3A_8], %rsqrt3A {strides = array<i32>} : memref<1024x1xf32, #tpu.memory_space<vmem>>, vector<1024x1xf32>,
    %get3A_10 = arith.constant 0 : index
    %get3A_11 = arith.constant 0 : index
    %get3A_12 = vector.load %arg3[%get3A_10, %get3A_11] : memref<1024x128xf32, #tpu.memory_space<vmem>>, vector<1024x128xf32>
    %get3A_13 = arith.constant 0 : index
    %get3A_14 = arith.constant 0 : index
    %get3A_15 = vector.load %arg4[%get3A_13, %get3A_14] : memref<128x128xf32, #tpu.memory_space<vmem>>, vector<128x128xf32>
    %dot_general3A = arith.constant dense<0.000000e+00> : vector<1024x128xf32>
    %dot_general3A_16 = tpu.matmul %get3A_12, %get3A_15, %dot_general3A {dimension_numbers = #tpu.dot_dimension_numbers<[1], [0], [0], [1], [0, 0, 1, 1], [], []>, transpose_lhs_hint = false} : vector<1024x128xf32>, vector<128x128xf32>, vector<1024x128xf32> -> vector<1024x128xf32>
    %mul3A = vector.broadcast %rsqrt3A : vector<1024x1xf32> to vector<1024x128xf32>
    %mul3A_17 = arith.mulf %mul3A, %dot_general3A_16 : vector<1024x128xf32>
    %swap3A_18 = arith.constant 0 : index
    %swap3A_19 = arith.constant 0 : index
    %swap3A_20 = vector.load %arg5[%swap3A_18, %swap3A_19] : memref<1024x128xf32, #tpu.memory_space<vmem>>, vector<1024x128xf32>
    tpu.vector_store %arg5[%swap3A_18, %swap3A_19], %mul3A_17 {strides = array<i32>} : memref<1024x128xf32, #tpu.memory_space<vmem>>, vector<1024x128xf32>,
    return
  }
  func.func @transform_0(%arg0: i32) -> (i32, i32) {
    %c0_i32 = arith.constant 0 : i32
    %c0_i32_0 = arith.constant 0 : i32
    return %arg0, %c0_i32 : i32, i32
  }
  func.func @transform_1(%arg0: i32) -> (i32, i32) {
    %c0_i32 = arith.constant 0 : i32
    %c0_i32_0 = arith.constant 0 : i32
    return %arg0, %c0_i32 : i32, i32
  }
  func.func @transform_2(%arg0: i32) -> (i32, i32) {
    %c0_i32 = arith.constant 0 : i32
    %c0_i32_0 = arith.constant 0 : i32
    return %arg0, %c0_i32 : i32, i32
  }
  func.func @transform_3(%arg0: i32) -> (i32, i32) {
    %c0_i32 = arith.constant 0 : i32
    %c0_i32_0 = arith.constant 0 : i32
    %c0_i32_1 = arith.constant 0 : i32
    return %c0_i32, %c0_i32_0 : i32, i32
  }
  func.func @transform_4(%arg0: i32) -> (i32, i32) {
    %c0_i32 = arith.constant 0 : i32
    %c0_i32_0 = arith.constant 0 : i32
    return %arg0, %c0_i32 : i32, i32
  }
  func.func @transform_5(%arg0: i32) -> (i32, i32) {
    %c0_i32 = arith.constant 0 : i32
    %c0_i32_0 = arith.constant 0 : i32
    return %arg0, %c0_i32 : i32, i32
  }
}

module attributes {stable_mosaic.version = 14 : i64} {
  func.func @_tc_final_body(%arg0: i32, %arg1: memref<1024x128xf32, #tpu.memory_space<vmem>>, %arg2: memref<1024x128xf32, #tpu.memory_space<vmem>>, %arg3: memref<1024x128xf32, #tpu.memory_space<vmem>>, %arg4: memref<1024x1xf32, #tpu.memory_space<vmem>>, %arg5: memref<1x128xf32, #tpu.memory_space<vmem>>, %arg6: memref<128x128xf32, #tpu.memory_space<vmem>>, %arg7: memref<1x128xf32, #tpu.memory_space<vmem>>, %arg8: memref<1024x128xf32, #tpu.memory_space<vmem>>) attributes {dimension_semantics = [#tpu.dimension_semantics<arbitrary>], iteration_bounds = array<i64: 10>, scalar_prefetch = 0 : i64, scratch_operands = 0 : i64, tpu.core_type = #tpu.core_type<tc>, window_params = [{transform_indices = @transform_0, window_bounds = array<i64: 1024, 128>}, {transform_indices = @transform_1, window_bounds = array<i64: 1024, 128>}, {transform_indices = @transform_2, window_bounds = array<i64: 1024, 128>}, {transform_indices = @transform_3, window_bounds = array<i64: 1024, 1>}, {pipeline_mode = #tpu.pipeline_mode<synchronous>, transform_indices = @transform_4, window_bounds = array<i64: 1, 128>}, {pipeline_mode = #tpu.pipeline_mode<synchronous>, transform_indices = @transform_5, window_bounds = array<i64: 128, 128>}, {pipeline_mode = #tpu.pipeline_mode<synchronous>, transform_indices = @transform_6, window_bounds = array<i64: 1, 128>}, {transform_indices = @transform_7, window_bounds = array<i64: 1024, 128>}]} {
    %get3A = arith.constant 0 : index
    %get3A_0 = arith.constant 0 : index
    %get3A_1 = vector.load %arg4[%get3A, %get3A_0] : memref<1024x1xf32, #tpu.memory_space<vmem>>, vector<1024x1xf32>
    %get3A_2 = arith.constant 0 : index
    %get3A_3 = arith.constant 0 : index
    %get3A_4 = vector.load %arg1[%get3A_2, %get3A_3] : memref<1024x128xf32, #tpu.memory_space<vmem>>, vector<1024x128xf32>
    %get3A_5 = arith.constant 0 : index
    %get3A_6 = arith.constant 0 : index
    %get3A_7 = vector.load %arg2[%get3A_5, %get3A_6] : memref<1024x128xf32, #tpu.memory_space<vmem>>, vector<1024x128xf32>
    %add3A = arith.addf %get3A_4, %get3A_7 : vector<1024x128xf32>
    %get3A_8 = arith.constant 0 : index
    %get3A_9 = arith.constant 0 : index
    %get3A_10 = vector.load %arg3[%get3A_8, %get3A_9] : memref<1024x128xf32, #tpu.memory_space<vmem>>, vector<1024x128xf32>
    %sub3A = arith.subf %add3A, %get3A_10 : vector<1024x128xf32>
    %mul3A = vector.broadcast %get3A_1 : vector<1024x1xf32> to vector<1024x128xf32>
    %mul3A_11 = arith.mulf %mul3A, %sub3A : vector<1024x128xf32>
    %get3A_12 = arith.constant 0 : index
    %get3A_13 = arith.constant 0 : index
    %get3A_14 = vector.load %arg5[%get3A_12, %get3A_13] : memref<1x128xf32, #tpu.memory_space<vmem>>, vector<1x128xf32>
    %add3A_15 = vector.broadcast %get3A_14 : vector<1x128xf32> to vector<1024x128xf32>
    %add3A_16 = arith.addf %mul3A_11, %add3A_15 : vector<1024x128xf32>
    %tanh3A = math.tanh %add3A_16 : vector<1024x128xf32>
    %get3A_17 = arith.constant 0 : index
    %get3A_18 = arith.constant 0 : index
    %get3A_19 = vector.load %arg6[%get3A_17, %get3A_18] : memref<128x128xf32, #tpu.memory_space<vmem>>, vector<128x128xf32>
    %dot_general3A = arith.constant dense<0.000000e+00> : vector<1024x128xf32>
    %dot_general3A_20 = tpu.matmul %tanh3A, %get3A_19, %dot_general3A {dimension_numbers = #tpu.dot_dimension_numbers<[1], [0], [0], [1], [0, 0, 1, 1], [], []>, transpose_lhs_hint = false} : vector<1024x128xf32>, vector<128x128xf32>, vector<1024x128xf32> -> vector<1024x128xf32>
    %get3A_21 = arith.constant 0 : index
    %get3A_22 = arith.constant 0 : index
    %get3A_23 = vector.load %arg7[%get3A_21, %get3A_22] : memref<1x128xf32, #tpu.memory_space<vmem>>, vector<1x128xf32>
    %add3A_24 = vector.broadcast %get3A_23 : vector<1x128xf32> to vector<1024x128xf32>
    %add3A_25 = arith.addf %dot_general3A_20, %add3A_24 : vector<1024x128xf32>
    %swap3A = arith.constant 0 : index
    %swap3A_26 = arith.constant 0 : index
    %swap3A_27 = vector.load %arg8[%swap3A, %swap3A_26] : memref<1024x128xf32, #tpu.memory_space<vmem>>, vector<1024x128xf32>
    tpu.vector_store %arg8[%swap3A, %swap3A_26], %add3A_25 {strides = array<i32>} : memref<1024x128xf32, #tpu.memory_space<vmem>>, vector<1024x128xf32>,
    return
  }
  func.func @transform_0(%arg0: i32) -> (i32, i32) {
    %c0_i32 = arith.constant 0 : i32
    %c0_i32_0 = arith.constant 0 : i32
    return %arg0, %c0_i32 : i32, i32
  }
  func.func @transform_1(%arg0: i32) -> (i32, i32) {
    %c0_i32 = arith.constant 0 : i32
    %c0_i32_0 = arith.constant 0 : i32
    return %arg0, %c0_i32 : i32, i32
  }
  func.func @transform_2(%arg0: i32) -> (i32, i32) {
    %c0_i32 = arith.constant 0 : i32
    %c0_i32_0 = arith.constant 0 : i32
    return %arg0, %c0_i32 : i32, i32
  }
  func.func @transform_3(%arg0: i32) -> (i32, i32) {
    %c0_i32 = arith.constant 0 : i32
    %c0_i32_0 = arith.constant 0 : i32
    return %arg0, %c0_i32 : i32, i32
  }
  func.func @transform_4(%arg0: i32) -> (i32, i32) {
    %c0_i32 = arith.constant 0 : i32
    %c0_i32_0 = arith.constant 0 : i32
    %c0_i32_1 = arith.constant 0 : i32
    return %c0_i32, %c0_i32_0 : i32, i32
  }
  func.func @transform_5(%arg0: i32) -> (i32, i32) {
    %c0_i32 = arith.constant 0 : i32
    %c0_i32_0 = arith.constant 0 : i32
    %c0_i32_1 = arith.constant 0 : i32
    return %c0_i32, %c0_i32_0 : i32, i32
  }
  func.func @transform_6(%arg0: i32) -> (i32, i32) {
    %c0_i32 = arith.constant 0 : i32
    %c0_i32_0 = arith.constant 0 : i32
    %c0_i32_1 = arith.constant 0 : i32
    return %c0_i32, %c0_i32_0 : i32, i32
  }
  func.func @transform_7(%arg0: i32) -> (i32, i32) {
    %c0_i32 = arith.constant 0 : i32
    %c0_i32_0 = arith.constant 0 : i32
    return %arg0, %c0_i32 : i32, i32
  }
}

</mosaic_0001>

<sc_bundles>
// kernel: kernel.6.cloned.1.call-start
scs
__scs_entry_jumppad:
0x0: {  	(pc) =	sbr.rel $0x88, $3  }
0x1: {  	(tag) =	ssettag $0x0;
	lr =	simm.s32 $0x1  }
0x2: {  	[smem:$0x3F9B] =	sst lr;
	_ =	strace $0xD0000000  }
0x3: {  	_ = 	snop  }
0x4: {  	_ = 	snop  }
0x5: {  	_ = 	snop  }
0x6: {  	_ = 	snop  }
0x7: {  	_ = 	snop  }
__scs_overlays_trampoline_lowered:
0x8: {  	[smem:$0x3FAA] =	sst s0  }
0x9: {  	[smem:$0x3FAB] =	sst s1  }
0xa: {  	[smem:$0x3FAC] =	sst s2  }
0xb: {  	[smem:$0x3FAD] =	sst s3  }
0xc: {  	[smem:$0x3FAE] =	sst s4  }
0xd: {  	[smem:$0x3FAF] =	sst s5  }
0xe: {  	[smem:$0x3FB0] =	sst s6  }
0xf: {  	[smem:$0x3FB1] =	sst s7  }
0x10: {  	[smem:$0x3FB2] =	sst s8  }
0x11: {  	[smem:$0x3FB3] =	sst s9;
	s0 =	simm.s32 @!p0 $0x0  }
0x12: {  	s1 =	sld [smem:$0x3F99];
	s0 =	simm.s32 @p0 $0x1  }
0x13: {  	[smem:$0x3FB4] =	sst s0;
	s0 =	simm.s32 @!p1 $0x0  }
0x14: {  	s2 =	sld [smem:$0x3F98];
	s0 =	simm.s32 @p1 $0x1  }
0x15: {  	[smem:$0x3FB5] =	sst s0;
	s0 =	simm.s32 @!p2 $0x0  }
0x16: {  	s3 =	sld [smem:$0x3FDB];
	s0 =	simm.s32 @p2 $0x1  }
0x17: {  	s4 =	simm.s32 $0x1BF5;
	[smem:$0x3FB7] =	sst s0  }
0x18: {  	s0 =	sld [smem:$0x3F9A];
	_ =	swait.ge [sflag:s4], $0x0  }
0x19: {  	s7 =	sld [smem:$0x3F9B]  }
0x1a: {  	s8 =	sadd.s32 $0xFFFFE003, lr  }
0x1b: {  	s9 =	sadd.s32 $0xFFFFFEF7, lr;
	s5 =	simm.s32 $0xFFFFFFFF;
	p2 =	slt.u32 s8, $0xFFFFF086  }
0x1c: {  	p1 =	slt.u32 s9, $0xF7A;
	s5 =	simm.s32 @!p2 $0x0  }
0x1d: {  	s5 =	simm.s32 @p1 $0x1;
	p0 =	seq.s32 s7, s2  }
0x1e: {  	s7 =	smul.u32 @!p0 $0xF7A, s2;
	p2 =	seq.s32 @!p0 s5, $0x0  }
0x1f: {  	s9 =	smul.u32 $0xF7A, s1;
	s8 =	simm.s32 @!p0 $0x1BF5;
	p2 =	por !p2, p0  }
0x20: {  	[sflag:s8] =	ssyncset.s32 @!p0 $0xFFFFF086;
	s6 =	sadd.s32 @!p0 s3, s7;
	s7 =	simm.s32 @!p0 $0x108  }
0x21: {  	s3 =	sadd.s32 s3, s9;
	s6 =	sadd.s32 @!p0 $0x88, s6;
	s7 =	simm.s32 @p2 $0x1082  }
0x22: {  	[simem:s7], [sflag:s8] =	dma.local @!p0 [hbm:s6], $0xF7A  }
0x23: {  	s9 =	sor.u32 $0xD0000000, s2;
	s6 =	simm.s32 $0x108;
	_ =	swait.ge @!p0 [sflag:s8], $0x0  }
0x24: {  	s3 =	sadd.s32 $0x88, s3;
	s6 =	simm.s32 @!p1 $0x1082;
	[sflag:s4] =	ssyncset.s32 $0xFFFFF086  }
0x25: {  	[simem:s6], [sflag:s4] =	dma.local [hbm:s3], $0xF7A  }
0x26: {  	[smem:$0x3F9B] =	sst s1;
	(tag) =	ssettag s2;
	_ =	strace s9  }
0x27: {  	s1 =	sld [smem:$0x3FAB]  }
0x28: {  	s2 =	sld [smem:$0x3FAC]  }
0x29: {  	s4 =	sld [smem:$0x3FAE]  }
0x2a: {  	p0 =	seq.s32 s5, $0x0;
	s5 =	sld [smem:$0x3FAF]  }
0x2b: {  	s6 =	sld [smem:$0x3FB0]  }
0x2c: {  	s7 =	sld [smem:$0x3FB1]  }
0x2d: {  	s3 =	simm.s32 $0x108;
	s8 =	sld [smem:$0x3FB2]  }
0x2e: {  	s3 =	simm.s32 @!p0 $0x1082;
	s9 =	sld [smem:$0x3FB3]  }
0x2f: {  	lr =	sadd.s32 s0, s3;
	s0 =	sld [smem:$0x3FAA]  }
0x30: {  	s3 =	sld [smem:$0x3FAD]  }
0x31: {  	[smem:$0x3FB6] =	sst s10  }
0x32: {  	s10 =	sld [smem:$0x3FB4];
	_ =	sdelay $0x3  }
0x33: {  	p0 =	seq.s32 s10, $0x1;
	s10 =	sld [smem:$0x3FB6];
	_ =	sdelay $0x3  }
0x34: {  	[smem:$0x3FB6] =	sst s10  }
0x35: {  	s10 =	sld [smem:$0x3FB5];
	_ =	sdelay $0x3  }
0x36: {  	p1 =	seq.s32 s10, $0x1;
	s10 =	sld [smem:$0x3FB6];
	_ =	sdelay $0x3  }
0x37: {  	[smem:$0x3FB6] =	sst s10  }
0x38: {  	s10 =	sld [smem:$0x3FB7]  }
0x39: {  	_ = 	snop;
	(pc) =	sbr.ind lr, $3  }
0x3a: {  	_ = 	snop  }
0x3b: {  	_ = 	snop  }
0x3c: {  	p2 =	seq.s32 s10, $0x1;
	s10 =	sld [smem:$0x3FB6]  }
0x3d: {  	_ =	shalt  }
0x3e: {  	_ =	shalt  }
0x3f: {  	_ =	shalt  }
0x40: {  	_ =	shalt  }
0x41: {  	_ =	shalt  }
0x42: {  	_ =	shalt  }
0x43: {  	_ =	shalt  }
0x44: {  	_ =	shalt  }
0x45: {  	_ =	shalt  }
0x46: {  	_ =	shalt  }
0x47: {  	_ =	shalt  }
0x48: {  	_ =	shalt  }
0x49: {  	_ =	shalt  }
0x4a: {  	_ =	shalt  }
0x4b: {  	_ =	shalt  }
0x4c: {  	_ =	shalt  }
0x4d: {  	_ =	shalt  }
0x4e: {  	_ =	shalt  }
0x4f: {  	_ =	shalt  }
0x50: {  	_ =	shalt  }
0x51: {  	_ =	shalt  }
0x52: {  	_ =	shalt  }
0x53: {  	_ =	shalt  }
0x54: {  	_ =	shalt  }
0x55: {  	_ =	shalt  }
0x56: {  	_ =	shalt  }
0x57: {  	_ =	shalt  }
0x58: {  	_ =	shalt  }
0x59: {  	_ =	shalt  }
0x5a: {  	_ =	shalt  }
0x5b: {  	_ =	shalt  }
0x5c: {  	_ =	shalt  }
0x5d: {  	_ =	shalt  }
0x5e: {  	_ =	shalt  }
0x5f: {  	_ =	shalt  }
0x60: {  	_ =	shalt  }
0x61: {  	_ =	shalt  }
0x62: {  	_ =	shalt  }
0x63: {  	_ =	shalt  }
0x64: {  	_ =	shalt  }
0x65: {  	_ =	shalt  }
0x66: {  	_ =	shalt  }
0x67: {  	_ =	shalt  }
0x68: {  	_ =	shalt  }
0x69: {  	_ =	shalt  }
0x6a: {  	_ =	shalt  }
0x6b: {  	_ =	shalt  }
0x6c: {  	_ =	shalt  }
0x6d: {  	_ =	shalt  }
0x6e: {  	_ =	shalt  }
0x6f: {  	_ =	shalt  }
0x70: {  	_ =	shalt  }
0x71: {  	_ =	shalt  }
0x72: {  	_ =	shalt  }
0x73: {  	_ =	shalt  }
0x74: {  	_ =	shalt  }
0x75: {  	_ =	shalt  }
0x76: {  	_ =	shalt  }
0x77: {  	_ =	shalt  }
0x78: {  	_ =	shalt  }
0x79: {  	_ =	shalt  }
0x7a: {  	_ =	shalt  }
0x7b: {  	_ =	shalt  }
0x7c: {  	_ =	shalt  }
0x7d: {  	_ =	shalt  }
0x7e: {  	_ =	shalt  }
0x7f: {  	_ =	shalt  }
0x80: {  	_ =	shalt  }
0x81: {  	_ =	shalt  }
0x82: {  	_ =	shalt  }
0x83: {  	_ =	shalt  }
0x84: {  	_ =	shalt  }
0x85: {  	_ =	shalt  }
0x86: {  	_ =	shalt  }
0x87: {  	_ =	shalt  }
.Lfunc_end0:
.L_simem_size_0:
called_computation_lowered:
.L_overlay_start_0:
0x88: {  	s2 =	sld [smem:$0x3FD9]  }
0x89: {  	s3 =	sld [smem:$0x3FFE];
	_ =	sdelay $0x1  }
0x8a: {  	s1 =	srdreg.scid  }
0x8b: {  	s0 =	sand.u32 $0x1, s1  }
0x8c: {  	s16 =	sshll.u32 s0, $0xA;
	s2 =	sadd.s32 s3, s2  }
0x8d: {  	s2 =	sadd.s32 s2, s16  }
0x8e: {  	[smem:$0x3FC2] =	sst s2  }
0x8f: {  	_ = 	snop  }
0x90: {  	(tm) =	ssettm $0x1  }
0x91: {  	s17 =	sld [smem:$0x3FFB];
	_ =	sdelay $0x3  }
0x92: {  	_ =	strace s17  }
0x93: {  	s2 =	sld [smem:$0x3FFC];
	_ =	sdelay $0x3  }
0x94: {  	_ =	strace s2  }
0x95: {  	s2 =	sld [smem:$0x3FFD];
	_ =	sdelay $0x3  }
0x96: {  	_ =	strace s2  }
0x97: {  	_ =	strace $0x8FFFFFFF  }
0x98: {  	s18 =	sld [smem:$0x3FDB];
	_ =	sdelay $0x1  }
0x99: {  	s19 =	simm.s32 $_scs_section_size  }
0x9a: {  	s4 =	simm.s32 $_size__tile_overlayer_lowered;
	s5 =	simm.s32 $_tile_overlayer_lowered  }
0x9b: {  	s22 =	simm.s32 $0x1BFF;
	s21 =	sshll.u32 s5, $0x1;
	s2 =	sadd.s32 s19, s18  }
0x9c: {  	s6 =	simm.s32 $0x0;
	s20 =	sshll.u32 s4, $0x1;
	s4 =	sadd.s32 s21, s2  }
0x9d: {  	[timem:s6], [sflag:s22] =	dma.local [hbm:s4], s20  }
0x9e: {  	_ =	swait.ge [sflag:s22], s20  }
0x9f: {  	s3 =	ssub.s32 $0x0, s20;
	[sflag:s22] =	ssyncset.done $0x0  }
0xa0: {  	[sflag:s22] =	ssyncadd.s32 s3;
	_ =	sdelay $0x1  }
0xa1: {  	s23 =	simm.s32 $0x1B8B  }
0xa2: {  	_ =	swait.ge [sflag:s23], $0x1  }
0xa3: {  	[sflag:s23] =	ssyncset.done $0x0  }
0xa4: {  	s25 =	simm.s32 $0x1B8E;
	s24 =	sld [smem:$0x3FFE];
	[sflag:s23] =	ssyncadd.s32 $0xFFFFFFFF  }
0xa5: {  	s26 =	simm.s32 $execute0_lowered;
	[smem:$0x3FD2] =	sst s25  }
0xa6: {  	s4 =	sshll.u32 s26, $0x1;
	_ =	strace $0x80000046;
	[dreg:$0x1] =	wrdreg $0xFFFFFFFF  }
0xa7: {  	s28 =	simm.s32 $_size_execute0_lowered;
	s2 =	sadd.s32 s2, s4;
	[dreg:$0x0] =	wrdreg $0x0  }
0xa8: {  	s4 =	sshll.u32 s28, $0x1;
	[dreg:$0x2] =	wrdreg s2  }
0xa9: {  	[dreg:$0x3] =	wrdreg s4  }
0xaa: {  	[dreg:$0x4] =	wrdreg $0xC0  }
0xab: {  	_ =	task [dreg:s6], $0x5FFFF  }
0xac: {  	[dreg:$0x1] =	wrdreg $0xFFFFFFFF  }
0xad: {  	[dreg:$0x0] =	wrdreg $0x60  }
0xae: {  	[dreg:$0x2] =	wrdreg s24  }
0xaf: {  	[dreg:$0x3] =	wrdreg $0x2B000  }
0xb0: {  	[dreg:$0x4] =	wrdreg $0x9  }
0xb1: {  	_ =	task.clear_ibuf [dreg:s6], $0x5FFFF;
	_ =	strace $0x90000046  }
0xb2: {  	s29 =	simm.s32 $0x9;
	_ =	strace $0x80000048  }
0xb3: {  	_ =	swait.ge [sflag:s29], $0x1  }
0xb4: {  	[sflag:s29] =	ssyncadd.s32 $0xFFFFFFFF  }
0xb5: {  	_ =	strace $0x90000048  }
0xb6: {  	_ =	sfence  }
0xb7: {  	s30 =	sld [smem:$0x0];
	_ =	sdelay $0x2  }
0xb8: {  	s31 =	sshll.u32 s1, $0xD;
	s1 =	sshrl.u32 s1, $0x2  }
0xb9: {  	s3 =	sand.u32 $0x4000, s31;
	s1 =	sadd.s32 s1, s30  }
0xba: {  	s0 =	sor.u32 s3, s0;
	s1 =	sshll.u32 s1, $0x11  }
0xbb: {  	s0 =	sor.u32 s1, s0  }
0xbc: {  	s0 =	sadd.s32 $0x8F2B, s0  }
0xbd: {  	[sflag:s0] =	ssyncadd.remote.s32 $0x1  }
0xbe: {  	_ =	sfence.sel $0xFFFF  }
0xbf: {  	[dreg:$0x0] =	wrdreg $0xFFFFFFFF;
	(pc) =	sbr.abs _section_cstart, $3  }
0xc0: {  	[dreg:$0x1] =	wrdreg $0xFFFFFFFF  }
0xc1: {  	_ =	task.clear_ibuf [dreg:s6], $0x2FFFF;
	_ =	strace $0x9FFFFFFF  }
0xc2: {  	(tm) =	ssettm $0x7FFFFFFF  }
0xc3: {  	_ =	shalt  }
tec
execute0_lowered:
.L_overlay_start_1:
0x0: {  	(tag) =	ssettag $0x1  }
0x1: {  	s4 =	rddreg [dreg:$0x0];
	s0 =	srdreg.scid  }
0x2: {  	s2 =	rddreg [dreg:$0x1];
	s1 =	stileid.u32  }
0x3: {  	s3 =	simm.s32 $0x0;
	s10 =	simm.s32 $0x80;
	s11 =	simm.s32 $0x2800  }
0x4: {  	s14 =	simm.s32 $0x20;
	s15 =	simm.s32 $0x10;
	s16 =	simm.s32 $0x0  }
0x5: {  	s5 =	sand.u32 $0x1, s0;
	s0 =	rddreg [dreg:$0x2];
	s7 =	smul.u32 $0x500, s1  }
0x6: {  	[smem:$0x7FF] =	sst s3;
	s30 =	smul.u32 $0xA00, s1;
	s12 =	sshll.u32 s1, $0x6  }
0x7: {  	s6 =	sshll.u32 s5, $0x4;
	s8 =	sshll.u32 s5, $0x7;
	_ =	strace $0x80000047  }
0x8: {  	s5 =	ssub.s32 $0x2, s5;
	s12 =	sor.u32 $0x1C01, s12;
	s6 =	sor.u32 s1, s6  }
0x9: {  	s7 =	sor.u32 s8, s7;
	s31 =	sshrl.u32 s5, $0x1;
	s6 =	smul.u32 $0x500, s6  }
0xa: {  	s8 =	sshrl.u32 s30, $0x2;
	s7 =	sshrl.u32 s7, $0x3;
	s9 =	ssub.s32 s5, s31  }
0xb: {  	s7 =	sadd.s32 s7, s4;
	s6 =	sadd.s32 s6, s4;
	s4 =	sadd.s32 s8, s2  }
0xc: {  	s8 =	simm.s32 $0x2880;
	s5 =	sadd.s32 $0x2800, s6;
	s6 =	sadd.s32 $0xC800, s7  }
0xd: {  	v0 =	vimm.f32 $1.000000000e+00;
	v1 =	vimm.f32 $0.0e+00;
	s7 =	smax.u32 s9, $0x1;
	s9 =	simm.s32 $0x1;
	s13 =	sshrl.u32 s4, $0x3  }
.LBB2_1:
0xe: {  	[tilespmem:$0x2800] =	vst v0  }
0xf: {  	[tilespmem:$0x2810] =	vst v0  }
0x10: {  	[tilespmem:$0x2820] =	vst v0  }
0x11: {  	[tilespmem:$0x2830] =	vst v0  }
0x12: {  	[tilespmem:$0x2840] =	vst v0  }
0x13: {  	[tilespmem:$0x2850] =	vst v0  }
0x14: {  	[tilespmem:$0x2860] =	vst v0  }
0x15: {  	[tilespmem:$0x2870] =	vst v0  }
0x16: {  	[tilespmem:$0x2880] =	vst v1  }
0x17: {  	[tilespmem:$0x2890] =	vst v1  }
0x18: {  	[tilespmem:$0x28A0] =	vst v1  }
0x19: {  	[tilespmem:$0x28B0] =	vst v1  }
0x1a: {  	[tilespmem:$0x28C0] =	vst v1  }
0x1b: {  	[tilespmem:$0x28D0] =	vst v1  }
0x1c: {  	[tilespmem:$0x28E0] =	vst v1  }
0x1d: {  	[tilespmem:$0x28F0] =	vst v1  }
0x1e: {  	[tilespmem:$0x2900] =	vst v1  }
0x1f: {  	[tilespmem:$0x2910] =	vst v1  }
0x20: {  	[tilespmem:$0x2920] =	vst v1  }
0x21: {  	[tilespmem:$0x2930] =	vst v1  }
0x22: {  	[tilespmem:$0x2940] =	vst v1  }
0x23: {  	[tilespmem:$0x2950] =	vst v1  }
0x24: {  	[tilespmem:$0x2960] =	vst v1  }
0x25: {  	[tilespmem:$0x2970] =	vst v1  }
0x26: {  	[tilespmem:$0x2980] =	vst v1  }
0x27: {  	[tilespmem:$0x2990] =	vst v1  }
0x28: {  	[tilespmem:$0x29A0] =	vst v1  }
0x29: {  	[tilespmem:$0x29B0] =	vst v1  }
0x2a: {  	[tilespmem:$0x29C0] =	vst v1  }
0x2b: {  	[tilespmem:$0x29D0] =	vst v1  }
0x2c: {  	[tilespmem:$0x29E0] =	vst v1  }
0x2d: {  	[tilespmem:$0x29F0] =	vst v1  }
0x2e: {  	[tilespmem:$0x2A00] =	vst v1  }
0x2f: {  	[tilespmem:$0x2A10] =	vst v1  }
0x30: {  	[tilespmem:$0x2A20] =	vst v1  }
0x31: {  	[tilespmem:$0x2A30] =	vst v1  }
0x32: {  	[tilespmem:$0x2A40] =	vst v1  }
0x33: {  	[tilespmem:$0x2A50] =	vst v1  }
0x34: {  	[tilespmem:$0x2A60] =	vst v1  }
0x35: {  	[tilespmem:$0x2A70] =	vst v1  }
0x36: {  	[tilespmem:$0x2A80] =	vst v1  }
0x37: {  	[tilespmem:$0x2A90] =	vst v1  }
0x38: {  	[tilespmem:$0x2AA0] =	vst v1  }
0x39: {  	[tilespmem:$0x2AB0] =	vst v1  }
0x3a: {  	[tilespmem:$0x2AC0] =	vst v1  }
0x3b: {  	[tilespmem:$0x2AD0] =	vst v1  }
0x3c: {  	[tilespmem:$0x2AE0] =	vst v1  }
0x3d: {  	[tilespmem:$0x2AF0] =	vst v1  }
0x3e: {  	[spmem:s4] =	stream.linear.scatter [tilespmem:s8], [sflag:$0x1], $0x280, $0x38;
	[tilespmem:$0x2D80] =	vst v63  }
0x3f: {  	_ =	swait.ge [sflag:s9], $0x280  }
0x40: {  	[sflag:s9] =	ssyncset.done $0x0  }
0x41: {  	[sflag:s9] =	ssyncadd.s32 $0xFFFFFD80  }
0x42: {  	[bflag:$0x0] =	sbarrier.arrive $0xFFFF  }
0x43: {  	[tilespmem:s3], [sflag:$0x1] =	stream.linear.gather [hbm4b:s5+s3], $0x2800, $0x38;
	[tilespmem:$0x2D80] =	vst v63  }
0x44: {  	_ =	swait.ge [sflag:s9], $0x2800  }
0x45: {  	[sflag:s9] =	ssyncset.done $0x0  }
0x46: {  	s17 =	simm.s32 $0x0;
	[sflag:s9] =	ssyncadd.s32 $0xFFFFD800  }
0x47: {  	[spmem:s2] =	stream.indirect.scatter.add.f32 [tilespmem:s11], [sflag:$0x1], $0x1, s17, s10, $0xb8;
	[tilespmem:$0x2D80] =	vst v63  }
0x48: {  	_ =	swait.ge [sflag:s9], $0x80  }
0x49: {  	s17 =	simm.s32 $0x200;
	[sflag:s9] =	ssyncset.done $0x0  }
.LBB2_2:
0x4a: {  	s18 =	sshra.s32 s17, $0x2;
	[sflag:s9] =	ssyncadd.s32 $0xFFFFFF80;
	p0 =	sne.s32 s17, $0x9E00  }
0x4b: {  	[spmem:s2] =	stream.indirect.scatter.add.f32 [tilespmem:s11], [sflag:$0x1], $0x1, s18, s10, $0xb8;
	[tilespmem:$0x2D80] =	vst v63  }
.Ltmp0:
0x4c: {  	_ = 	snop;
	(pc) =	sbr.rel @p0 .LBB2_2-.Ltmp0, $4  }
0x4d: {  	_ = 	snop  }
0x4e: {  	s17 =	sadd.s32 $0x200, s17  }
0x4f: {  	_ =	swait.ge [sflag:s9], $0x80  }
0x50: {  	[sflag:s9] =	ssyncset.done $0x0  }
0x51: {  	s16 =	sadd.s32 $0x1, s16  }
0x52: {  	[sflag:s9] =	ssyncadd.s32 $0xFFFFFF80;
	p0 =	sne.s32 s16, s7  }
.Ltmp1:
0x53: {  	[bflag:$0x0] =	sbarrier.arrive $0xFFFF;
	(pc) =	sbr.rel @p0 .LBB2_1-.Ltmp1, $4  }
0x54: {  	[hbm:s6@s14], [sflag:s12] =	dma.strided [spmem:s13@s15], $0x50, s9, $0x10   }
0x55: {  	_ =	swait.ge [sflag:s9], $0x50  }
0x56: {  	[sflag:s9] =	ssyncset.done $0x0  }
0x57: {  	[sflag:s9] =	ssyncadd.s32 $0xFFFFFFB0  }
0x58: {  	_ =	sfence.sel $0x180000  }
0x59: {  	[bflag:$0x0] =	sbarrier.arrive $0xFFFF  }
0x5a: {  	p0 =	sne.s32 s1, $0x0;
	_ =	strace $0x90000047  }
0x5b: {  	s0 =	sadd.s32 @!p0 $0x100000, s0;
	[bflag:$0x2] =	sbarrier.arrive $0xFFFF  }
0x5c: {  	[sflag:s0] =	ssyncadd.tile.s32 @!p0 $0x1;
	_ =	shalt  }
.Lfunc_end2:
_tile_overlayer_lowered:
.L_overlay_start_2:
0x5d: {  	(tag) =	ssettag $0x2  }
0x5e: {  	s0 =	rddreg [dreg:$0x0];
	s2 =	stileid.u32  }
0x5f: {  	s1 =	rddreg [dreg:$0x1];
	p0 =	sne.s32 s2, $0x0  }
0x60: {  	s3 =	rddreg [dreg:$0x2];
	[bflag:$0x3] =	sbarrier.arrive $0xFFFF;
	s2 =	simm.s32 @!p0 $0x1C01  }
0x61: {  	[timem:s3], [sflag:s2] =	dma.local @!p0 [hbm:s0], s1  }
0x62: {  	s0 =	simm.s32 @!p0 $0x1  }
0x63: {  	_ =	swait.ge @!p0 [sflag:s0], s1  }
0x64: {  	s1 =	ssub.s32 @!p0 $0x0, s1;
	[sflag:s0] =	ssyncset.done @!p0 $0x0  }
0x65: {  	[sflag:s0] =	ssyncadd.s32 @!p0 s1  }
0x66: {  	[bflag:$0x3] =	sbarrier.arrive $0xFFFF  }
0x67: {  	_ =	shalt  }

// kernel: kernel.9.cloned.1.call-start
scs
__scs_entry_jumppad:
0x0: {  	(pc) =	sbr.rel $0x88, $3  }
0x1: {  	(tag) =	ssettag $0x0;
	lr =	simm.s32 $0x1  }
0x2: {  	[smem:$0x3F9B] =	sst lr;
	_ =	strace $0xD0000000  }
0x3: {  	_ = 	snop  }
0x4: {  	_ = 	snop  }
0x5: {  	_ = 	snop  }
0x6: {  	_ = 	snop  }
0x7: {  	_ = 	snop  }
__scs_overlays_trampoline_lowered:
0x8: {  	[smem:$0x3FAA] =	sst s0  }
0x9: {  	[smem:$0x3FAB] =	sst s1  }
0xa: {  	[smem:$0x3FAC] =	sst s2  }
0xb: {  	[smem:$0x3FAD] =	sst s3  }
0xc: {  	[smem:$0x3FAE] =	sst s4  }
0xd: {  	[smem:$0x3FAF] =	sst s5  }
0xe: {  	[smem:$0x3FB0] =	sst s6  }
0xf: {  	[smem:$0x3FB1] =	sst s7  }
0x10: {  	[smem:$0x3FB2] =	sst s8  }
0x11: {  	[smem:$0x3FB3] =	sst s9;
	s0 =	simm.s32 @!p0 $0x0  }
0x12: {  	s1 =	sld [smem:$0x3F99];
	s0 =	simm.s32 @p0 $0x1  }
0x13: {  	[smem:$0x3FB4] =	sst s0;
	s0 =	simm.s32 @!p1 $0x0  }
0x14: {  	s2 =	sld [smem:$0x3F98];
	s0 =	simm.s32 @p1 $0x1  }
0x15: {  	[smem:$0x3FB5] =	sst s0;
	s0 =	simm.s32 @!p2 $0x0  }
0x16: {  	s3 =	sld [smem:$0x3FDB];
	s0 =	simm.s32 @p2 $0x1  }
0x17: {  	s4 =	simm.s32 $0x1BF5;
	[smem:$0x3FB7] =	sst s0  }
0x18: {  	s0 =	sld [smem:$0x3F9A];
	_ =	swait.ge [sflag:s4], $0x0  }
0x19: {  	s7 =	sld [smem:$0x3F9B]  }
0x1a: {  	s8 =	sadd.s32 $0xFFFFE003, lr  }
0x1b: {  	s9 =	sadd.s32 $0xFFFFFEF7, lr;
	s5 =	simm.s32 $0xFFFFFFFF;
	p2 =	slt.u32 s8, $0xFFFFF086  }
0x1c: {  	p1 =	slt.u32 s9, $0xF7A;
	s5 =	simm.s32 @!p2 $0x0  }
0x1d: {  	s5 =	simm.s32 @p1 $0x1;
	p0 =	seq.s32 s7, s2  }
0x1e: {  	s7 =	smul.u32 @!p0 $0xF7A, s2;
	p2 =	seq.s32 @!p0 s5, $0x0  }
0x1f: {  	s9 =	smul.u32 $0xF7A, s1;
	s8 =	simm.s32 @!p0 $0x1BF5;
	p2 =	por !p2, p0  }
0x20: {  	[sflag:s8] =	ssyncset.s32 @!p0 $0xFFFFF086;
	s6 =	sadd.s32 @!p0 s3, s7;
	s7 =	simm.s32 @!p0 $0x108  }
0x21: {  	s3 =	sadd.s32 s3, s9;
	s6 =	sadd.s32 @!p0 $0x88, s6;
	s7 =	simm.s32 @p2 $0x1082  }
0x22: {  	[simem:s7], [sflag:s8] =	dma.local @!p0 [hbm:s6], $0xF7A  }
0x23: {  	s9 =	sor.u32 $0xD0000000, s2;
	s6 =	simm.s32 $0x108;
	_ =	swait.ge @!p0 [sflag:s8], $0x0  }
0x24: {  	s3 =	sadd.s32 $0x88, s3;
	s6 =	simm.s32 @!p1 $0x1082;
	[sflag:s4] =	ssyncset.s32 $0xFFFFF086  }
0x25: {  	[simem:s6], [sflag:s4] =	dma.local [hbm:s3], $0xF7A  }
0x26: {  	[smem:$0x3F9B] =	sst s1;
	(tag) =	ssettag s2;
	_ =	strace s9  }
0x27: {  	s1 =	sld [smem:$0x3FAB]  }
0x28: {  	s2 =	sld [smem:$0x3FAC]  }
0x29: {  	s4 =	sld [smem:$0x3FAE]  }
0x2a: {  	p0 =	seq.s32 s5, $0x0;
	s5 =	sld [smem:$0x3FAF]  }
0x2b: {  	s6 =	sld [smem:$0x3FB0]  }
0x2c: {  	s7 =	sld [smem:$0x3FB1]  }
0x2d: {  	s3 =	simm.s32 $0x108;
	s8 =	sld [smem:$0x3FB2]  }
0x2e: {  	s3 =	simm.s32 @!p0 $0x1082;
	s9 =	sld [smem:$0x3FB3]  }
0x2f: {  	lr =	sadd.s32 s0, s3;
	s0 =	sld [smem:$0x3FAA]  }
0x30: {  	s3 =	sld [smem:$0x3FAD]  }
0x31: {  	[smem:$0x3FB6] =	sst s10  }
0x32: {  	s10 =	sld [smem:$0x3FB4];
	_ =	sdelay $0x3  }
0x33: {  	p0 =	seq.s32 s10, $0x1;
	s10 =	sld [smem:$0x3FB6];
	_ =	sdelay $0x3  }
0x34: {  	[smem:$0x3FB6] =	sst s10  }
0x35: {  	s10 =	sld [smem:$0x3FB5];
	_ =	sdelay $0x3  }
0x36: {  	p1 =	seq.s32 s10, $0x1;
	s10 =	sld [smem:$0x3FB6];
	_ =	sdelay $0x3  }
0x37: {  	[smem:$0x3FB6] =	sst s10  }
0x38: {  	s10 =	sld [smem:$0x3FB7]  }
0x39: {  	_ = 	snop;
	(pc) =	sbr.ind lr, $3  }
0x3a: {  	_ = 	snop  }
0x3b: {  	_ = 	snop  }
0x3c: {  	p2 =	seq.s32 s10, $0x1;
	s10 =	sld [smem:$0x3FB6]  }
0x3d: {  	_ =	shalt  }
0x3e: {  	_ =	shalt  }
0x3f: {  	_ =	shalt  }
0x40: {  	_ =	shalt  }
0x41: {  	_ =	shalt  }
0x42: {  	_ =	shalt  }
0x43: {  	_ =	shalt  }
0x44: {  	_ =	shalt  }
0x45: {  	_ =	shalt  }
0x46: {  	_ =	shalt  }
0x47: {  	_ =	shalt  }
0x48: {  	_ =	shalt  }
0x49: {  	_ =	shalt  }
0x4a: {  	_ =	shalt  }
0x4b: {  	_ =	shalt  }
0x4c: {  	_ =	shalt  }
0x4d: {  	_ =	shalt  }
0x4e: {  	_ =	shalt  }
0x4f: {  	_ =	shalt  }
0x50: {  	_ =	shalt  }
0x51: {  	_ =	shalt  }
0x52: {  	_ =	shalt  }
0x53: {  	_ =	shalt  }
0x54: {  	_ =	shalt  }
0x55: {  	_ =	shalt  }
0x56: {  	_ =	shalt  }
0x57: {  	_ =	shalt  }
0x58: {  	_ =	shalt  }
0x59: {  	_ =	shalt  }
0x5a: {  	_ =	shalt  }
0x5b: {  	_ =	shalt  }
0x5c: {  	_ =	shalt  }
0x5d: {  	_ =	shalt  }
0x5e: {  	_ =	shalt  }
0x5f: {  	_ =	shalt  }
0x60: {  	_ =	shalt  }
0x61: {  	_ =	shalt  }
0x62: {  	_ =	shalt  }
0x63: {  	_ =	shalt  }
0x64: {  	_ =	shalt  }
0x65: {  	_ =	shalt  }
0x66: {  	_ =	shalt  }
0x67: {  	_ =	shalt  }
0x68: {  	_ =	shalt  }
0x69: {  	_ =	shalt  }
0x6a: {  	_ =	shalt  }
0x6b: {  	_ =	shalt  }
0x6c: {  	_ =	shalt  }
0x6d: {  	_ =	shalt  }
0x6e: {  	_ =	shalt  }
0x6f: {  	_ =	shalt  }
0x70: {  	_ =	shalt  }
0x71: {  	_ =	shalt  }
0x72: {  	_ =	shalt  }
0x73: {  	_ =	shalt  }
0x74: {  	_ =	shalt  }
0x75: {  	_ =	shalt  }
0x76: {  	_ =	shalt  }
0x77: {  	_ =	shalt  }
0x78: {  	_ =	shalt  }
0x79: {  	_ =	shalt  }
0x7a: {  	_ =	shalt  }
0x7b: {  	_ =	shalt  }
0x7c: {  	_ =	shalt  }
0x7d: {  	_ =	shalt  }
0x7e: {  	_ =	shalt  }
0x7f: {  	_ =	shalt  }
0x80: {  	_ =	shalt  }
0x81: {  	_ =	shalt  }
0x82: {  	_ =	shalt  }
0x83: {  	_ =	shalt  }
0x84: {  	_ =	shalt  }
0x85: {  	_ =	shalt  }
0x86: {  	_ =	shalt  }
0x87: {  	_ =	shalt  }
.Lfunc_end0:
.L_simem_size_0:
called_computation.1_lowered:
.L_overlay_start_0:
0x88: {  	s2 =	sld [smem:$0x3FD9]  }
0x89: {  	s3 =	sld [smem:$0x3FFE];
	_ =	sdelay $0x1  }
0x8a: {  	s1 =	srdreg.scid  }
0x8b: {  	s0 =	sand.u32 $0x1, s1  }
0x8c: {  	s17 =	sshll.u32 s0, $0xA;
	s2 =	sadd.s32 s3, s2  }
0x8d: {  	s2 =	sadd.s32 s2, s17  }
0x8e: {  	[smem:$0x3FC2] =	sst s2  }
0x8f: {  	_ = 	snop  }
0x90: {  	s2 =	sld [smem:$0x3FD0];
	(tm) =	ssettm $0x1  }
0x91: {  	s18 =	sld [smem:$0x3FFB];
	_ =	sdelay $0x3  }
0x92: {  	_ =	strace s18  }
0x93: {  	s3 =	sld [smem:$0x3FFC];
	_ =	sdelay $0x3  }
0x94: {  	_ =	strace s3  }
0x95: {  	s3 =	sld [smem:$0x3FFD];
	_ =	sdelay $0x3  }
0x96: {  	_ =	strace s3  }
0x97: {  	_ =	strace $0x8FFFFFFF  }
0x98: {  	s19 =	sld [smem:$0x3FDB];
	_ =	sdelay $0x1  }
0x99: {  	s4 =	simm.s32 $_scs_section_size  }
0x9a: {  	s5 =	simm.s32 $_size__tile_overlayer_lowered;
	s6 =	simm.s32 $_tile_overlayer_lowered  }
0x9b: {  	s22 =	simm.s32 $0x1BFF;
	s21 =	sshll.u32 s6, $0x1;
	s3 =	sadd.s32 s4, s19  }
0x9c: {  	s7 =	simm.s32 $0x0;
	s20 =	sshll.u32 s5, $0x1;
	s5 =	sadd.s32 s21, s3  }
0x9d: {  	[timem:s7], [sflag:s22] =	dma.local [hbm:s5], s20  }
0x9e: {  	_ =	swait.ge [sflag:s22], s20  }
0x9f: {  	s4 =	ssub.s32 $0x0, s20;
	[sflag:s22] =	ssyncset.done $0x0  }
0xa0: {  	[sflag:s22] =	ssyncadd.s32 s4;
	_ =	sdelay $0x1  }
0xa1: {  	s23 =	simm.s32 $0x1B8B  }
0xa2: {  	_ =	swait.ge [sflag:s23], $0x1  }
0xa3: {  	[sflag:s23] =	ssyncset.done $0x0  }
0xa4: {  	s25 =	simm.s32 $0x1B8E;
	s24 =	sld [smem:$0x3FFE];
	[sflag:s23] =	ssyncadd.s32 $0xFFFFFFFF  }
0xa5: {  	s26 =	simm.s32 $execute0_lowered;
	[smem:$0x3FD2] =	sst s25  }
0xa6: {  	s5 =	sshll.u32 s26, $0x1;
	_ =	strace $0x80000049;
	[dreg:$0x1] =	wrdreg $0xFFFFFFFF  }
0xa7: {  	s28 =	simm.s32 $_size_execute0_lowered;
	s3 =	sadd.s32 s3, s5;
	[dreg:$0x0] =	wrdreg $0x0  }
0xa8: {  	s5 =	sshll.u32 s28, $0x1;
	[dreg:$0x2] =	wrdreg s3  }
0xa9: {  	[dreg:$0x3] =	wrdreg s5  }
0xaa: {  	[dreg:$0x4] =	wrdreg $0xC0  }
0xab: {  	_ =	task [dreg:s7], $0x5FFFF  }
0xac: {  	[dreg:$0x1] =	wrdreg $0xFFFFFFFF  }
0xad: {  	[dreg:$0x0] =	wrdreg $0x60  }
0xae: {  	[dreg:$0x2] =	wrdreg s24  }
0xaf: {  	[dreg:$0x3] =	wrdreg s2  }
0xb0: {  	[dreg:$0x4] =	wrdreg $0x90000  }
0xb1: {  	[dreg:$0x5] =	wrdreg $0x9  }
0xb2: {  	_ =	task.clear_ibuf [dreg:s7], $0x6FFFF;
	_ =	strace $0x90000049  }
0xb3: {  	s29 =	simm.s32 $0x9;
	_ =	strace $0x8000004B  }
0xb4: {  	_ =	swait.ge [sflag:s29], $0x1  }
0xb5: {  	[sflag:s29] =	ssyncadd.s32 $0xFFFFFFFF  }
0xb6: {  	_ =	strace $0x9000004B  }
0xb7: {  	_ =	sfence  }
0xb8: {  	s30 =	sld [smem:$0x0];
	_ =	sdelay $0x2  }
0xb9: {  	s31 =	sshll.u32 s1, $0xD;
	s1 =	sshrl.u32 s1, $0x2  }
0xba: {  	s3 =	sand.u32 $0x4000, s31;
	s1 =	sadd.s32 s1, s30  }
0xbb: {  	s0 =	sor.u32 s3, s0;
	s1 =	sshll.u32 s1, $0x11  }
0xbc: {  	s0 =	sor.u32 s1, s0  }
0xbd: {  	s0 =	sadd.s32 $0x8F2B, s0  }
0xbe: {  	[sflag:s0] =	ssyncadd.remote.s32 $0x1  }
0xbf: {  	_ =	sfence.sel $0xFFFF  }
0xc0: {  	[dreg:$0x0] =	wrdreg $0xFFFFFFFF;
	(pc) =	sbr.abs _section_cstart, $3  }
0xc1: {  	[dreg:$0x1] =	wrdreg $0xFFFFFFFF  }
0xc2: {  	_ =	task.clear_ibuf [dreg:s7], $0x2FFFF;
	_ =	strace $0x9FFFFFFF  }
0xc3: {  	(tm) =	ssettm $0x7FFFFFFF  }
tec
execute0_lowered:
.L_overlay_start_1:
0x0: {  	(tag) =	ssettag $0x1  }
0x1: {  	s0 =	rddreg [dreg:$0x0];
	s1 =	srdreg.scid  }
0x2: {  	s5 =	rddreg [dreg:$0x1];
	s13 =	stileid.u32  }
0x3: {  	s2 =	rddreg [dreg:$0x2];
	s3 =	simm.s32 $0x0;
	s14 =	simm.s32 $0x80  }
0x4: {  	s15 =	simm.s32 $0x1000;
	s16 =	simm.s32 $0x1;
	s17 =	simm.s32 $0x5000  }
0x5: {  	s18 =	simm.s32 $0x2;
	s21 =	simm.s32 $0x400;
	s6 =	smul.u32 $0x4800, s13  }
0x6: {  	s31 =	simm.s32 $0x580;
	s19 =	simm.s32 $0xF80;
	s7 =	smul.u32 $0x14000, s13  }
0x7: {  	s1 =	sand.u32 $0x1, s1;
	[smem:$0x7FF] =	sst s3;
	s10 =	smul.u32 $0x50000, s13  }
0x8: {  	s24 =	sshll.u32 s13, $0x6;
	s13 =	simm.s32 $0x800;
	s4 =	smul.u32 $0x48000, s1  }
0x9: {  	s8 =	smul.u32 $0x140000, s1;
	_ =	strace $0x8000004A;
	s9 =	ssub.s32 $0x2, s1  }
0xa: {  	s29 =	sor.u32 $0x1C03, s24;
	p0 =	sne.s32 s1, $0x0;
	s24 =	simm.s32 $0xC00  }
0xb: {  	s1 =	simm.s32 $0xD00;
	s12 =	sshrl.u32 s9, $0x1;
	s23 =	sshrl.u32 s10, $0x2  }
0xc: {  	[dreg:$0x5] =	wrdreg s29;
	s10 =	simm.s32 $0xE80;
	s6 =	sadd.s32 s6, s4  }
0xd: {  	s4 =	sadd.s32 $0x2800, s0;
	s8 =	sadd.s32 s7, s8;
	s22 =	ssub.s32 s9, s12  }
0xe: {  	s9 =	sadd.s32 s23, s2;
	s7 =	sshrl.u32 s7, $0x3;
	s12 =	simm.s32 $0x3  }
0xf: {  	s23 =	simm.s32 $0x480;
	s6 =	sshrl.u32 s6, $0x3;
	s8 =	sshrl.u32 s8, $0x3  }
0x10: {  	s7 =	sadd.s32 s4, s7;
	s25 =	smax.u32 s22, $0x1;
	s30 =	sshrl.u32 s9, $0x3  }
0x11: {  	s22 =	simm.s32 $0xB80;
	s9 =	simm.s32 $0x700;
	[dreg:$0x4] =	wrdreg s7  }
0x12: {  	s11 =	sadd.s32 s6, s0;
	s0 =	sadd.s32 s8, s0;
	[dreg:$0x7] =	wrdreg s25  }
0x13: {  	s26 =	sadd.s32 s6, s5;
	[dreg:$0xa] =	wrdreg s30;
	s25 =	simm.s32 $0x500  }
0x14: {  	s5 =	simm.s32 $0xD80;
	s7 =	simm.s32 $0x680;
	s8 =	simm.s32 $0xE00  }
0x15: {  	s6 =	simm.s32 $0x780;
	s0 =	sadd.s32 $0x6F200, s0;
	[dreg:$0x8] =	wrdreg s26  }
0x16: {  	s28 =	sadd.s32 $0x35200, s11;
	s26 =	simm.s32 $0xC80;
	[dreg:$0x6] =	wrdreg s0  }
0x17: {  	s11 =	simm.s32 $0xF00;
	[dreg:$0x9] =	wrdreg s28;
	s0 =	simm.s32 $0x0  }
.LBB2_1:
0x18: {  	[dreg:$0xb] =	wrdreg s0  }
0x19: {  	s28 =	rddreg [dreg:$0x4]  }
0x1a: {  	[spmem:s30], [sflag:s29] =	dma.local [hbm:s28], $0x2800  }
0x1b: {  	_ =	swait.ge [sflag:s12], $0x2800  }
0x1c: {  	[sflag:s12] =	ssyncset.done $0x0  }
0x1d: {  	[sflag:s12] =	ssyncadd.s32 $0xFFFFD800  }
0x1e: {  	[bflag:$0x0] =	sbarrier.arrive $0xFFFF  }
0x1f: {  	s28 =	rddreg [dreg:$0x9]  }
0x20: {  	s0 =	simm.s32 $0x600;
	s30 =	simm.s32 $0x0;
	s29 =	rddreg [dreg:$0x8]  }
.LBB2_2:
0x21: {  	[tilespmem:s3], [sflag:$0x3] =	stream.linear.gather [hbm4b:s28+s3], $0x800, $0x38;
	[tilespmem:$0x1D000] =	vst v63  }
0x22: {  	_ =	swait.ge [sflag:s12], $0x800  }
0x23: {  	[sflag:s12] =	ssyncset.done $0x0  }
0x24: {  	[sflag:s12] =	ssyncadd.s32 $0xFFFFF800  }
0x25: {  	[tilespmem:s13], [sflag:$0x3] =	stream.linear.gather [hbm4b:s29+s3], $0x800, $0x38;
	[tilespmem:$0x1D000] =	vst v63  }
0x26: {  	_ =	swait.ge [sflag:s12], $0x800  }
0x27: {  	[sflag:s12] =	ssyncset.done $0x0  }
0x28: {  	[sflag:s12] =	ssyncadd.s32 $0xFFFFF800  }
0x29: {  	[tilespmem:s15], [sflag:$0x1] =	stream.indirect.gather [hbm4b:s4+s14], $0x80, s3, s14, $0xb8;
	[tilespmem:$0x1D000] =	vst v63  }
0x2a: {  	_ =	swait.ge [sflag:s16], $0x4000  }
0x2b: {  	[sflag:s16] =	ssyncset.done $0x0  }
0x2c: {  	[sflag:s16] =	ssyncadd.s32 $0xFFFFC000  }
0x2d: {  	[tilespmem:s17], [sflag:$0x2] =	stream.indirect.gather [hbm4b:s4+s14], $0x80, s14, s14, $0xb8;
	[tilespmem:$0x1D000] =	vst v63  }
0x2e: {  	_ = 	snop  }
0x2f: {  	[spmem:s2] =	stream.indirect.scatter.add.f32 [tilespmem:s15], [sflag:$0x3], $0x80, s13, s14, $0xb8;
	[tilespmem:$0x1D000] =	vst v63  }
0x30: {  	_ =	swait.ge [sflag:s12], $0x4000  }
0x31: {  	[sflag:s12] =	ssyncset.done $0x0  }
0x32: {  	[sflag:s12] =	ssyncadd.s32 $0xFFFFC000  }
0x33: {  	_ =	swait.ge [sflag:s18], $0x4000  }
0x34: {  	[sflag:s18] =	ssyncset.done $0x0  }
0x35: {  	s20 =	simm.s32 $0x100;
	[sflag:s18] =	ssyncadd.s32 $0xFFFFC000  }
0x36: {  	[tilespmem:s15], [sflag:$0x1] =	stream.indirect.gather [hbm4b:s4+s14], $0x80, s20, s14, $0xb8;
	[tilespmem:$0x1D000] =	vst v63  }
0x37: {  	s20 =	simm.s32 $0x880  }
0x38: {  	[spmem:s2] =	stream.indirect.scatter.add.f32 [tilespmem:s17], [sflag:$0x3], $0x80, s20, s14, $0xb8;
	[tilespmem:$0x1D000] =	vst v63  }
0x39: {  	_ =	swait.ge [sflag:s12], $0x4000  }
0x3a: {  	[sflag:s12] =	ssyncset.done $0x0  }
0x3b: {  	[sflag:s12] =	ssyncadd.s32 $0xFFFFC000  }
0x3c: {  	_ =	swait.ge [sflag:s16], $0x4000  }
0x3d: {  	[sflag:s16] =	ssyncset.done $0x0  }
0x3e: {  	s20 =	simm.s32 $0x180;
	[sflag:s16] =	ssyncadd.s32 $0xFFFFC000  }
0x3f: {  	[tilespmem:s17], [sflag:$0x2] =	stream.indirect.gather [hbm4b:s4+s14], $0x80, s20, s14, $0xb8;
	[tilespmem:$0x1D000] =	vst v63  }
0x40: {  	s20 =	simm.s32 $0x900  }
0x41: {  	[spmem:s2] =	stream.indirect.scatter.add.f32 [tilespmem:s15], [sflag:$0x3], $0x80, s20, s14, $0xb8;
	[tilespmem:$0x1D000] =	vst v63  }
0x42: {  	_ =	swait.ge [sflag:s12], $0x4000  }
0x43: {  	[sflag:s12] =	ssyncset.done $0x0  }
0x44: {  	[sflag:s12] =	ssyncadd.s32 $0xFFFFC000  }
0x45: {  	_ =	swait.ge [sflag:s18], $0x4000  }
0x46: {  	[sflag:s18] =	ssyncset.done $0x0  }
0x47: {  	s20 =	simm.s32 $0x200;
	[sflag:s18] =	ssyncadd.s32 $0xFFFFC000  }
0x48: {  	[tilespmem:s15], [sflag:$0x1] =	stream.indirect.gather [hbm4b:s4+s14], $0x80, s20, s14, $0xb8;
	[tilespmem:$0x1D000] =	vst v63  }
0x49: {  	s20 =	simm.s32 $0x980  }
0x4a: {  	[spmem:s2] =	stream.indirect.scatter.add.f32 [tilespmem:s17], [sflag:$0x3], $0x80, s20, s14, $0xb8;
	[tilespmem:$0x1D000] =	vst v63  }
0x4b: {  	_ =	swait.ge [sflag:s12], $0x4000  }
0x4c: {  	[sflag:s12] =	ssyncset.done $0x0  }
0x4d: {  	[sflag:s12] =	ssyncadd.s32 $0xFFFFC000  }
0x4e: {  	_ =	swait.ge [sflag:s16], $0x4000  }
0x4f: {  	[sflag:s16] =	ssyncset.done $0x0  }
0x50: {  	s20 =	simm.s32 $0x280;
	[sflag:s16] =	ssyncadd.s32 $0xFFFFC000  }
0x51: {  	[tilespmem:s17], [sflag:$0x2] =	stream.indirect.gather [hbm4b:s4+s14], $0x80, s20, s14, $0xb8;
	[tilespmem:$0x1D000] =	vst v63  }
0x52: {  	s20 =	simm.s32 $0xA00  }
0x53: {  	[spmem:s2] =	stream.indirect.scatter.add.f32 [tilespmem:s15], [sflag:$0x3], $0x80, s20, s14, $0xb8;
	[tilespmem:$0x1D000] =	vst v63  }
0x54: {  	_ =	swait.ge [sflag:s12], $0x4000  }
0x55: {  	[sflag:s12] =	ssyncset.done $0x0  }
0x56: {  	[sflag:s12] =	ssyncadd.s32 $0xFFFFC000  }
0x57: {  	_ =	swait.ge [sflag:s18], $0x4000  }
0x58: {  	[sflag:s18] =	ssyncset.done $0x0  }
0x59: {  	s20 =	simm.s32 $0x300;
	[sflag:s18] =	ssyncadd.s32 $0xFFFFC000  }
0x5a: {  	[tilespmem:s15], [sflag:$0x1] =	stream.indirect.gather [hbm4b:s4+s14], $0x80, s20, s14, $0xb8;
	[tilespmem:$0x1D000] =	vst v63  }
0x5b: {  	s20 =	simm.s32 $0xA80  }
0x5c: {  	[spmem:s2] =	stream.indirect.scatter.add.f32 [tilespmem:s17], [sflag:$0x3], $0x80, s20, s14, $0xb8;
	[tilespmem:$0x1D000] =	vst v63  }
0x5d: {  	_ =	swait.ge [sflag:s12], $0x4000  }
0x5e: {  	[sflag:s12] =	ssyncset.done $0x0  }
0x5f: {  	[sflag:s12] =	ssyncadd.s32 $0xFFFFC000  }
0x60: {  	_ =	swait.ge [sflag:s16], $0x4000  }
0x61: {  	[sflag:s16] =	ssyncset.done $0x0  }
0x62: {  	s20 =	simm.s32 $0x380;
	[sflag:s16] =	ssyncadd.s32 $0xFFFFC000  }
0x63: {  	[tilespmem:s17], [sflag:$0x2] =	stream.indirect.gather [hbm4b:s4+s14], $0x80, s20, s14, $0xb8;
	[tilespmem:$0x1D000] =	vst v63  }
0x64: {  	s20 =	simm.s32 $0xB00  }
0x65: {  	[spmem:s2] =	stream.indirect.scatter.add.f32 [tilespmem:s15], [sflag:$0x3], $0x80, s20, s14, $0xb8;
	[tilespmem:$0x1D000] =	vst v63  }
0x66: {  	_ =	swait.ge [sflag:s12], $0x4000  }
0x67: {  	[sflag:s12] =	ssyncset.done $0x0  }
0x68: {  	[sflag:s12] =	ssyncadd.s32 $0xFFFFC000  }
0x69: {  	_ =	swait.ge [sflag:s18], $0x4000  }
0x6a: {  	[sflag:s18] =	ssyncset.done $0x0  }
0x6b: {  	[sflag:s18] =	ssyncadd.s32 $0xFFFFC000  }
0x6c: {  	[tilespmem:s15], [sflag:$0x1] =	stream.indirect.gather [hbm4b:s4+s14], $0x80, s21, s14, $0xb8;
	[tilespmem:$0x1D000] =	vst v63  }
0x6d: {  	_ = 	snop  }
0x6e: {  	[spmem:s2] =	stream.indirect.scatter.add.f32 [tilespmem:s17], [sflag:$0x3], $0x80, s22, s14, $0xb8;
	[tilespmem:$0x1D000] =	vst v63  }
0x6f: {  	_ =	swait.ge [sflag:s12], $0x4000  }
0x70: {  	[sflag:s12] =	ssyncset.done $0x0  }
0x71: {  	[sflag:s12] =	ssyncadd.s32 $0xFFFFC000  }
0x72: {  	_ =	swait.ge [sflag:s16], $0x4000  }
0x73: {  	[sflag:s16] =	ssyncset.done $0x0  }
0x74: {  	[sflag:s16] =	ssyncadd.s32 $0xFFFFC000  }
0x75: {  	[tilespmem:s17], [sflag:$0x2] =	stream.indirect.gather [hbm4b:s4+s14], $0x80, s23, s14, $0xb8;
	[tilespmem:$0x1D000] =	vst v63  }
0x76: {  	_ = 	snop  }
0x77: {  	[spmem:s2] =	stream.indirect.scatter.add.f32 [tilespmem:s15], [sflag:$0x3], $0x80, s24, s14, $0xb8;
	[tilespmem:$0x1D000] =	vst v63  }
0x78: {  	_ =	swait.ge [sflag:s12], $0x4000  }
0x79: {  	[sflag:s12] =	ssyncset.done $0x0  }
0x7a: {  	[sflag:s12] =	ssyncadd.s32 $0xFFFFC000  }
0x7b: {  	_ =	swait.ge [sflag:s18], $0x4000  }
0x7c: {  	[sflag:s18] =	ssyncset.done $0x0  }
0x7d: {  	[sflag:s18] =	ssyncadd.s32 $0xFFFFC000  }
0x7e: {  	[tilespmem:s15], [sflag:$0x1] =	stream.indirect.gather [hbm4b:s4+s14], $0x80, s25, s14, $0xb8;
	[tilespmem:$0x1D000] =	vst v63  }
0x7f: {  	_ = 	snop  }
0x80: {  	[spmem:s2] =	stream.indirect.scatter.add.f32 [tilespmem:s17], [sflag:$0x3], $0x80, s26, s14, $0xb8;
	[tilespmem:$0x1D000] =	vst v63  }
0x81: {  	_ =	swait.ge [sflag:s12], $0x4000  }
0x82: {  	[sflag:s12] =	ssyncset.done $0x0  }
0x83: {  	[sflag:s12] =	ssyncadd.s32 $0xFFFFC000  }
0x84: {  	_ =	swait.ge [sflag:s16], $0x4000  }
0x85: {  	[sflag:s16] =	ssyncset.done $0x0  }
0x86: {  	[sflag:s16] =	ssyncadd.s32 $0xFFFFC000  }
0x87: {  	[tilespmem:s17], [sflag:$0x2] =	stream.indirect.gather [hbm4b:s4+s14], $0x80, s31, s14, $0xb8;
	[tilespmem:$0x1D000] =	vst v63  }
0x88: {  	_ = 	snop  }
0x89: {  	[spmem:s2] =	stream.indirect.scatter.add.f32 [tilespmem:s15], [sflag:$0x3], $0x80, s1, s14, $0xb8;
	[tilespmem:$0x1D000] =	vst v63  }
0x8a: {  	_ =	swait.ge [sflag:s12], $0x4000  }
0x8b: {  	[sflag:s12] =	ssyncset.done $0x0  }
0x8c: {  	[sflag:s12] =	ssyncadd.s32 $0xFFFFC000  }
0x8d: {  	_ =	swait.ge [sflag:s18], $0x4000  }
0x8e: {  	[sflag:s18] =	ssyncset.done $0x0  }
0x8f: {  	[sflag:s18] =	ssyncadd.s32 $0xFFFFC000  }
0x90: {  	[tilespmem:s15], [sflag:$0x1] =	stream.indirect.gather [hbm4b:s4+s14], $0x80, s0, s14, $0xb8;
	[tilespmem:$0x1D000] =	vst v63  }
0x91: {  	_ = 	snop  }
0x92: {  	[spmem:s2] =	stream.indirect.scatter.add.f32 [tilespmem:s17], [sflag:$0x3], $0x80, s5, s14, $0xb8;
	[tilespmem:$0x1D000] =	vst v63  }
0x93: {  	_ =	swait.ge [sflag:s12], $0x4000  }
0x94: {  	[sflag:s12] =	ssyncset.done $0x0  }
0x95: {  	[sflag:s12] =	ssyncadd.s32 $0xFFFFC000  }
0x96: {  	_ =	swait.ge [sflag:s16], $0x4000  }
0x97: {  	[sflag:s16] =	ssyncset.done $0x0  }
0x98: {  	[sflag:s16] =	ssyncadd.s32 $0xFFFFC000  }
0x99: {  	[tilespmem:s17], [sflag:$0x2] =	stream.indirect.gather [hbm4b:s4+s14], $0x80, s7, s14, $0xb8;
	[tilespmem:$0x1D000] =	vst v63  }
0x9a: {  	_ = 	snop  }
0x9b: {  	[spmem:s2] =	stream.indirect.scatter.add.f32 [tilespmem:s15], [sflag:$0x3], $0x80, s8, s14, $0xb8;
	[tilespmem:$0x1D000] =	vst v63  }
0x9c: {  	_ =	swait.ge [sflag:s12], $0x4000  }
0x9d: {  	[sflag:s12] =	ssyncset.done $0x0  }
0x9e: {  	[sflag:s12] =	ssyncadd.s32 $0xFFFFC000  }
0x9f: {  	_ =	swait.ge [sflag:s18], $0x4000  }
0xa0: {  	[sflag:s18] =	ssyncset.done $0x0  }
0xa1: {  	[sflag:s18] =	ssyncadd.s32 $0xFFFFC000  }
0xa2: {  	[tilespmem:s15], [sflag:$0x1] =	stream.indirect.gather [hbm4b:s4+s14], $0x80, s9, s14, $0xb8;
	[tilespmem:$0x1D000] =	vst v63  }
0xa3: {  	_ = 	snop  }
0xa4: {  	[spmem:s2] =	stream.indirect.scatter.add.f32 [tilespmem:s17], [sflag:$0x3], $0x80, s10, s14, $0xb8;
	[tilespmem:$0x1D000] =	vst v63  }
0xa5: {  	_ =	swait.ge [sflag:s12], $0x4000  }
0xa6: {  	[sflag:s12] =	ssyncset.done $0x0  }
0xa7: {  	[sflag:s12] =	ssyncadd.s32 $0xFFFFC000  }
0xa8: {  	_ =	swait.ge [sflag:s16], $0x4000  }
0xa9: {  	[sflag:s16] =	ssyncset.done $0x0  }
0xaa: {  	[sflag:s16] =	ssyncadd.s32 $0xFFFFC000  }
0xab: {  	[tilespmem:s17], [sflag:$0x2] =	stream.indirect.gather [hbm4b:s4+s14], $0x80, s6, s14, $0xb8;
	[tilespmem:$0x1D000] =	vst v63  }
0xac: {  	_ = 	snop  }
0xad: {  	[spmem:s2] =	stream.indirect.scatter.add.f32 [tilespmem:s15], [sflag:$0x3], $0x80, s11, s14, $0xb8;
	[tilespmem:$0x1D000] =	vst v63  }
0xae: {  	_ =	swait.ge [sflag:s12], $0x4000  }
0xaf: {  	[sflag:s12] =	ssyncset.done $0x0  }
0xb0: {  	[sflag:s12] =	ssyncadd.s32 $0xFFFFC000  }
0xb1: {  	p1 =	slt.u32 @!p0 s30, $0x8;
	_ =	swait.ge [sflag:s18], $0x4000  }
0xb2: {  	p1 =	por p0, !p1;
	[sflag:s18] =	ssyncset.done $0x0  }
.Ltmp0:
0xb3: {  	[sflag:s18] =	ssyncadd.s32 $0xFFFFC000;
	(pc) =	sbr.rel @!p1 .LBB2_2-.Ltmp0, $4  }
0xb4: {  	[spmem:s2] =	stream.indirect.scatter.add.f32 [tilespmem:s17], [sflag:$0x3], $0x80, s19, s14, $0xb8;
	[tilespmem:$0x1D000] =	vst v63  }
0xb5: {  	_ =	swait.ge [sflag:s12], $0x4000  }
0xb6: {  	s30 =	sadd.s32 $0x1, s30;
	[sflag:s12] =	ssyncset.done $0x0  }
0xb7: {  	s28 =	sadd.s32 $0x100, s28;
	s29 =	sadd.s32 $0x100, s29;
	[sflag:s12] =	ssyncadd.s32 $0xFFFFC000  }
0xb8: {  	[bflag:$0x0] =	sbarrier.arrive $0xFFFF  }
0xb9: {  	s29 =	rddreg [dreg:$0x5]  }
0xba: {  	s28 =	rddreg [dreg:$0x6]  }
0xbb: {  	s30 =	rddreg [dreg:$0xa]  }
0xbc: {  	[hbm:s28], [sflag:s29] =	dma.local [spmem:s30], $0x2800  }
0xbd: {  	_ =	swait.ge [sflag:s12], $0x2800  }
0xbe: {  	s0 =	rddreg [dreg:$0xb]  }
0xbf: {  	s20 =	rddreg [dreg:$0x7];
	s0 =	sadd.s32 $0x1, s0  }
0xc0: {  	p1 =	sne.s32 s0, s20  }
.Ltmp1:
0xc1: {  	_ = 	snop;
	(pc) =	sbr.rel @p1 .LBB2_1-.Ltmp1, $3  }
0xc2: {  	_ =	sdelay $0x1  }
0xc3: {  	[sflag:s12] =	ssyncset.done $0x0  }
0xc4: {  	[sflag:s12] =	ssyncadd.s32 $0xFFFFD800  }
0xc5: {  	_ =	sfence.sel $0x180000  }
0xc6: {  	[bflag:$0x0] =	sbarrier.arrive $0xFFFF  }
0xc7: {  	_ =	strace $0x9000004A  }
0xc8: {  	s0 =	stileid.u32;
	[bflag:$0x2] =	sbarrier.arrive $0xFFFF  }
0xc9: {  	p0 =	sne.s32 s0, $0x0;
	s0 =	rddreg [dreg:$0x3]  }
0xca: {  	s0 =	sadd.s32 @!p0 $0x100000, s0  }
0xcb: {  	[sflag:s0] =	ssyncadd.tile.s32 @!p0 $0x1;
	_ =	shalt  }
.Lfunc_end2:
_tile_overlayer_lowered:
.L_overlay_start_2:
0xcc: {  	(tag) =	ssettag $0x2  }
0xcd: {  	s0 =	rddreg [dreg:$0x0];
	s2 =	stileid.u32  }
0xce: {  	s1 =	rddreg [dreg:$0x1];
	p0 =	sne.s32 s2, $0x0  }
0xcf: {  	s3 =	rddreg [dreg:$0x2];
	[bflag:$0x3] =	sbarrier.arrive $0xFFFF;
	s2 =	simm.s32 @!p0 $0x1C03  }
0xd0: {  	[timem:s3], [sflag:s2] =	dma.local @!p0 [hbm:s0], s1  }
0xd1: {  	s0 =	simm.s32 @!p0 $0x3  }
0xd2: {  	_ =	swait.ge @!p0 [sflag:s0], s1  }
0xd3: {  	s1 =	ssub.s32 @!p0 $0x0, s1;
	[sflag:s0] =	ssyncset.done @!p0 $0x0  }
0xd4: {  	[sflag:s0] =	ssyncadd.s32 @!p0 s1  }
0xd5: {  	[bflag:$0x3] =	sbarrier.arrive $0xFFFF  }
0xd6: {  	_ =	shalt  }

</sc_bundles>
